<compile_context>
chip_gen: v7x
topology: tpu7x:2x2x1
jax: 0.10.2.dev20260603
libtpu: 0.0.44.dev20260713+nightly
codegen_flags: <defaults>
</compile_context>

<pallas_src>
import functools

import jax
import jax.numpy as jnp
from jax import lax
from jax.experimental import pallas as pl
from jax.experimental.pallas import tpu as pltpu
from jax.experimental.pallas import tpu_sc as plsc

B = 16384
L = 50
V = 100000
D = 128
H = 1024

LP = 64
NC, NS = 2, 16
NW = NC * NS
NT = 2 * B
TW = NT // NW
RND = 2
NROUND = TW // RND
GL = RND * L

_EPS_BN = 1e-5

_CHUNK_OFFS = (0, 16, 32, L - 16)


def _sc_pool_body(idx_hbm, table_hbm, out_hbm, idxbuf,
                  rm0, rm1, rows0, rows1, ob0, ob1,
                  sg0, sg1, so0, so1):
    wid = lax.axis_index("s") * NC + lax.axis_index("c")
    t0 = wid * TW
    pltpu.sync_copy(idx_hbm.at[pl.ds(t0 * LP, TW * LP)], idxbuf)

    def remap(r, rm):
        base = r * (RND * LP)
        for t in range(RND):
            for off in _CHUNK_OFFS:
                iv = idxbuf[pl.ds(base + t * LP + off, 16)]
                rm[pl.ds(t * L + off, 16)] = jnp.where(iv != 0, iv, V)

    def sum_store(r, rows, ob, sem):
        for t in range(RND):
            accs = tuple(jnp.zeros((16,), jnp.float32) for _ in range(D // 16))

            def sum_body(j, accs, _t=t):
                out = list(accs)
                for u in range(5):
                    row = _t * L + j * 5 + u
                    for cc in range(D // 16):
                        out[cc] = out[cc] + rows[row, pl.ds(cc * 16, 16)]
                return tuple(out)

            accs = lax.fori_loop(0, L // 5, sum_body, accs)
            for cc in range(D // 16):
                ob[t, pl.ds(cc * 16, 16)] = accs[cc]
        pltpu.async_copy(ob, out_hbm.at[pl.ds(t0 + r * RND, RND)], sem)

    remap(0, rm0)
    pltpu.async_copy(table_hbm.at[rm0], rows0, sg0)

    def iter_body(rr, carry):
        r0 = rr * 2
        r1 = r0 + 1
        remap(r1, rm1)
        pltpu.async_copy(table_hbm.at[rm1], rows1, sg1)
        pltpu.make_async_copy(table_hbm.at[rm0], rows0, sg0).wait()

        @pl.when(rr > 0)
        def _():
            pltpu.make_async_copy(ob0, out_hbm.at[pl.ds(t0, RND)], so0).wait()

        sum_store(r0, rows0, ob0, so0)
        rn = jnp.minimum(r0 + 2, NROUND - 1)
        remap(rn, rm0)
        pltpu.async_copy(table_hbm.at[rm0], rows0, sg0)
        pltpu.make_async_copy(table_hbm.at[rm1], rows1, sg1).wait()

        @pl.when(rr > 0)
        def _():
            pltpu.make_async_copy(ob1, out_hbm.at[pl.ds(t0, RND)], so1).wait()

        sum_store(r1, rows1, ob1, so1)
        return carry

    lax.fori_loop(0, NROUND // 2, iter_body, 0)
    pltpu.make_async_copy(table_hbm.at[rm0], rows0, sg0).wait()
    pltpu.make_async_copy(ob0, out_hbm.at[pl.ds(t0, RND)], so0).wait()
    pltpu.make_async_copy(ob1, out_hbm.at[pl.ds(t0, RND)], so1).wait()


@functools.lru_cache(maxsize=None)
def _sc_pool():
    return functools.partial(
        pl.kernel,
        out_type=jax.ShapeDtypeStruct((NT, D), jnp.float32),
        mesh=plsc.VectorSubcoreMesh(core_axis_name="c", subcore_axis_name="s",
                                    num_cores=NC, num_subcores=NS),
        scratch_types=[
            pltpu.VMEM((TW * LP,), jnp.int32),
            pltpu.VMEM((GL,), jnp.int32),
            pltpu.VMEM((GL,), jnp.int32),
            pltpu.VMEM((GL, D), jnp.float32),
            pltpu.VMEM((GL, D), jnp.float32),
            pltpu.VMEM((RND, D), jnp.float32),
            pltpu.VMEM((RND, D), jnp.float32),
            pltpu.SemaphoreType.DMA,
            pltpu.SemaphoreType.DMA,
            pltpu.SemaphoreType.DMA,
            pltpu.SemaphoreType.DMA,
        ],
    )(_sc_pool_body)


RB = 512
GRID = B // RB


def _k1_body(ps_ref, pd_ref, si_ref, di_ref, w1_ref, b1_ref, h_ref, st_ref):
    i = pl.program_id(0)
    cs = jnp.sum((si_ref[...] != 0).astype(jnp.float32), axis=1, keepdims=True)
    cd = jnp.sum((di_ref[...] != 0).astype(jnp.float32), axis=1, keepdims=True)
    s = ps_ref[...] / jnp.maximum(cs, 1e-9)
    dd = pd_ref[...] / jnp.maximum(cd, 1e-9)
    h = jnp.dot(s, w1_ref[0:D, :], preferred_element_type=jnp.float32)
    h = h + jnp.dot(dd, w1_ref[D:2 * D, :],
                    preferred_element_type=jnp.float32)
    h = jnp.maximum(h + b1_ref[...], 0.0)
    h_ref[...] = h
    s = jnp.sum(h, axis=0, keepdims=True)
    q = jnp.sum(h * h, axis=0, keepdims=True)
    sq = jnp.concatenate([s, q], axis=0)

    @pl.when(i == 0)
    def _():
        st_ref[...] = jnp.zeros_like(st_ref)

    st_ref[...] += sq


def _bn_scale_shift(st_ref, g_ref, be_ref):
    mu = st_ref[0:1, :] * (1.0 / B)
    var = st_ref[1:2, :] * (1.0 / B) - mu * mu
    scale = g_ref[...] * jax.lax.rsqrt(var + _EPS_BN)
    shift = be_ref[...] - mu * scale
    return scale, shift


def _k2_body(h_ref, st_ref, g_ref, be_ref, w_ref, b_ref, o_ref, st2_ref):
    i = pl.program_id(0)
    scale, shift = _bn_scale_shift(st_ref, g_ref, be_ref)
    u = h_ref[...] * scale + shift
    h = jnp.dot(u, w_ref[...], preferred_element_type=jnp.float32)
    h = jnp.maximum(h + b_ref[...], 0.0)
    o_ref[...] = h
    s = jnp.sum(h, axis=0, keepdims=True)
    q = jnp.sum(h * h, axis=0, keepdims=True)
    sq = jnp.concatenate([s, q], axis=0)

    @pl.when(i == 0)
    def _():
        st2_ref[...] = jnp.zeros_like(st2_ref)

    st2_ref[...] += sq


def _k3_body(h_ref, st_ref, g_ref, be_ref, w3_ref, b3_ref, w4_ref, b4_ref,
             o_ref):
    scale, shift = _bn_scale_shift(st_ref, g_ref, be_ref)
    u = h_ref[...] * scale + shift
    h = jnp.dot(u, w3_ref[...], preferred_element_type=jnp.float32)
    h = jnp.maximum(h + b3_ref[...], 0.0)
    z = jnp.sum(h * w4_ref[...], axis=1, keepdims=True) + b4_ref[...]
    o_ref[...] = jax.nn.sigmoid(z)


def _row_spec(ncols):
    return pl.BlockSpec((RB, ncols), lambda i: (i, 0))


def _full_spec(shape):
    return pl.BlockSpec(shape, lambda i: tuple(0 for _ in shape))


def kernel(source, destination, emb, W1, b1, g1, be1, W2, b2, g2, be2, W3, b3,
           W4, b4):
    table = jnp.concatenate(
        [emb, jnp.zeros((8, D), jnp.float32)], axis=0)
    idx = jnp.concatenate([source, destination], axis=0)
    idx = jnp.pad(idx, ((0, 0), (0, LP - L)))
    idx_flat = idx.reshape(-1)

    pooled = _sc_pool()(idx_flat, table)

    b1r = b1.reshape(1, H)
    b2r = b2.reshape(1, H)
    b3r = b3.reshape(1, H)
    g1r = g1.reshape(1, H)
    g2r = g2.reshape(1, H)
    be1r = be1.reshape(1, H)
    be2r = be2.reshape(1, H)
    w4r = W4.reshape(1, H)
    b4r = b4.reshape(1, 1)

    h1, st1 = pl.pallas_call(
        _k1_body,
        grid=(GRID,),
        in_specs=[
            pl.BlockSpec((RB, D), lambda i: (i, 0)),
            pl.BlockSpec((RB, D), lambda i: (i + GRID, 0)),
            pl.BlockSpec((RB, L), lambda i: (i, 0)),
            pl.BlockSpec((RB, L), lambda i: (i, 0)),
            _full_spec((2 * D, H)),
            _full_spec((1, H)),
        ],
        out_specs=[_row_spec(H), _full_spec((2, H))],
        out_shape=[
            jax.ShapeDtypeStruct((B, H), jnp.float32),
            jax.ShapeDtypeStruct((2, H), jnp.float32),
        ],
    )(pooled, pooled, source, destination, W1, b1r)

    h2, st2 = pl.pallas_call(
        _k2_body,
        grid=(GRID,),
        in_specs=[
            _row_spec(H),
            _full_spec((2, H)),
            _full_spec((1, H)),
            _full_spec((1, H)),
            _full_spec((H, H)),
            _full_spec((1, H)),
        ],
        out_specs=[_row_spec(H), _full_spec((2, H))],
        out_shape=[
            jax.ShapeDtypeStruct((B, H), jnp.float32),
            jax.ShapeDtypeStruct((2, H), jnp.float32),
        ],
    )(h1, st1, g1r, be1r, W2, b2r)

    out = pl.pallas_call(
        _k3_body,
        grid=(GRID,),
        in_specs=[
            _row_spec(H),
            _full_spec((2, H)),
            _full_spec((1, H)),
            _full_spec((1, H)),
            _full_spec((H, H)),
            _full_spec((1, H)),
            _full_spec((1, H)),
            _full_spec((1, 1)),
        ],
        out_specs=pl.BlockSpec((RB, 1), lambda i: (i, 0)),
        out_shape=jax.ShapeDtypeStruct((B, 1), jnp.float32),
    )(h2, st2, g2r, be2r, W3, b3r, w4r, b4r)

    return out.reshape(B)

# --- scband reference (transcript-rebuilt; emitter-appended) ---
"""Pipeline reference for scband-improved-mlpwith-embeddings-73847667688168 (READ-ONLY COPY).

The authoritative reference and input builder live on the scoring server;
editing this copy changes nothing except your own understanding.
"""

import jax, jax.numpy as jnp
import numpy as np

B, L, V, D, H = 16384, 50, 100000, 128, 1024

def setup_inputs(seed: int = 0) -> dict:
    key = jax.random.key(seed)
    ks = jax.random.split(key, 16)
    source = jax.random.randint(ks[0], (B, L), 0, V, dtype=jnp.int32)
    destination = jax.random.randint(ks[1], (B, L), 0, V, dtype=jnp.int32)
    emb = jax.random.normal(ks[2], (V, D), dtype=jnp.float32) * 0.02
    W1 = jax.random.normal(ks[3], (2 * D, H), dtype=jnp.float32) * 0.02
    b1 = jnp.zeros((H,), dtype=jnp.float32)
    g1 = jnp.ones((H,), dtype=jnp.float32)
    be1 = jnp.zeros((H,), dtype=jnp.float32)
    W2 = jax.random.normal(ks[4], (H, H), dtype=jnp.float32) * 0.02
    b2 = jnp.zeros((H,), dtype=jnp.float32)
    g2 = jnp.ones((H,), dtype=jnp.float32)
    be2 = jnp.zeros((H,), dtype=jnp.float32)
    W3 = jax.random.normal(ks[5], (H, H), dtype=jnp.float32) * 0.02
    b3 = jnp.zeros((H,), dtype=jnp.float32)
    W4 = jax.random.normal(ks[6], (H, 1), dtype=jnp.float32) * 0.02
    b4 = jnp.zeros((1,), dtype=jnp.float32)
    return {"source": source, "destination": destination, "emb": emb,
            "W1": W1, "b1": b1, "g1": g1, "be1": be1,
            "W2": W2, "b2": b2, "g2": g2, "be2": be2,
            "W3": W3, "b3": b3, "W4": W4, "b4": b4}

def _masked_mean(table, idx):
    e = jnp.take(table, idx, axis=0)            # [B, L, D] gather
    m = (idx != 0)[..., None].astype(jnp.float32)
    return (e * m).sum(axis=1) / jnp.clip(m.sum(axis=1), 1e-9, None)

def _bn(x, g, b, eps=1e-5):
    mu = x.mean(axis=0)
    var = x.var(axis=0)
    return (x - mu) / jnp.sqrt(var + eps) * g + b

def reference(source, destination, emb, W1, b1, g1, be1, W2, b2, g2, be2, W3, b3, W4, b4):
    s = _masked_mean(emb, source)
    d = _masked_mean(emb, destination)
    x = jnp.concatenate([s, d], axis=1)
    x = jax.nn.relu(x @ W1 + b1)
    x = _bn(x, g1, be1)
    x = jax.nn.relu(x @ W2 + b2)
    x = _bn(x, g2, be2)
    x = jax.nn.relu(x @ W3 + b3)
    # dropout is identity in eval mode
    x = (x @ W4 + b4).squeeze(-1)
    return jax.nn.sigmoid(x)

if __name__ == "__main__":
    import jax
    _d = setup_inputs()
    print(jax.jit(kernel)(*tuple(_d.values())))

</pallas_src>

<mosaic_0001>
#map = affine_map<(d0, d1) -> (0)>
#map1 = affine_map<(d0, d1) -> (0, 0)>
module attributes {stable_mosaic.version = 14 : i64} {
  func.func @_sc_pool_body(%arg0: i32, %arg1: i32, %arg2: memref<2097152xi32, #tpu.memory_space<hbm>>, %arg3: memref<100008x128xf32, #tpu.memory_space<hbm>>, %arg4: memref<32768x128xf32, #tpu.memory_space<hbm>>, %arg5: memref<65536xi32, #tpu.memory_space<vmem>>, %arg6: memref<100xi32, #tpu.memory_space<vmem>>, %arg7: memref<100xi32, #tpu.memory_space<vmem>>, %arg8: memref<100x128xf32, #tpu.memory_space<vmem>>, %arg9: memref<100x128xf32, #tpu.memory_space<vmem>>, %arg10: memref<2x128xf32, #tpu.memory_space<vmem>>, %arg11: memref<2x128xf32, #tpu.memory_space<vmem>>, %arg12: memref<!tpu.dma_semaphore, #tpu.memory_space<semaphore_mem>>, %arg13: memref<!tpu.dma_semaphore, #tpu.memory_space<semaphore_mem>>, %arg14: memref<!tpu.dma_semaphore, #tpu.memory_space<semaphore_mem>>, %arg15: memref<!tpu.dma_semaphore, #tpu.memory_space<semaphore_mem>>) attributes {dimension_semantics = [#tpu.dimension_semantics<core_parallel>, #tpu.dimension_semantics<subcore_parallel>], iteration_bounds = array<i64: 2, 16>, scalar_prefetch = 0 : i64, scratch_operands = 11 : i64, tpu.core_type = #tpu.core_type<sc_vector_subcore>, window_params = [{transform_indices = #map}, {transform_indices = #map1}, {transform_indices = #map1}]} {
    %mul3A = arith.constant 2 : i32
    %mul3A_0 = arith.muli %arg1, %mul3A : i32
    %add3A = arith.addi %mul3A_0, %arg0 : i32
    %mul3A_1 = arith.constant 1024 : i32
    %mul3A_2 = arith.muli %add3A, %mul3A_1 : i32
    %mul3A_3 = arith.constant 64 : i32
    %mul3A_4 = arith.muli %mul3A_2, %mul3A_3 : i32
    "tpu.region"() ({
      %run_scoped3A = tpu.sem_alloc : memref<!tpu.dma_semaphore, #tpu.memory_space<semaphore_mem>>
      %dma_start3A_120 = tpu.memref_slice %arg2[%mul3A_4] : memref<2097152xi32, #tpu.memory_space<hbm>> -> memref<65536xi32, #tpu.memory_space<hbm>>
      %dma_start3A_121 = tpu.memref_slice %arg2[%mul3A_4] : memref<2097152xi32, #tpu.memory_space<hbm>> -> memref<65536xi32, #tpu.memory_space<hbm>>
      tpu.enqueue_dma source(%dma_start3A_121 : memref<65536xi32, #tpu.memory_space<hbm>>) target(%arg5 : memref<65536xi32, #tpu.memory_space<vmem>>) target_semaphore(%run_scoped3A : memref<!tpu.dma_semaphore, #tpu.memory_space<semaphore_mem>>)
      %dma_wait3A_122 = tpu.memref_slice %arg2[%mul3A_4] : memref<2097152xi32, #tpu.memory_space<hbm>> -> memref<65536xi32, #tpu.memory_space<hbm>>
      %dma_wait3A_123 = tpu.memref_slice %arg2[%mul3A_4] : memref<2097152xi32, #tpu.memory_space<hbm>> -> memref<65536xi32, #tpu.memory_space<hbm>>
      tpu.wait_dma2 semaphore(%run_scoped3A : memref<!tpu.dma_semaphore, #tpu.memory_space<semaphore_mem>>) src(%dma_wait3A_123 : memref<65536xi32, #tpu.memory_space<hbm>>) dst(%arg5 : memref<65536xi32, #tpu.memory_space<vmem>>)
      tpu.yield
    }) : () -> ()
    %get3A = arith.constant 0 : index
    %get3A_5 = tpu.vector_load %arg5[%get3A] {strides = array<i32>} : memref<65536xi32, #tpu.memory_space<vmem>>, vector<16xi32>,
    %get3A_6 = vector.shape_cast %get3A_5 : vector<16xi32> to vector<16xi32>
    %ne3A = arith.constant 0 : i32
    %ne3A_7 = vector.broadcast %ne3A : i32 to vector<16xi32>
    %ne3A_8 = arith.cmpi ne, %get3A_6, %ne3A_7 : vector<16xi32>
    %jit3A = arith.constant 100000 : i32
    %broadcast_in_dim3A = vector.broadcast %jit3A : i32 to vector<16xi32>
    %select_n3A = arith.select %ne3A_8, %get3A_6, %broadcast_in_dim3A : vector<16xi1>, vector<16xi32>
    %swap3A = arith.constant 0 : index
    %swap3A_9 = tpu.vector_load %arg6[%swap3A] {strides = array<i32>} : memref<100xi32, #tpu.memory_space<vmem>>, vector<16xi32>,
    %swap3A_10 = vector.shape_cast %swap3A_9 : vector<16xi32> to vector<16xi32>
    %swap3A_11 = vector.shape_cast %select_n3A : vector<16xi32> to vector<16xi32>
    tpu.vector_store %arg6[%swap3A], %swap3A_11 {strides = array<i32>} : memref<100xi32, #tpu.memory_space<vmem>>, vector<16xi32>,
    %get3A_12 = arith.constant 16 : index
    %get3A_13 = tpu.vector_load %arg5[%get3A_12] {strides = array<i32>} : memref<65536xi32, #tpu.memory_space<vmem>>, vector<16xi32>,
    %get3A_14 = vector.shape_cast %get3A_13 : vector<16xi32> to vector<16xi32>
    %ne3A_15 = arith.constant 0 : i32
    %ne3A_16 = vector.broadcast %ne3A_15 : i32 to vector<16xi32>
    %ne3A_17 = arith.cmpi ne, %get3A_14, %ne3A_16 : vector<16xi32>
    %jit3A_18 = arith.constant 100000 : i32
    %broadcast_in_dim3A_19 = vector.broadcast %jit3A_18 : i32 to vector<16xi32>
    %select_n3A_20 = arith.select %ne3A_17, %get3A_14, %broadcast_in_dim3A_19 : vector<16xi1>, vector<16xi32>
    %swap3A_21 = arith.constant 16 : index
    %swap3A_22 = tpu.vector_load %arg6[%swap3A_21] {strides = array<i32>} : memref<100xi32, #tpu.memory_space<vmem>>, vector<16xi32>,
    %swap3A_23 = vector.shape_cast %swap3A_22 : vector<16xi32> to vector<16xi32>
    %swap3A_24 = vector.shape_cast %select_n3A_20 : vector<16xi32> to vector<16xi32>
    tpu.vector_store %arg6[%swap3A_21], %swap3A_24 {strides = array<i32>} : memref<100xi32, #tpu.memory_space<vmem>>, vector<16xi32>,
    %get3A_25 = arith.constant 32 : index
    %get3A_26 = tpu.vector_load %arg5[%get3A_25] {strides = array<i32>} : memref<65536xi32, #tpu.memory_space<vmem>>, vector<16xi32>,
    %get3A_27 = vector.shape_cast %get3A_26 : vector<16xi32> to vector<16xi32>
    %ne3A_28 = arith.constant 0 : i32
    %ne3A_29 = vector.broadcast %ne3A_28 : i32 to vector<16xi32>
    %ne3A_30 = arith.cmpi ne, %get3A_27, %ne3A_29 : vector<16xi32>
    %jit3A_31 = arith.constant 100000 : i32
    %broadcast_in_dim3A_32 = vector.broadcast %jit3A_31 : i32 to vector<16xi32>
    %select_n3A_33 = arith.select %ne3A_30, %get3A_27, %broadcast_in_dim3A_32 : vector<16xi1>, vector<16xi32>
    %swap3A_34 = arith.constant 32 : index
    %swap3A_35 = tpu.vector_load %arg6[%swap3A_34] {strides = array<i32>} : memref<100xi32, #tpu.memory_space<vmem>>, vector<16xi32>,
    %swap3A_36 = vector.shape_cast %swap3A_35 : vector<16xi32> to vector<16xi32>
    %swap3A_37 = vector.shape_cast %select_n3A_33 : vector<16xi32> to vector<16xi32>
    tpu.vector_store %arg6[%swap3A_34], %swap3A_37 {strides = array<i32>} : memref<100xi32, #tpu.memory_space<vmem>>, vector<16xi32>,
    %get3A_38 = arith.constant 34 : index
    %get3A_39 = tpu.vector_load %arg5[%get3A_38] {strides = array<i32>} : memref<65536xi32, #tpu.memory_space<vmem>>, vector<16xi32>,
    %get3A_40 = vector.shape_cast %get3A_39 : vector<16xi32> to vector<16xi32>
    %ne3A_41 = arith.constant 0 : i32
    %ne3A_42 = vector.broadcast %ne3A_41 : i32 to vector<16xi32>
    %ne3A_43 = arith.cmpi ne, %get3A_40, %ne3A_42 : vector<16xi32>
    %jit3A_44 = arith.constant 100000 : i32
    %broadcast_in_dim3A_45 = vector.broadcast %jit3A_44 : i32 to vector<16xi32>
    %select_n3A_46 = arith.select %ne3A_43, %get3A_40, %broadcast_in_dim3A_45 : vector<16xi1>, vector<16xi32>
    %swap3A_47 = arith.constant 34 : index
    %swap3A_48 = tpu.vector_load %arg6[%swap3A_47] {strides = array<i32>} : memref<100xi32, #tpu.memory_space<vmem>>, vector<16xi32>,
    %swap3A_49 = vector.shape_cast %swap3A_48 : vector<16xi32> to vector<16xi32>
    %swap3A_50 = vector.shape_cast %select_n3A_46 : vector<16xi32> to vector<16xi32>
    tpu.vector_store %arg6[%swap3A_47], %swap3A_50 {strides = array<i32>} : memref<100xi32, #tpu.memory_space<vmem>>, vector<16xi32>,
    %get3A_51 = arith.constant 64 : index
    %get3A_52 = tpu.vector_load %arg5[%get3A_51] {strides = array<i32>} : memref<65536xi32, #tpu.memory_space<vmem>>, vector<16xi32>,
    %get3A_53 = vector.shape_cast %get3A_52 : vector<16xi32> to vector<16xi32>
    %ne3A_54 = arith.constant 0 : i32
    %ne3A_55 = vector.broadcast %ne3A_54 : i32 to vector<16xi32>
    %ne3A_56 = arith.cmpi ne, %get3A_53, %ne3A_55 : vector<16xi32>
    %jit3A_57 = arith.constant 100000 : i32
    %broadcast_in_dim3A_58 = vector.broadcast %jit3A_57 : i32 to vector<16xi32>
    %select_n3A_59 = arith.select %ne3A_56, %get3A_53, %broadcast_in_dim3A_58 : vector<16xi1>, vector<16xi32>
    %swap3A_60 = arith.constant 50 : index
    %swap3A_61 = tpu.vector_load %arg6[%swap3A_60] {strides = array<i32>} : memref<100xi32, #tpu.memory_space<vmem>>, vector<16xi32>,
    %swap3A_62 = vector.shape_cast %swap3A_61 : vector<16xi32> to vector<16xi32>
    %swap3A_63 = vector.shape_cast %select_n3A_59 : vector<16xi32> to vector<16xi32>
    tpu.vector_store %arg6[%swap3A_60], %swap3A_63 {strides = array<i32>} : memref<100xi32, #tpu.memory_space<vmem>>, vector<16xi32>,
    %get3A_64 = arith.constant 80 : index
    %get3A_65 = tpu.vector_load %arg5[%get3A_64] {strides = array<i32>} : memref<65536xi32, #tpu.memory_space<vmem>>, vector<16xi32>,
    %get3A_66 = vector.shape_cast %get3A_65 : vector<16xi32> to vector<16xi32>
    %ne3A_67 = arith.constant 0 : i32
    %ne3A_68 = vector.broadcast %ne3A_67 : i32 to vector<16xi32>
    %ne3A_69 = arith.cmpi ne, %get3A_66, %ne3A_68 : vector<16xi32>
    %jit3A_70 = arith.constant 100000 : i32
    %broadcast_in_dim3A_71 = vector.broadcast %jit3A_70 : i32 to vector<16xi32>
    %select_n3A_72 = arith.select %ne3A_69, %get3A_66, %broadcast_in_dim3A_71 : vector<16xi1>, vector<16xi32>
    %swap3A_73 = arith.constant 66 : index
    %swap3A_74 = tpu.vector_load %arg6[%swap3A_73] {strides = array<i32>} : memref<100xi32, #tpu.memory_space<vmem>>, vector<16xi32>,
    %swap3A_75 = vector.shape_cast %swap3A_74 : vector<16xi32> to vector<16xi32>
    %swap3A_76 = vector.shape_cast %select_n3A_72 : vector<16xi32> to vector<16xi32>
    tpu.vector_store %arg6[%swap3A_73], %swap3A_76 {strides = array<i32>} : memref<100xi32, #tpu.memory_space<vmem>>, vector<16xi32>,
    %get3A_77 = arith.constant 96 : index
    %get3A_78 = tpu.vector_load %arg5[%get3A_77] {strides = array<i32>} : memref<65536xi32, #tpu.memory_space<vmem>>, vector<16xi32>,
    %get3A_79 = vector.shape_cast %get3A_78 : vector<16xi32> to vector<16xi32>
    %ne3A_80 = arith.constant 0 : i32
    %ne3A_81 = vector.broadcast %ne3A_80 : i32 to vector<16xi32>
    %ne3A_82 = arith.cmpi ne, %get3A_79, %ne3A_81 : vector<16xi32>
    %jit3A_83 = arith.constant 100000 : i32
    %broadcast_in_dim3A_84 = vector.broadcast %jit3A_83 : i32 to vector<16xi32>
    %select_n3A_85 = arith.select %ne3A_82, %get3A_79, %broadcast_in_dim3A_84 : vector<16xi1>, vector<16xi32>
    %swap3A_86 = arith.constant 82 : index
    %swap3A_87 = tpu.vector_load %arg6[%swap3A_86] {strides = array<i32>} : memref<100xi32, #tpu.memory_space<vmem>>, vector<16xi32>,
    %swap3A_88 = vector.shape_cast %swap3A_87 : vector<16xi32> to vector<16xi32>
    %swap3A_89 = vector.shape_cast %select_n3A_85 : vector<16xi32> to vector<16xi32>
    tpu.vector_store %arg6[%swap3A_86], %swap3A_89 {strides = array<i32>} : memref<100xi32, #tpu.memory_space<vmem>>, vector<16xi32>,
    %get3A_90 = arith.constant 98 : index
    %get3A_91 = tpu.vector_load %arg5[%get3A_90] {strides = array<i32>} : memref<65536xi32, #tpu.memory_space<vmem>>, vector<16xi32>,
    %get3A_92 = vector.shape_cast %get3A_91 : vector<16xi32> to vector<16xi32>
    %ne3A_93 = arith.constant 0 : i32
    %ne3A_94 = vector.broadcast %ne3A_93 : i32 to vector<16xi32>
    %ne3A_95 = arith.cmpi ne, %get3A_92, %ne3A_94 : vector<16xi32>
    %jit3A_96 = arith.constant 100000 : i32
    %broadcast_in_dim3A_97 = vector.broadcast %jit3A_96 : i32 to vector<16xi32>
    %select_n3A_98 = arith.select %ne3A_95, %get3A_92, %broadcast_in_dim3A_97 : vector<16xi1>, vector<16xi32>
    %swap3A_99 = arith.constant 84 : index
    %swap3A_100 = tpu.vector_load %arg6[%swap3A_99] {strides = array<i32>} : memref<100xi32, #tpu.memory_space<vmem>>, vector<16xi32>,
    %swap3A_101 = vector.shape_cast %swap3A_100 : vector<16xi32> to vector<16xi32>
    %swap3A_102 = vector.shape_cast %select_n3A_98 : vector<16xi32> to vector<16xi32>
    tpu.vector_store %arg6[%swap3A_99], %swap3A_102 {strides = array<i32>} : memref<100xi32, #tpu.memory_space<vmem>>, vector<16xi32>,
    %dma_start3A = arith.constant 0 : i32
    %dma_start3A_103 = arith.constant 0 : i32
    %dma_start3A_104 = tpu.memref_slice %arg3[%dma_start3A, %dma_start3A_103] : memref<100008x128xf32, #tpu.memory_space<hbm>> -> memref<100008x128xf32, #tpu.memory_space<hbm>>
    tpu.enqueue_indirect_dma source(%dma_start3A_104 : memref<100008x128xf32, #tpu.memory_space<hbm>>) target(%arg8 : memref<100x128xf32, #tpu.memory_space<vmem>>) offsets(%arg6 : memref<100xi32, #tpu.memory_space<vmem>>) semaphore(%arg12 : memref<!tpu.dma_semaphore, #tpu.memory_space<semaphore_mem>>)
    %scan3A = arith.constant 0 : i32
    %scan3A_105 = arith.constant 0 : i32
    %scan3A_106 = arith.constant 256 : i32
    %scan3A_107 = arith.addi %scan3A_105, %scan3A_106 : i32
    %scan3A_108 = arith.constant 1 : i32
    scf.for %scan3A_120 = %scan3A_105 to %scan3A_107 step %scan3A_108  : i32 {
      %mul3A_121 = arith.constant 2 : i32
      %mul3A_122 = arith.muli %scan3A_120, %mul3A_121 : i32
      %add3A_123 = arith.constant 1 : i32
      %add3A_124 = arith.addi %mul3A_122, %add3A_123 : i32
      %mul3A_125 = arith.constant 128 : i32
      %mul3A_126 = arith.muli %add3A_124, %mul3A_125 : i32
      %add3A_127 = arith.constant 0 : i32
      %add3A_128 = arith.addi %mul3A_126, %add3A_127 : i32
      %add3A_129 = arith.constant 0 : i32
      %add3A_130 = arith.addi %add3A_128, %add3A_129 : i32
      %get3A_131 = arith.index_cast %add3A_130 : i32 to index
      %get3A_132 = tpu.vector_load %arg5[%get3A_131] {strides = array<i32>} : memref<65536xi32, #tpu.memory_space<vmem>>, vector<16xi32>,
      %get3A_133 = vector.shape_cast %get3A_132 : vector<16xi32> to vector<16xi32>
      %ne3A_134 = arith.constant 0 : i32
      %ne3A_135 = vector.broadcast %ne3A_134 : i32 to vector<16xi32>
      %ne3A_136 = arith.cmpi ne, %get3A_133, %ne3A_135 : vector<16xi32>
      %jit3A_137 = arith.constant 100000 : i32
      %broadcast_in_dim3A_138 = vector.broadcast %jit3A_137 : i32 to vector<16xi32>
      %select_n3A_139 = arith.select %ne3A_136, %get3A_133, %broadcast_in_dim3A_138 : vector<16xi1>, vector<16xi32>
      %swap3A_140 = arith.constant 0 : index
      %swap3A_141 = tpu.vector_load %arg7[%swap3A_140] {strides = array<i32>} : memref<100xi32, #tpu.memory_space<vmem>>, vector<16xi32>,
      %swap3A_142 = vector.shape_cast %swap3A_141 : vector<16xi32> to vector<16xi32>
      %swap3A_143 = vector.shape_cast %select_n3A_139 : vector<16xi32> to vector<16xi32>
      tpu.vector_store %arg7[%swap3A_140], %swap3A_143 {strides = array<i32>} : memref<100xi32, #tpu.memory_space<vmem>>, vector<16xi32>,
      %add3A_144 = arith.constant 0 : i32
      %add3A_145 = arith.addi %mul3A_126, %add3A_144 : i32
      %add3A_146 = arith.constant 16 : i32
      %add3A_147 = arith.addi %add3A_145, %add3A_146 : i32
      %get3A_148 = arith.index_cast %add3A_147 : i32 to index
      %get3A_149 = tpu.vector_load %arg5[%get3A_148] {strides = array<i32>} : memref<65536xi32, #tpu.memory_space<vmem>>, vector<16xi32>,
      %get3A_150 = vector.shape_cast %get3A_149 : vector<16xi32> to vector<16xi32>
      %ne3A_151 = arith.constant 0 : i32
      %ne3A_152 = vector.broadcast %ne3A_151 : i32 to vector<16xi32>
      %ne3A_153 = arith.cmpi ne, %get3A_150, %ne3A_152 : vector<16xi32>
      %jit3A_154 = arith.constant 100000 : i32
      %broadcast_in_dim3A_155 = vector.broadcast %jit3A_154 : i32 to vector<16xi32>
      %select_n3A_156 = arith.select %ne3A_153, %get3A_150, %broadcast_in_dim3A_155 : vector<16xi1>, vector<16xi32>
      %swap3A_157 = arith.constant 16 : index
      %swap3A_158 = tpu.vector_load %arg7[%swap3A_157] {strides = array<i32>} : memref<100xi32, #tpu.memory_space<vmem>>, vector<16xi32>,
      %swap3A_159 = vector.shape_cast %swap3A_158 : vector<16xi32> to vector<16xi32>
      %swap3A_160 = vector.shape_cast %select_n3A_156 : vector<16xi32> to vector<16xi32>
      tpu.vector_store %arg7[%swap3A_157], %swap3A_160 {strides = array<i32>} : memref<100xi32, #tpu.memory_space<vmem>>, vector<16xi32>,
      %add3A_161 = arith.constant 0 : i32
      %add3A_162 = arith.addi %mul3A_126, %add3A_161 : i32
      %add3A_163 = arith.constant 32 : i32
      %add3A_164 = arith.addi %add3A_162, %add3A_163 : i32
      %get3A_165 = arith.index_cast %add3A_164 : i32 to index
      %get3A_166 = tpu.vector_load %arg5[%get3A_165] {strides = array<i32>} : memref<65536xi32, #tpu.memory_space<vmem>>, vector<16xi32>,
      %get3A_167 = vector.shape_cast %get3A_166 : vector<16xi32> to vector<16xi32>
      %ne3A_168 = arith.constant 0 : i32
      %ne3A_169 = vector.broadcast %ne3A_168 : i32 to vector<16xi32>
      %ne3A_170 = arith.cmpi ne, %get3A_167, %ne3A_169 : vector<16xi32>
      %jit3A_171 = arith.constant 100000 : i32
      %broadcast_in_dim3A_172 = vector.broadcast %jit3A_171 : i32 to vector<16xi32>
      %select_n3A_173 = arith.select %ne3A_170, %get3A_167, %broadcast_in_dim3A_172 : vector<16xi1>, vector<16xi32>
      %swap3A_174 = arith.constant 32 : index
      %swap3A_175 = tpu.vector_load %arg7[%swap3A_174] {strides = array<i32>} : memref<100xi32, #tpu.memory_space<vmem>>, vector<16xi32>,
      %swap3A_176 = vector.shape_cast %swap3A_175 : vector<16xi32> to vector<16xi32>
      %swap3A_177 = vector.shape_cast %select_n3A_173 : vector<16xi32> to vector<16xi32>
      tpu.vector_store %arg7[%swap3A_174], %swap3A_177 {strides = array<i32>} : memref<100xi32, #tpu.memory_space<vmem>>, vector<16xi32>,
      %add3A_178 = arith.constant 0 : i32
      %add3A_179 = arith.addi %mul3A_126, %add3A_178 : i32
      %add3A_180 = arith.constant 34 : i32
      %add3A_181 = arith.addi %add3A_179, %add3A_180 : i32
      %get3A_182 = arith.index_cast %add3A_181 : i32 to index
      %get3A_183 = tpu.vector_load %arg5[%get3A_182] {strides = array<i32>} : memref<65536xi32, #tpu.memory_space<vmem>>, vector<16xi32>,
      %get3A_184 = vector.shape_cast %get3A_183 : vector<16xi32> to vector<16xi32>
      %ne3A_185 = arith.constant 0 : i32
      %ne3A_186 = vector.broadcast %ne3A_185 : i32 to vector<16xi32>
      %ne3A_187 = arith.cmpi ne, %get3A_184, %ne3A_186 : vector<16xi32>
      %jit3A_188 = arith.constant 100000 : i32
      %broadcast_in_dim3A_189 = vector.broadcast %jit3A_188 : i32 to vector<16xi32>
      %select_n3A_190 = arith.select %ne3A_187, %get3A_184, %broadcast_in_dim3A_189 : vector<16xi1>, vector<16xi32>
      %swap3A_191 = arith.constant 34 : index
      %swap3A_192 = tpu.vector_load %arg7[%swap3A_191] {strides = array<i32>} : memref<100xi32, #tpu.memory_space<vmem>>, vector<16xi32>,
      %swap3A_193 = vector.shape_cast %swap3A_192 : vector<16xi32> to vector<16xi32>
      %swap3A_194 = vector.shape_cast %select_n3A_190 : vector<16xi32> to vector<16xi32>
      tpu.vector_store %arg7[%swap3A_191], %swap3A_194 {strides = array<i32>} : memref<100xi32, #tpu.memory_space<vmem>>, vector<16xi32>,
      %add3A_195 = arith.constant 64 : i32
      %add3A_196 = arith.addi %mul3A_126, %add3A_195 : i32
      %add3A_197 = arith.constant 0 : i32
      %add3A_198 = arith.addi %add3A_196, %add3A_197 : i32
      %get3A_199 = arith.index_cast %add3A_198 : i32 to index
      %get3A_200 = tpu.vector_load %arg5[%get3A_199] {strides = array<i32>} : memref<65536xi32, #tpu.memory_space<vmem>>, vector<16xi32>,
      %get3A_201 = vector.shape_cast %get3A_200 : vector<16xi32> to vector<16xi32>
      %ne3A_202 = arith.constant 0 : i32
      %ne3A_203 = vector.broadcast %ne3A_202 : i32 to vector<16xi32>
      %ne3A_204 = arith.cmpi ne, %get3A_201, %ne3A_203 : vector<16xi32>
      %jit3A_205 = arith.constant 100000 : i32
      %broadcast_in_dim3A_206 = vector.broadcast %jit3A_205 : i32 to vector<16xi32>
      %select_n3A_207 = arith.select %ne3A_204, %get3A_201, %broadcast_in_dim3A_206 : vector<16xi1>, vector<16xi32>
      %swap3A_208 = arith.constant 50 : index
      %swap3A_209 = tpu.vector_load %arg7[%swap3A_208] {strides = array<i32>} : memref<100xi32, #tpu.memory_space<vmem>>, vector<16xi32>,
      %swap3A_210 = vector.shape_cast %swap3A_209 : vector<16xi32> to vector<16xi32>
      %swap3A_211 = vector.shape_cast %select_n3A_207 : vector<16xi32> to vector<16xi32>
      tpu.vector_store %arg7[%swap3A_208], %swap3A_211 {strides = array<i32>} : memref<100xi32, #tpu.memory_space<vmem>>, vector<16xi32>,
      %add3A_212 = arith.constant 64 : i32
      %add3A_213 = arith.addi %mul3A_126, %add3A_212 : i32
      %add3A_214 = arith.constant 16 : i32
      %add3A_215 = arith.addi %add3A_213, %add3A_214 : i32
      %get3A_216 = arith.index_cast %add3A_215 : i32 to index
      %get3A_217 = tpu.vector_load %arg5[%get3A_216] {strides = array<i32>} : memref<65536xi32, #tpu.memory_space<vmem>>, vector<16xi32>,
      %get3A_218 = vector.shape_cast %get3A_217 : vector<16xi32> to vector<16xi32>
      %ne3A_219 = arith.constant 0 : i32
      %ne3A_220 = vector.broadcast %ne3A_219 : i32 to vector<16xi32>
      %ne3A_221 = arith.cmpi ne, %get3A_218, %ne3A_220 : vector<16xi32>
      %jit3A_222 = arith.constant 100000 : i32
      %broadcast_in_dim3A_223 = vector.broadcast %jit3A_222 : i32 to vector<16xi32>
      %select_n3A_224 = arith.select %ne3A_221, %get3A_218, %broadcast_in_dim3A_223 : vector<16xi1>, vector<16xi32>
      %swap3A_225 = arith.constant 66 : index
      %swap3A_226 = tpu.vector_load %arg7[%swap3A_225] {strides = array<i32>} : memref<100xi32, #tpu.memory_space<vmem>>, vector<16xi32>,
      %swap3A_227 = vector.shape_cast %swap3A_226 : vector<16xi32> to vector<16xi32>
      %swap3A_228 = vector.shape_cast %select_n3A_224 : vector<16xi32> to vector<16xi32>
      tpu.vector_store %arg7[%swap3A_225], %swap3A_228 {strides = array<i32>} : memref<100xi32, #tpu.memory_space<vmem>>, vector<16xi32>,
      %add3A_229 = arith.constant 64 : i32
      %add3A_230 = arith.addi %mul3A_126, %add3A_229 : i32
      %add3A_231 = arith.constant 32 : i32
      %add3A_232 = arith.addi %add3A_230, %add3A_231 : i32
      %get3A_233 = arith.index_cast %add3A_232 : i32 to index
      %get3A_234 = tpu.vector_load %arg5[%get3A_233] {strides = array<i32>} : memref<65536xi32, #tpu.memory_space<vmem>>, vector<16xi32>,
      %get3A_235 = vector.shape_cast %get3A_234 : vector<16xi32> to vector<16xi32>
      %ne3A_236 = arith.constant 0 : i32
      %ne3A_237 = vector.broadcast %ne3A_236 : i32 to vector<16xi32>
      %ne3A_238 = arith.cmpi ne, %get3A_235, %ne3A_237 : vector<16xi32>
      %jit3A_239 = arith.constant 100000 : i32
      %broadcast_in_dim3A_240 = vector.broadcast %jit3A_239 : i32 to vector<16xi32>
      %select_n3A_241 = arith.select %ne3A_238, %get3A_235, %broadcast_in_dim3A_240 : vector<16xi1>, vector<16xi32>
      %swap3A_242 = arith.constant 82 : index
      %swap3A_243 = tpu.vector_load %arg7[%swap3A_242] {strides = array<i32>} : memref<100xi32, #tpu.memory_space<vmem>>, vector<16xi32>,
      %swap3A_244 = vector.shape_cast %swap3A_243 : vector<16xi32> to vector<16xi32>
      %swap3A_245 = vector.shape_cast %select_n3A_241 : vector<16xi32> to vector<16xi32>
      tpu.vector_store %arg7[%swap3A_242], %swap3A_245 {strides = array<i32>} : memref<100xi32, #tpu.memory_space<vmem>>, vector<16xi32>,
      %add3A_246 = arith.constant 64 : i32
      %add3A_247 = arith.addi %mul3A_126, %add3A_246 : i32
      %add3A_248 = arith.constant 34 : i32
      %add3A_249 = arith.addi %add3A_247, %add3A_248 : i32
      %get3A_250 = arith.index_cast %add3A_249 : i32 to index
      %get3A_251 = tpu.vector_load %arg5[%get3A_250] {strides = array<i32>} : memref<65536xi32, #tpu.memory_space<vmem>>, vector<16xi32>,
      %get3A_252 = vector.shape_cast %get3A_251 : vector<16xi32> to vector<16xi32>
      %ne3A_253 = arith.constant 0 : i32
      %ne3A_254 = vector.broadcast %ne3A_253 : i32 to vector<16xi32>
      %ne3A_255 = arith.cmpi ne, %get3A_252, %ne3A_254 : vector<16xi32>
      %jit3A_256 = arith.constant 100000 : i32
      %broadcast_in_dim3A_257 = vector.broadcast %jit3A_256 : i32 to vector<16xi32>
      %select_n3A_258 = arith.select %ne3A_255, %get3A_252, %broadcast_in_dim3A_257 : vector<16xi1>, vector<16xi32>
      %swap3A_259 = arith.constant 84 : index
      %swap3A_260 = tpu.vector_load %arg7[%swap3A_259] {strides = array<i32>} : memref<100xi32, #tpu.memory_space<vmem>>, vector<16xi32>,
      %swap3A_261 = vector.shape_cast %swap3A_260 : vector<16xi32> to vector<16xi32>
      %swap3A_262 = vector.shape_cast %select_n3A_258 : vector<16xi32> to vector<16xi32>
      tpu.vector_store %arg7[%swap3A_259], %swap3A_262 {strides = array<i32>} : memref<100xi32, #tpu.memory_space<vmem>>, vector<16xi32>,
      %dma_start3A_263 = arith.constant 0 : i32
      %dma_start3A_264 = arith.constant 0 : i32
      %dma_start3A_265 = tpu.memref_slice %arg3[%dma_start3A_263, %dma_start3A_264] : memref<100008x128xf32, #tpu.memory_space<hbm>> -> memref<100008x128xf32, #tpu.memory_space<hbm>>
      tpu.enqueue_indirect_dma source(%dma_start3A_265 : memref<100008x128xf32, #tpu.memory_space<hbm>>) target(%arg9 : memref<100x128xf32, #tpu.memory_space<vmem>>) offsets(%arg7 : memref<100xi32, #tpu.memory_space<vmem>>) semaphore(%arg13 : memref<!tpu.dma_semaphore, #tpu.memory_space<semaphore_mem>>)
      %dma_wait3A_266 = arith.constant 0 : i32
      %dma_wait3A_267 = arith.constant 0 : i32
      %dma_wait3A_268 = tpu.memref_slice %arg3[%dma_wait3A_266, %dma_wait3A_267] : memref<100008x128xf32, #tpu.memory_space<hbm>> -> memref<100008x128xf32, #tpu.memory_space<hbm>>
      tpu.wait_indirect_dma semaphore(%arg12 : memref<!tpu.dma_semaphore, #tpu.memory_space<semaphore_mem>>) src(%dma_wait3A_268 : memref<100008x128xf32, #tpu.memory_space<hbm>>) dst(%arg8 : memref<100x128xf32, #tpu.memory_space<vmem>>)
      %gt3A = arith.constant 0 : i32
      %gt3A_269 = arith.cmpi sgt, %scan3A_120, %gt3A : i32
      %convert_element_type3A = arith.extui %gt3A_269 : i1 to i32
      %cond3A = arith.constant 0 : i32
      %cond3A_270 = arith.cmpi ne, %convert_element_type3A, %cond3A : i32
      scf.if %cond3A_270 {
        %dma_wait3A_717 = arith.constant 0 : i32
        %dma_wait3A_718 = tpu.memref_slice %arg4[%mul3A_2, %dma_wait3A_717] : memref<32768x128xf32, #tpu.memory_space<hbm>> -> memref<2x128xf32, #tpu.memory_space<hbm>>
        %dma_wait3A_719 = arith.constant 0 : i32
        %dma_wait3A_720 = tpu.memref_slice %arg4[%mul3A_2, %dma_wait3A_719] : memref<32768x128xf32, #tpu.memory_space<hbm>> -> memref<2x128xf32, #tpu.memory_space<hbm>>
        tpu.wait_dma2 semaphore(%arg14 : memref<!tpu.dma_semaphore, #tpu.memory_space<semaphore_mem>>) src(%arg10 : memref<2x128xf32, #tpu.memory_space<vmem>>) dst(%dma_wait3A_720 : memref<2x128xf32, #tpu.memory_space<hbm>>)
      } else {
      }
      %broadcast_in_dim3A_271 = arith.constant 0.000000e+00 : f32
      %broadcast_in_dim3A_272 = vector.broadcast %broadcast_in_dim3A_271 : f32 to vector<16xf32>
      %broadcast_in_dim3A_273 = arith.constant 0.000000e+00 : f32
      %broadcast_in_dim3A_274 = vector.broadcast %broadcast_in_dim3A_273 : f32 to vector<16xf32>
      %broadcast_in_dim3A_275 = arith.constant 0.000000e+00 : f32
      %broadcast_in_dim3A_276 = vector.broadcast %broadcast_in_dim3A_275 : f32 to vector<16xf32>
      %broadcast_in_dim3A_277 = arith.constant 0.000000e+00 : f32
      %broadcast_in_dim3A_278 = vector.broadcast %broadcast_in_dim3A_277 : f32 to vector<16xf32>
      %broadcast_in_dim3A_279 = arith.constant 0.000000e+00 : f32
      %broadcast_in_dim3A_280 = vector.broadcast %broadcast_in_dim3A_279 : f32 to vector<16xf32>
      %broadcast_in_dim3A_281 = arith.constant 0.000000e+00 : f32
      %broadcast_in_dim3A_282 = vector.broadcast %broadcast_in_dim3A_281 : f32 to vector<16xf32>
      %broadcast_in_dim3A_283 = arith.constant 0.000000e+00 : f32
      %broadcast_in_dim3A_284 = vector.broadcast %broadcast_in_dim3A_283 : f32 to vector<16xf32>
      %broadcast_in_dim3A_285 = arith.constant 0.000000e+00 : f32
      %broadcast_in_dim3A_286 = vector.broadcast %broadcast_in_dim3A_285 : f32 to vector<16xf32>
      %scan3A_287 = arith.constant 0 : i32
      %scan3A_288 = arith.constant 10 : i32
      %scan3A_289 = arith.addi %scan3A_287, %scan3A_288 : i32
      %scan3A_290 = arith.constant 1 : i32
      %scan3A_291:8 = scf.for %scan3A_717 = %scan3A_287 to %scan3A_289 step %scan3A_290 iter_args(%scan3A_718 = %broadcast_in_dim3A_272, %scan3A_719 = %broadcast_in_dim3A_274, %scan3A_720 = %broadcast_in_dim3A_276, %scan3A_721 = %broadcast_in_dim3A_278, %scan3A_722 = %broadcast_in_dim3A_280, %scan3A_723 = %broadcast_in_dim3A_282, %scan3A_724 = %broadcast_in_dim3A_284, %scan3A_725 = %broadcast_in_dim3A_286) -> (vector<16xf32>, vector<16xf32>, vector<16xf32>, vector<16xf32>, vector<16xf32>, vector<16xf32>, vector<16xf32>, vector<16xf32>)  : i32 {
        %mul3A_726 = arith.constant 5 : i32
        %mul3A_727 = arith.muli %scan3A_717, %mul3A_726 : i32
        %add3A_728 = arith.constant 0 : i32
        %add3A_729 = arith.addi %add3A_728, %mul3A_727 : i32
        %add3A_730 = arith.constant 0 : i32
        %add3A_731 = arith.addi %add3A_729, %add3A_730 : i32
        %get3A_732 = arith.index_cast %add3A_731 : i32 to index
        %get3A_733 = arith.constant 0 : index
        %get3A_734 = tpu.vector_load %arg8[%get3A_732, %get3A_733] {strides = array<i32>} : memref<100x128xf32, #tpu.memory_space<vmem>>, vector<1x16xf32>,
        %get3A_735 = vector.shape_cast %get3A_734 : vector<1x16xf32> to vector<16xf32>
        %add3A_736 = arith.addf %scan3A_718, %get3A_735 : vector<16xf32>
        %get3A_737 = arith.index_cast %add3A_731 : i32 to index
        %get3A_738 = arith.constant 16 : index
        %get3A_739 = tpu.vector_load %arg8[%get3A_737, %get3A_738] {strides = array<i32>} : memref<100x128xf32, #tpu.memory_space<vmem>>, vector<1x16xf32>,
        %get3A_740 = vector.shape_cast %get3A_739 : vector<1x16xf32> to vector<16xf32>
        %add3A_741 = arith.addf %scan3A_719, %get3A_740 : vector<16xf32>
        %get3A_742 = arith.index_cast %add3A_731 : i32 to index
        %get3A_743 = arith.constant 32 : index
        %get3A_744 = tpu.vector_load %arg8[%get3A_742, %get3A_743] {strides = array<i32>} : memref<100x128xf32, #tpu.memory_space<vmem>>, vector<1x16xf32>,
        %get3A_745 = vector.shape_cast %get3A_744 : vector<1x16xf32> to vector<16xf32>
        %add3A_746 = arith.addf %scan3A_720, %get3A_745 : vector<16xf32>
        %get3A_747 = arith.index_cast %add3A_731 : i32 to index
        %get3A_748 = arith.constant 48 : index
        %get3A_749 = tpu.vector_load %arg8[%get3A_747, %get3A_748] {strides = array<i32>} : memref<100x128xf32, #tpu.memory_space<vmem>>, vector<1x16xf32>,
        %get3A_750 = vector.shape_cast %get3A_749 : vector<1x16xf32> to vector<16xf32>
        %add3A_751 = arith.addf %scan3A_721, %get3A_750 : vector<16xf32>
        %get3A_752 = arith.index_cast %add3A_731 : i32 to index
        %get3A_753 = arith.constant 64 : index
        %get3A_754 = tpu.vector_load %arg8[%get3A_752, %get3A_753] {strides = array<i32>} : memref<100x128xf32, #tpu.memory_space<vmem>>, vector<1x16xf32>,
        %get3A_755 = vector.shape_cast %get3A_754 : vector<1x16xf32> to vector<16xf32>
        %add3A_756 = arith.addf %scan3A_722, %get3A_755 : vector<16xf32>
        %get3A_757 = arith.index_cast %add3A_731 : i32 to index
        %get3A_758 = arith.constant 80 : index
        %get3A_759 = tpu.vector_load %arg8[%get3A_757, %get3A_758] {strides = array<i32>} : memref<100x128xf32, #tpu.memory_space<vmem>>, vector<1x16xf32>,
        %get3A_760 = vector.shape_cast %get3A_759 : vector<1x16xf32> to vector<16xf32>
        %add3A_761 = arith.addf %scan3A_723, %get3A_760 : vector<16xf32>
        %get3A_762 = arith.index_cast %add3A_731 : i32 to index
        %get3A_763 = arith.constant 96 : index
        %get3A_764 = tpu.vector_load %arg8[%get3A_762, %get3A_763] {strides = array<i32>} : memref<100x128xf32, #tpu.memory_space<vmem>>, vector<1x16xf32>,
        %get3A_765 = vector.shape_cast %get3A_764 : vector<1x16xf32> to vector<16xf32>
        %add3A_766 = arith.addf %scan3A_724, %get3A_765 : vector<16xf32>
        %get3A_767 = arith.index_cast %add3A_731 : i32 to index
        %get3A_768 = arith.constant 112 : index
        %get3A_769 = tpu.vector_load %arg8[%get3A_767, %get3A_768] {strides = array<i32>} : memref<100x128xf32, #tpu.memory_space<vmem>>, vector<1x16xf32>,
        %get3A_770 = vector.shape_cast %get3A_769 : vector<1x16xf32> to vector<16xf32>
        %add3A_771 = arith.addf %scan3A_725, %get3A_770 : vector<16xf32>
        %mul3A_772 = arith.constant 5 : i32
        %mul3A_773 = arith.muli %scan3A_717, %mul3A_772 : i32
        %add3A_774 = arith.constant 0 : i32
        %add3A_775 = arith.addi %add3A_774, %mul3A_773 : i32
        %add3A_776 = arith.constant 1 : i32
        %add3A_777 = arith.addi %add3A_775, %add3A_776 : i32
        %get3A_778 = arith.index_cast %add3A_777 : i32 to index
        %get3A_779 = arith.constant 0 : index
        %get3A_780 = tpu.vector_load %arg8[%get3A_778, %get3A_779] {strides = array<i32>} : memref<100x128xf32, #tpu.memory_space<vmem>>, vector<1x16xf32>,
        %get3A_781 = vector.shape_cast %get3A_780 : vector<1x16xf32> to vector<16xf32>
        %add3A_782 = arith.addf %add3A_736, %get3A_781 : vector<16xf32>
        %get3A_783 = arith.index_cast %add3A_777 : i32 to index
        %get3A_784 = arith.constant 16 : index
        %get3A_785 = tpu.vector_load %arg8[%get3A_783, %get3A_784] {strides = array<i32>} : memref<100x128xf32, #tpu.memory_space<vmem>>, vector<1x16xf32>,
        %get3A_786 = vector.shape_cast %get3A_785 : vector<1x16xf32> to vector<16xf32>
        %add3A_787 = arith.addf %add3A_741, %get3A_786 : vector<16xf32>
        %get3A_788 = arith.index_cast %add3A_777 : i32 to index
        %get3A_789 = arith.constant 32 : index
        %get3A_790 = tpu.vector_load %arg8[%get3A_788, %get3A_789] {strides = array<i32>} : memref<100x128xf32, #tpu.memory_space<vmem>>, vector<1x16xf32>,
        %get3A_791 = vector.shape_cast %get3A_790 : vector<1x16xf32> to vector<16xf32>
        %add3A_792 = arith.addf %add3A_746, %get3A_791 : vector<16xf32>
        %get3A_793 = arith.index_cast %add3A_777 : i32 to index
        %get3A_794 = arith.constant 48 : index
        %get3A_795 = tpu.vector_load %arg8[%get3A_793, %get3A_794] {strides = array<i32>} : memref<100x128xf32, #tpu.memory_space<vmem>>, vector<1x16xf32>,
        %get3A_796 = vector.shape_cast %get3A_795 : vector<1x16xf32> to vector<16xf32>
        %add3A_797 = arith.addf %add3A_751, %get3A_796 : vector<16xf32>
        %get3A_798 = arith.index_cast %add3A_777 : i32 to index
        %get3A_799 = arith.constant 64 : index
        %get3A_800 = tpu.vector_load %arg8[%get3A_798, %get3A_799] {strides = array<i32>} : memref<100x128xf32, #tpu.memory_space<vmem>>, vector<1x16xf32>,
        %get3A_801 = vector.shape_cast %get3A_800 : vector<1x16xf32> to vector<16xf32>
        %add3A_802 = arith.addf %add3A_756, %get3A_801 : vector<16xf32>
        %get3A_803 = arith.index_cast %add3A_777 : i32 to index
        %get3A_804 = arith.constant 80 : index
        %get3A_805 = tpu.vector_load %arg8[%get3A_803, %get3A_804] {strides = array<i32>} : memref<100x128xf32, #tpu.memory_space<vmem>>, vector<1x16xf32>,
        %get3A_806 = vector.shape_cast %get3A_805 : vector<1x16xf32> to vector<16xf32>
        %add3A_807 = arith.addf %add3A_761, %get3A_806 : vector<16xf32>
        %get3A_808 = arith.index_cast %add3A_777 : i32 to index
        %get3A_809 = arith.constant 96 : index
        %get3A_810 = tpu.vector_load %arg8[%get3A_808, %get3A_809] {strides = array<i32>} : memref<100x128xf32, #tpu.memory_space<vmem>>, vector<1x16xf32>,
        %get3A_811 = vector.shape_cast %get3A_810 : vector<1x16xf32> to vector<16xf32>
        %add3A_812 = arith.addf %add3A_766, %get3A_811 : vector<16xf32>
        %get3A_813 = arith.index_cast %add3A_777 : i32 to index
        %get3A_814 = arith.constant 112 : index
        %get3A_815 = tpu.vector_load %arg8[%get3A_813, %get3A_814] {strides = array<i32>} : memref<100x128xf32, #tpu.memory_space<vmem>>, vector<1x16xf32>,
        %get3A_816 = vector.shape_cast %get3A_815 : vector<1x16xf32> to vector<16xf32>
        %add3A_817 = arith.addf %add3A_771, %get3A_816 : vector<16xf32>
        %mul3A_818 = arith.constant 5 : i32
        %mul3A_819 = arith.muli %scan3A_717, %mul3A_818 : i32
        %add3A_820 = arith.constant 0 : i32
        %add3A_821 = arith.addi %add3A_820, %mul3A_819 : i32
        %add3A_822 = arith.constant 2 : i32
        %add3A_823 = arith.addi %add3A_821, %add3A_822 : i32
        %get3A_824 = arith.index_cast %add3A_823 : i32 to index
        %get3A_825 = arith.constant 0 : index
        %get3A_826 = tpu.vector_load %arg8[%get3A_824, %get3A_825] {strides = array<i32>} : memref<100x128xf32, #tpu.memory_space<vmem>>, vector<1x16xf32>,
        %get3A_827 = vector.shape_cast %get3A_826 : vector<1x16xf32> to vector<16xf32>
        %add3A_828 = arith.addf %add3A_782, %get3A_827 : vector<16xf32>
        %get3A_829 = arith.index_cast %add3A_823 : i32 to index
        %get3A_830 = arith.constant 16 : index
        %get3A_831 = tpu.vector_load %arg8[%get3A_829, %get3A_830] {strides = array<i32>} : memref<100x128xf32, #tpu.memory_space<vmem>>, vector<1x16xf32>,
        %get3A_832 = vector.shape_cast %get3A_831 : vector<1x16xf32> to vector<16xf32>
        %add3A_833 = arith.addf %add3A_787, %get3A_832 : vector<16xf32>
        %get3A_834 = arith.index_cast %add3A_823 : i32 to index
        %get3A_835 = arith.constant 32 : index
        %get3A_836 = tpu.vector_load %arg8[%get3A_834, %get3A_835] {strides = array<i32>} : memref<100x128xf32, #tpu.memory_space<vmem>>, vector<1x16xf32>,
        %get3A_837 = vector.shape_cast %get3A_836 : vector<1x16xf32> to vector<16xf32>
        %add3A_838 = arith.addf %add3A_792, %get3A_837 : vector<16xf32>
        %get3A_839 = arith.index_cast %add3A_823 : i32 to index
        %get3A_840 = arith.constant 48 : index
        %get3A_841 = tpu.vector_load %arg8[%get3A_839, %get3A_840] {strides = array<i32>} : memref<100x128xf32, #tpu.memory_space<vmem>>, vector<1x16xf32>,
        %get3A_842 = vector.shape_cast %get3A_841 : vector<1x16xf32> to vector<16xf32>
        %add3A_843 = arith.addf %add3A_797, %get3A_842 : vector<16xf32>
        %get3A_844 = arith.index_cast %add3A_823 : i32 to index
        %get3A_845 = arith.constant 64 : index
        %get3A_846 = tpu.vector_load %arg8[%get3A_844, %get3A_845] {strides = array<i32>} : memref<100x128xf32, #tpu.memory_space<vmem>>, vector<1x16xf32>,
        %get3A_847 = vector.shape_cast %get3A_846 : vector<1x16xf32> to vector<16xf32>
        %add3A_848 = arith.addf %add3A_802, %get3A_847 : vector<16xf32>
        %get3A_849 = arith.index_cast %add3A_823 : i32 to index
        %get3A_850 = arith.constant 80 : index
        %get3A_851 = tpu.vector_load %arg8[%get3A_849, %get3A_850] {strides = array<i32>} : memref<100x128xf32, #tpu.memory_space<vmem>>, vector<1x16xf32>,
        %get3A_852 = vector.shape_cast %get3A_851 : vector<1x16xf32> to vector<16xf32>
        %add3A_853 = arith.addf %add3A_807, %get3A_852 : vector<16xf32>
        %get3A_854 = arith.index_cast %add3A_823 : i32 to index
        %get3A_855 = arith.constant 96 : index
        %get3A_856 = tpu.vector_load %arg8[%get3A_854, %get3A_855] {strides = array<i32>} : memref<100x128xf32, #tpu.memory_space<vmem>>, vector<1x16xf32>,
        %get3A_857 = vector.shape_cast %get3A_856 : vector<1x16xf32> to vector<16xf32>
        %add3A_858 = arith.addf %add3A_812, %get3A_857 : vector<16xf32>
        %get3A_859 = arith.index_cast %add3A_823 : i32 to index
        %get3A_860 = arith.constant 112 : index
        %get3A_861 = tpu.vector_load %arg8[%get3A_859, %get3A_860] {strides = array<i32>} : memref<100x128xf32, #tpu.memory_space<vmem>>, vector<1x16xf32>,
        %get3A_862 = vector.shape_cast %get3A_861 : vector<1x16xf32> to vector<16xf32>
        %add3A_863 = arith.addf %add3A_817, %get3A_862 : vector<16xf32>
        %mul3A_864 = arith.constant 5 : i32
        %mul3A_865 = arith.muli %scan3A_717, %mul3A_864 : i32
        %add3A_866 = arith.constant 0 : i32
        %add3A_867 = arith.addi %add3A_866, %mul3A_865 : i32
        %add3A_868 = arith.constant 3 : i32
        %add3A_869 = arith.addi %add3A_867, %add3A_868 : i32
        %get3A_870 = arith.index_cast %add3A_869 : i32 to index
        %get3A_871 = arith.constant 0 : index
        %get3A_872 = tpu.vector_load %arg8[%get3A_870, %get3A_871] {strides = array<i32>} : memref<100x128xf32, #tpu.memory_space<vmem>>, vector<1x16xf32>,
        %get3A_873 = vector.shape_cast %get3A_872 : vector<1x16xf32> to vector<16xf32>
        %add3A_874 = arith.addf %add3A_828, %get3A_873 : vector<16xf32>
        %get3A_875 = arith.index_cast %add3A_869 : i32 to index
        %get3A_876 = arith.constant 16 : index
        %get3A_877 = tpu.vector_load %arg8[%get3A_875, %get3A_876] {strides = array<i32>} : memref<100x128xf32, #tpu.memory_space<vmem>>, vector<1x16xf32>,
        %get3A_878 = vector.shape_cast %get3A_877 : vector<1x16xf32> to vector<16xf32>
        %add3A_879 = arith.addf %add3A_833, %get3A_878 : vector<16xf32>
        %get3A_880 = arith.index_cast %add3A_869 : i32 to index
        %get3A_881 = arith.constant 32 : index
        %get3A_882 = tpu.vector_load %arg8[%get3A_880, %get3A_881] {strides = array<i32>} : memref<100x128xf32, #tpu.memory_space<vmem>>, vector<1x16xf32>,
        %get3A_883 = vector.shape_cast %get3A_882 : vector<1x16xf32> to vector<16xf32>
        %add3A_884 = arith.addf %add3A_838, %get3A_883 : vector<16xf32>
        %get3A_885 = arith.index_cast %add3A_869 : i32 to index
        %get3A_886 = arith.constant 48 : index
        %get3A_887 = tpu.vector_load %arg8[%get3A_885, %get3A_886] {strides = array<i32>} : memref<100x128xf32, #tpu.memory_space<vmem>>, vector<1x16xf32>,
        %get3A_888 = vector.shape_cast %get3A_887 : vector<1x16xf32> to vector<16xf32>
        %add3A_889 = arith.addf %add3A_843, %get3A_888 : vector<16xf32>
        %get3A_890 = arith.index_cast %add3A_869 : i32 to index
        %get3A_891 = arith.constant 64 : index
        %get3A_892 = tpu.vector_load %arg8[%get3A_890, %get3A_891] {strides = array<i32>} : memref<100x128xf32, #tpu.memory_space<vmem>>, vector<1x16xf32>,
        %get3A_893 = vector.shape_cast %get3A_892 : vector<1x16xf32> to vector<16xf32>
        %add3A_894 = arith.addf %add3A_848, %get3A_893 : vector<16xf32>
        %get3A_895 = arith.index_cast %add3A_869 : i32 to index
        %get3A_896 = arith.constant 80 : index
        %get3A_897 = tpu.vector_load %arg8[%get3A_895, %get3A_896] {strides = array<i32>} : memref<100x128xf32, #tpu.memory_space<vmem>>, vector<1x16xf32>,
        %get3A_898 = vector.shape_cast %get3A_897 : vector<1x16xf32> to vector<16xf32>
        %add3A_899 = arith.addf %add3A_853, %get3A_898 : vector<16xf32>
        %get3A_900 = arith.index_cast %add3A_869 : i32 to index
        %get3A_901 = arith.constant 96 : index
        %get3A_902 = tpu.vector_load %arg8[%get3A_900, %get3A_901] {strides = array<i32>} : memref<100x128xf32, #tpu.memory_space<vmem>>, vector<1x16xf32>,
        %get3A_903 = vector.shape_cast %get3A_902 : vector<1x16xf32> to vector<16xf32>
        %add3A_904 = arith.addf %add3A_858, %get3A_903 : vector<16xf32>
        %get3A_905 = arith.index_cast %add3A_869 : i32 to index
        %get3A_906 = arith.constant 112 : index
        %get3A_907 = tpu.vector_load %arg8[%get3A_905, %get3A_906] {strides = array<i32>} : memref<100x128xf32, #tpu.memory_space<vmem>>, vector<1x16xf32>,
        %get3A_908 = vector.shape_cast %get3A_907 : vector<1x16xf32> to vector<16xf32>
        %add3A_909 = arith.addf %add3A_863, %get3A_908 : vector<16xf32>
        %mul3A_910 = arith.constant 5 : i32
        %mul3A_911 = arith.muli %scan3A_717, %mul3A_910 : i32
        %add3A_912 = arith.constant 0 : i32
        %add3A_913 = arith.addi %add3A_912, %mul3A_911 : i32
        %add3A_914 = arith.constant 4 : i32
        %add3A_915 = arith.addi %add3A_913, %add3A_914 : i32
        %get3A_916 = arith.index_cast %add3A_915 : i32 to index
        %get3A_917 = arith.constant 0 : index
        %get3A_918 = tpu.vector_load %arg8[%get3A_916, %get3A_917] {strides = array<i32>} : memref<100x128xf32, #tpu.memory_space<vmem>>, vector<1x16xf32>,
        %get3A_919 = vector.shape_cast %get3A_918 : vector<1x16xf32> to vector<16xf32>
        %add3A_920 = arith.addf %add3A_874, %get3A_919 : vector<16xf32>
        %get3A_921 = arith.index_cast %add3A_915 : i32 to index
        %get3A_922 = arith.constant 16 : index
        %get3A_923 = tpu.vector_load %arg8[%get3A_921, %get3A_922] {strides = array<i32>} : memref<100x128xf32, #tpu.memory_space<vmem>>, vector<1x16xf32>,
        %get3A_924 = vector.shape_cast %get3A_923 : vector<1x16xf32> to vector<16xf32>
        %add3A_925 = arith.addf %add3A_879, %get3A_924 : vector<16xf32>
        %get3A_926 = arith.index_cast %add3A_915 : i32 to index
        %get3A_927 = arith.constant 32 : index
        %get3A_928 = tpu.vector_load %arg8[%get3A_926, %get3A_927] {strides = array<i32>} : memref<100x128xf32, #tpu.memory_space<vmem>>, vector<1x16xf32>,
        %get3A_929 = vector.shape_cast %get3A_928 : vector<1x16xf32> to vector<16xf32>
        %add3A_930 = arith.addf %add3A_884, %get3A_929 : vector<16xf32>
        %get3A_931 = arith.index_cast %add3A_915 : i32 to index
        %get3A_932 = arith.constant 48 : index
        %get3A_933 = tpu.vector_load %arg8[%get3A_931, %get3A_932] {strides = array<i32>} : memref<100x128xf32, #tpu.memory_space<vmem>>, vector<1x16xf32>,
        %get3A_934 = vector.shape_cast %get3A_933 : vector<1x16xf32> to vector<16xf32>
        %add3A_935 = arith.addf %add3A_889, %get3A_934 : vector<16xf32>
        %get3A_936 = arith.index_cast %add3A_915 : i32 to index
        %get3A_937 = arith.constant 64 : index
        %get3A_938 = tpu.vector_load %arg8[%get3A_936, %get3A_937] {strides = array<i32>} : memref<100x128xf32, #tpu.memory_space<vmem>>, vector<1x16xf32>,
        %get3A_939 = vector.shape_cast %get3A_938 : vector<1x16xf32> to vector<16xf32>
        %add3A_940 = arith.addf %add3A_894, %get3A_939 : vector<16xf32>
        %get3A_941 = arith.index_cast %add3A_915 : i32 to index
        %get3A_942 = arith.constant 80 : index
        %get3A_943 = tpu.vector_load %arg8[%get3A_941, %get3A_942] {strides = array<i32>} : memref<100x128xf32, #tpu.memory_space<vmem>>, vector<1x16xf32>,
        %get3A_944 = vector.shape_cast %get3A_943 : vector<1x16xf32> to vector<16xf32>
        %add3A_945 = arith.addf %add3A_899, %get3A_944 : vector<16xf32>
        %get3A_946 = arith.index_cast %add3A_915 : i32 to index
        %get3A_947 = arith.constant 96 : index
        %get3A_948 = tpu.vector_load %arg8[%get3A_946, %get3A_947] {strides = array<i32>} : memref<100x128xf32, #tpu.memory_space<vmem>>, vector<1x16xf32>,
        %get3A_949 = vector.shape_cast %get3A_948 : vector<1x16xf32> to vector<16xf32>
        %add3A_950 = arith.addf %add3A_904, %get3A_949 : vector<16xf32>
        %get3A_951 = arith.index_cast %add3A_915 : i32 to index
        %get3A_952 = arith.constant 112 : index
        %get3A_953 = tpu.vector_load %arg8[%get3A_951, %get3A_952] {strides = array<i32>} : memref<100x128xf32, #tpu.memory_space<vmem>>, vector<1x16xf32>,
        %get3A_954 = vector.shape_cast %get3A_953 : vector<1x16xf32> to vector<16xf32>
        %add3A_955 = arith.addf %add3A_909, %get3A_954 : vector<16xf32>
        scf.yield %add3A_920, %add3A_925, %add3A_930, %add3A_935, %add3A_940, %add3A_945, %add3A_950, %add3A_955 : vector<16xf32>, vector<16xf32>, vector<16xf32>, vector<16xf32>, vector<16xf32>, vector<16xf32>, vector<16xf32>, vector<16xf32>
      }
      %scan3A_292 = arith.constant 10 : i32
      %swap3A_293 = arith.constant 0 : i32
      %swap3A_294 = arith.index_cast %swap3A_293 : i32 to index
      %swap3A_295 = arith.constant 0 : index
      %swap3A_296 = tpu.vector_load %arg10[%swap3A_294, %swap3A_295] {strides = array<i32>} : memref<2x128xf32, #tpu.memory_space<vmem>>, vector<1x16xf32>,
      %swap3A_297 = vector.shape_cast %swap3A_296 : vector<1x16xf32> to vector<16xf32>
      %swap3A_298 = vector.shape_cast %scan3A_291#0 : vector<16xf32> to vector<1x16xf32>
      tpu.vector_store %arg10[%swap3A_294, %swap3A_295], %swap3A_298 {strides = array<i32>} : memref<2x128xf32, #tpu.memory_space<vmem>>, vector<1x16xf32>,
      %swap3A_299 = arith.constant 0 : i32
      %swap3A_300 = arith.index_cast %swap3A_299 : i32 to index
      %swap3A_301 = arith.constant 16 : index
      %swap3A_302 = tpu.vector_load %arg10[%swap3A_300, %swap3A_301] {strides = array<i32>} : memref<2x128xf32, #tpu.memory_space<vmem>>, vector<1x16xf32>,
      %swap3A_303 = vector.shape_cast %swap3A_302 : vector<1x16xf32> to vector<16xf32>
      %swap3A_304 = vector.shape_cast %scan3A_291#1 : vector<16xf32> to vector<1x16xf32>
      tpu.vector_store %arg10[%swap3A_300, %swap3A_301], %swap3A_304 {strides = array<i32>} : memref<2x128xf32, #tpu.memory_space<vmem>>, vector<1x16xf32>,
      %swap3A_305 = arith.constant 0 : i32
      %swap3A_306 = arith.index_cast %swap3A_305 : i32 to index
      %swap3A_307 = arith.constant 32 : index
      %swap3A_308 = tpu.vector_load %arg10[%swap3A_306, %swap3A_307] {strides = array<i32>} : memref<2x128xf32, #tpu.memory_space<vmem>>, vector<1x16xf32>,
      %swap3A_309 = vector.shape_cast %swap3A_308 : vector<1x16xf32> to vector<16xf32>
      %swap3A_310 = vector.shape_cast %scan3A_291#2 : vector<16xf32> to vector<1x16xf32>
      tpu.vector_store %arg10[%swap3A_306, %swap3A_307], %swap3A_310 {strides = array<i32>} : memref<2x128xf32, #tpu.memory_space<vmem>>, vector<1x16xf32>,
      %swap3A_311 = arith.constant 0 : i32
      %swap3A_312 = arith.index_cast %swap3A_311 : i32 to index
      %swap3A_313 = arith.constant 48 : index
      %swap3A_314 = tpu.vector_load %arg10[%swap3A_312, %swap3A_313] {strides = array<i32>} : memref<2x128xf32, #tpu.memory_space<vmem>>, vector<1x16xf32>,
      %swap3A_315 = vector.shape_cast %swap3A_314 : vector<1x16xf32> to vector<16xf32>
      %swap3A_316 = vector.shape_cast %scan3A_291#3 : vector<16xf32> to vector<1x16xf32>
      tpu.vector_store %arg10[%swap3A_312, %swap3A_313], %swap3A_316 {strides = array<i32>} : memref<2x128xf32, #tpu.memory_space<vmem>>, vector<1x16xf32>,
      %swap3A_317 = arith.constant 0 : i32
      %swap3A_318 = arith.index_cast %swap3A_317 : i32 to index
      %swap3A_319 = arith.constant 64 : index
      %swap3A_320 = tpu.vector_load %arg10[%swap3A_318, %swap3A_319] {strides = array<i32>} : memref<2x128xf32, #tpu.memory_space<vmem>>, vector<1x16xf32>,
      %swap3A_321 = vector.shape_cast %swap3A_320 : vector<1x16xf32> to vector<16xf32>
      %swap3A_322 = vector.shape_cast %scan3A_291#4 : vector<16xf32> to vector<1x16xf32>
      tpu.vector_store %arg10[%swap3A_318, %swap3A_319], %swap3A_322 {strides = array<i32>} : memref<2x128xf32, #tpu.memory_space<vmem>>, vector<1x16xf32>,
      %swap3A_323 = arith.constant 0 : i32
      %swap3A_324 = arith.index_cast %swap3A_323 : i32 to index
      %swap3A_325 = arith.constant 80 : index
      %swap3A_326 = tpu.vector_load %arg10[%swap3A_324, %swap3A_325] {strides = array<i32>} : memref<2x128xf32, #tpu.memory_space<vmem>>, vector<1x16xf32>,
      %swap3A_327 = vector.shape_cast %swap3A_326 : vector<1x16xf32> to vector<16xf32>
      %swap3A_328 = vector.shape_cast %scan3A_291#5 : vector<16xf32> to vector<1x16xf32>
      tpu.vector_store %arg10[%swap3A_324, %swap3A_325], %swap3A_328 {strides = array<i32>} : memref<2x128xf32, #tpu.memory_space<vmem>>, vector<1x16xf32>,
      %swap3A_329 = arith.constant 0 : i32
      %swap3A_330 = arith.index_cast %swap3A_329 : i32 to index
      %swap3A_331 = arith.constant 96 : index
      %swap3A_332 = tpu.vector_load %arg10[%swap3A_330, %swap3A_331] {strides = array<i32>} : memref<2x128xf32, #tpu.memory_space<vmem>>, vector<1x16xf32>,
      %swap3A_333 = vector.shape_cast %swap3A_332 : vector<1x16xf32> to vector<16xf32>
      %swap3A_334 = vector.shape_cast %scan3A_291#6 : vector<16xf32> to vector<1x16xf32>
      tpu.vector_store %arg10[%swap3A_330, %swap3A_331], %swap3A_334 {strides = array<i32>} : memref<2x128xf32, #tpu.memory_space<vmem>>, vector<1x16xf32>,
      %swap3A_335 = arith.constant 0 : i32
      %swap3A_336 = arith.index_cast %swap3A_335 : i32 to index
      %swap3A_337 = arith.constant 112 : index
      %swap3A_338 = tpu.vector_load %arg10[%swap3A_336, %swap3A_337] {strides = array<i32>} : memref<2x128xf32, #tpu.memory_space<vmem>>, vector<1x16xf32>,
      %swap3A_339 = vector.shape_cast %swap3A_338 : vector<1x16xf32> to vector<16xf32>
      %swap3A_340 = vector.shape_cast %scan3A_291#7 : vector<16xf32> to vector<1x16xf32>
      tpu.vector_store %arg10[%swap3A_336, %swap3A_337], %swap3A_340 {strides = array<i32>} : memref<2x128xf32, #tpu.memory_space<vmem>>, vector<1x16xf32>,
      %broadcast_in_dim3A_341 = arith.constant 0.000000e+00 : f32
      %broadcast_in_dim3A_342 = vector.broadcast %broadcast_in_dim3A_341 : f32 to vector<16xf32>
      %broadcast_in_dim3A_343 = arith.constant 0.000000e+00 : f32
      %broadcast_in_dim3A_344 = vector.broadcast %broadcast_in_dim3A_343 : f32 to vector<16xf32>
      %broadcast_in_dim3A_345 = arith.constant 0.000000e+00 : f32
      %broadcast_in_dim3A_346 = vector.broadcast %broadcast_in_dim3A_345 : f32 to vector<16xf32>
      %broadcast_in_dim3A_347 = arith.constant 0.000000e+00 : f32
      %broadcast_in_dim3A_348 = vector.broadcast %broadcast_in_dim3A_347 : f32 to vector<16xf32>
      %broadcast_in_dim3A_349 = arith.constant 0.000000e+00 : f32
      %broadcast_in_dim3A_350 = vector.broadcast %broadcast_in_dim3A_349 : f32 to vector<16xf32>
      %broadcast_in_dim3A_351 = arith.constant 0.000000e+00 : f32
      %broadcast_in_dim3A_352 = vector.broadcast %broadcast_in_dim3A_351 : f32 to vector<16xf32>
      %broadcast_in_dim3A_353 = arith.constant 0.000000e+00 : f32
      %broadcast_in_dim3A_354 = vector.broadcast %broadcast_in_dim3A_353 : f32 to vector<16xf32>
      %broadcast_in_dim3A_355 = arith.constant 0.000000e+00 : f32
      %broadcast_in_dim3A_356 = vector.broadcast %broadcast_in_dim3A_355 : f32 to vector<16xf32>
      %scan3A_357 = arith.constant 0 : i32
      %scan3A_358 = arith.constant 10 : i32
      %scan3A_359 = arith.addi %scan3A_357, %scan3A_358 : i32
      %scan3A_360 = arith.constant 1 : i32
      %scan3A_361:8 = scf.for %scan3A_717 = %scan3A_357 to %scan3A_359 step %scan3A_360 iter_args(%scan3A_718 = %broadcast_in_dim3A_342, %scan3A_719 = %broadcast_in_dim3A_344, %scan3A_720 = %broadcast_in_dim3A_346, %scan3A_721 = %broadcast_in_dim3A_348, %scan3A_722 = %broadcast_in_dim3A_350, %scan3A_723 = %broadcast_in_dim3A_352, %scan3A_724 = %broadcast_in_dim3A_354, %scan3A_725 = %broadcast_in_dim3A_356) -> (vector<16xf32>, vector<16xf32>, vector<16xf32>, vector<16xf32>, vector<16xf32>, vector<16xf32>, vector<16xf32>, vector<16xf32>)  : i32 {
        %mul3A_726 = arith.constant 5 : i32
        %mul3A_727 = arith.muli %scan3A_717, %mul3A_726 : i32
        %add3A_728 = arith.constant 50 : i32
        %add3A_729 = arith.addi %add3A_728, %mul3A_727 : i32
        %add3A_730 = arith.constant 0 : i32
        %add3A_731 = arith.addi %add3A_729, %add3A_730 : i32
        %get3A_732 = arith.index_cast %add3A_731 : i32 to index
        %get3A_733 = arith.constant 0 : index
        %get3A_734 = tpu.vector_load %arg8[%get3A_732, %get3A_733] {strides = array<i32>} : memref<100x128xf32, #tpu.memory_space<vmem>>, vector<1x16xf32>,
        %get3A_735 = vector.shape_cast %get3A_734 : vector<1x16xf32> to vector<16xf32>
        %add3A_736 = arith.addf %scan3A_718, %get3A_735 : vector<16xf32>
        %get3A_737 = arith.index_cast %add3A_731 : i32 to index
        %get3A_738 = arith.constant 16 : index
        %get3A_739 = tpu.vector_load %arg8[%get3A_737, %get3A_738] {strides = array<i32>} : memref<100x128xf32, #tpu.memory_space<vmem>>, vector<1x16xf32>,
        %get3A_740 = vector.shape_cast %get3A_739 : vector<1x16xf32> to vector<16xf32>
        %add3A_741 = arith.addf %scan3A_719, %get3A_740 : vector<16xf32>
        %get3A_742 = arith.index_cast %add3A_731 : i32 to index
        %get3A_743 = arith.constant 32 : index
        %get3A_744 = tpu.vector_load %arg8[%get3A_742, %get3A_743] {strides = array<i32>} : memref<100x128xf32, #tpu.memory_space<vmem>>, vector<1x16xf32>,
        %get3A_745 = vector.shape_cast %get3A_744 : vector<1x16xf32> to vector<16xf32>
        %add3A_746 = arith.addf %scan3A_720, %get3A_745 : vector<16xf32>
        %get3A_747 = arith.index_cast %add3A_731 : i32 to index
        %get3A_748 = arith.constant 48 : index
        %get3A_749 = tpu.vector_load %arg8[%get3A_747, %get3A_748] {strides = array<i32>} : memref<100x128xf32, #tpu.memory_space<vmem>>, vector<1x16xf32>,
        %get3A_750 = vector.shape_cast %get3A_749 : vector<1x16xf32> to vector<16xf32>
        %add3A_751 = arith.addf %scan3A_721, %get3A_750 : vector<16xf32>
        %get3A_752 = arith.index_cast %add3A_731 : i32 to index
        %get3A_753 = arith.constant 64 : index
        %get3A_754 = tpu.vector_load %arg8[%get3A_752, %get3A_753] {strides = array<i32>} : memref<100x128xf32, #tpu.memory_space<vmem>>, vector<1x16xf32>,
        %get3A_755 = vector.shape_cast %get3A_754 : vector<1x16xf32> to vector<16xf32>
        %add3A_756 = arith.addf %scan3A_722, %get3A_755 : vector<16xf32>
        %get3A_757 = arith.index_cast %add3A_731 : i32 to index
        %get3A_758 = arith.constant 80 : index
        %get3A_759 = tpu.vector_load %arg8[%get3A_757, %get3A_758] {strides = array<i32>} : memref<100x128xf32, #tpu.memory_space<vmem>>, vector<1x16xf32>,
        %get3A_760 = vector.shape_cast %get3A_759 : vector<1x16xf32> to vector<16xf32>
        %add3A_761 = arith.addf %scan3A_723, %get3A_760 : vector<16xf32>
        %get3A_762 = arith.index_cast %add3A_731 : i32 to index
        %get3A_763 = arith.constant 96 : index
        %get3A_764 = tpu.vector_load %arg8[%get3A_762, %get3A_763] {strides = array<i32>} : memref<100x128xf32, #tpu.memory_space<vmem>>, vector<1x16xf32>,
        %get3A_765 = vector.shape_cast %get3A_764 : vector<1x16xf32> to vector<16xf32>
        %add3A_766 = arith.addf %scan3A_724, %get3A_765 : vector<16xf32>
        %get3A_767 = arith.index_cast %add3A_731 : i32 to index
        %get3A_768 = arith.constant 112 : index
        %get3A_769 = tpu.vector_load %arg8[%get3A_767, %get3A_768] {strides = array<i32>} : memref<100x128xf32, #tpu.memory_space<vmem>>, vector<1x16xf32>,
        %get3A_770 = vector.shape_cast %get3A_769 : vector<1x16xf32> to vector<16xf32>
        %add3A_771 = arith.addf %scan3A_725, %get3A_770 : vector<16xf32>
        %mul3A_772 = arith.constant 5 : i32
        %mul3A_773 = arith.muli %scan3A_717, %mul3A_772 : i32
        %add3A_774 = arith.constant 50 : i32
        %add3A_775 = arith.addi %add3A_774, %mul3A_773 : i32
        %add3A_776 = arith.constant 1 : i32
        %add3A_777 = arith.addi %add3A_775, %add3A_776 : i32
        %get3A_778 = arith.index_cast %add3A_777 : i32 to index
        %get3A_779 = arith.constant 0 : index
        %get3A_780 = tpu.vector_load %arg8[%get3A_778, %get3A_779] {strides = array<i32>} : memref<100x128xf32, #tpu.memory_space<vmem>>, vector<1x16xf32>,
        %get3A_781 = vector.shape_cast %get3A_780 : vector<1x16xf32> to vector<16xf32>
        %add3A_782 = arith.addf %add3A_736, %get3A_781 : vector<16xf32>
        %get3A_783 = arith.index_cast %add3A_777 : i32 to index
        %get3A_784 = arith.constant 16 : index
        %get3A_785 = tpu.vector_load %arg8[%get3A_783, %get3A_784] {strides = array<i32>} : memref<100x128xf32, #tpu.memory_space<vmem>>, vector<1x16xf32>,
        %get3A_786 = vector.shape_cast %get3A_785 : vector<1x16xf32> to vector<16xf32>
        %add3A_787 = arith.addf %add3A_741, %get3A_786 : vector<16xf32>
        %get3A_788 = arith.index_cast %add3A_777 : i32 to index
        %get3A_789 = arith.constant 32 : index
        %get3A_790 = tpu.vector_load %arg8[%get3A_788, %get3A_789] {strides = array<i32>} : memref<100x128xf32, #tpu.memory_space<vmem>>, vector<1x16xf32>,
        %get3A_791 = vector.shape_cast %get3A_790 : vector<1x16xf32> to vector<16xf32>
        %add3A_792 = arith.addf %add3A_746, %get3A_791 : vector<16xf32>
        %get3A_793 = arith.index_cast %add3A_777 : i32 to index
        %get3A_794 = arith.constant 48 : index
        %get3A_795 = tpu.vector_load %arg8[%get3A_793, %get3A_794] {strides = array<i32>} : memref<100x128xf32, #tpu.memory_space<vmem>>, vector<1x16xf32>,
        %get3A_796 = vector.shape_cast %get3A_795 : vector<1x16xf32> to vector<16xf32>
        %add3A_797 = arith.addf %add3A_751, %get3A_796 : vector<16xf32>
        %get3A_798 = arith.index_cast %add3A_777 : i32 to index
        %get3A_799 = arith.constant 64 : index
        %get3A_800 = tpu.vector_load %arg8[%get3A_798, %get3A_799] {strides = array<i32>} : memref<100x128xf32, #tpu.memory_space<vmem>>, vector<1x16xf32>,
        %get3A_801 = vector.shape_cast %get3A_800 : vector<1x16xf32> to vector<16xf32>
        %add3A_802 = arith.addf %add3A_756, %get3A_801 : vector<16xf32>
        %get3A_803 = arith.index_cast %add3A_777 : i32 to index
        %get3A_804 = arith.constant 80 : index
        %get3A_805 = tpu.vector_load %arg8[%get3A_803, %get3A_804] {strides = array<i32>} : memref<100x128xf32, #tpu.memory_space<vmem>>, vector<1x16xf32>,
        %get3A_806 = vector.shape_cast %get3A_805 : vector<1x16xf32> to vector<16xf32>
        %add3A_807 = arith.addf %add3A_761, %get3A_806 : vector<16xf32>
        %get3A_808 = arith.index_cast %add3A_777 : i32 to index
        %get3A_809 = arith.constant 96 : index
        %get3A_810 = tpu.vector_load %arg8[%get3A_808, %get3A_809] {strides = array<i32>} : memref<100x128xf32, #tpu.memory_space<vmem>>, vector<1x16xf32>,
        %get3A_811 = vector.shape_cast %get3A_810 : vector<1x16xf32> to vector<16xf32>
        %add3A_812 = arith.addf %add3A_766, %get3A_811 : vector<16xf32>
        %get3A_813 = arith.index_cast %add3A_777 : i32 to index
        %get3A_814 = arith.constant 112 : index
        %get3A_815 = tpu.vector_load %arg8[%get3A_813, %get3A_814] {strides = array<i32>} : memref<100x128xf32, #tpu.memory_space<vmem>>, vector<1x16xf32>,
        %get3A_816 = vector.shape_cast %get3A_815 : vector<1x16xf32> to vector<16xf32>
        %add3A_817 = arith.addf %add3A_771, %get3A_816 : vector<16xf32>
        %mul3A_818 = arith.constant 5 : i32
        %mul3A_819 = arith.muli %scan3A_717, %mul3A_818 : i32
        %add3A_820 = arith.constant 50 : i32
        %add3A_821 = arith.addi %add3A_820, %mul3A_819 : i32
        %add3A_822 = arith.constant 2 : i32
        %add3A_823 = arith.addi %add3A_821, %add3A_822 : i32
        %get3A_824 = arith.index_cast %add3A_823 : i32 to index
        %get3A_825 = arith.constant 0 : index
        %get3A_826 = tpu.vector_load %arg8[%get3A_824, %get3A_825] {strides = array<i32>} : memref<100x128xf32, #tpu.memory_space<vmem>>, vector<1x16xf32>,
        %get3A_827 = vector.shape_cast %get3A_826 : vector<1x16xf32> to vector<16xf32>
        %add3A_828 = arith.addf %add3A_782, %get3A_827 : vector<16xf32>
        %get3A_829 = arith.index_cast %add3A_823 : i32 to index
        %get3A_830 = arith.constant 16 : index
        %get3A_831 = tpu.vector_load %arg8[%get3A_829, %get3A_830] {strides = array<i32>} : memref<100x128xf32, #tpu.memory_space<vmem>>, vector<1x16xf32>,
        %get3A_832 = vector.shape_cast %get3A_831 : vector<1x16xf32> to vector<16xf32>
        %add3A_833 = arith.addf %add3A_787, %get3A_832 : vector<16xf32>
        %get3A_834 = arith.index_cast %add3A_823 : i32 to index
        %get3A_835 = arith.constant 32 : index
        %get3A_836 = tpu.vector_load %arg8[%get3A_834, %get3A_835] {strides = array<i32>} : memref<100x128xf32, #tpu.memory_space<vmem>>, vector<1x16xf32>,
        %get3A_837 = vector.shape_cast %get3A_836 : vector<1x16xf32> to vector<16xf32>
        %add3A_838 = arith.addf %add3A_792, %get3A_837 : vector<16xf32>
        %get3A_839 = arith.index_cast %add3A_823 : i32 to index
        %get3A_840 = arith.constant 48 : index
        %get3A_841 = tpu.vector_load %arg8[%get3A_839, %get3A_840] {strides = array<i32>} : memref<100x128xf32, #tpu.memory_space<vmem>>, vector<1x16xf32>,
        %get3A_842 = vector.shape_cast %get3A_841 : vector<1x16xf32> to vector<16xf32>
        %add3A_843 = arith.addf %add3A_797, %get3A_842 : vector<16xf32>
        %get3A_844 = arith.index_cast %add3A_823 : i32 to index
        %get3A_845 = arith.constant 64 : index
        %get3A_846 = tpu.vector_load %arg8[%get3A_844, %get3A_845] {strides = array<i32>} : memref<100x128xf32, #tpu.memory_space<vmem>>, vector<1x16xf32>,
        %get3A_847 = vector.shape_cast %get3A_846 : vector<1x16xf32> to vector<16xf32>
        %add3A_848 = arith.addf %add3A_802, %get3A_847 : vector<16xf32>
        %get3A_849 = arith.index_cast %add3A_823 : i32 to index
        %get3A_850 = arith.constant 80 : index
        %get3A_851 = tpu.vector_load %arg8[%get3A_849, %get3A_850] {strides = array<i32>} : memref<100x128xf32, #tpu.memory_space<vmem>>, vector<1x16xf32>,
        %get3A_852 = vector.shape_cast %get3A_851 : vector<1x16xf32> to vector<16xf32>
        %add3A_853 = arith.addf %add3A_807, %get3A_852 : vector<16xf32>
        %get3A_854 = arith.index_cast %add3A_823 : i32 to index
        %get3A_855 = arith.constant 96 : index
        %get3A_856 = tpu.vector_load %arg8[%get3A_854, %get3A_855] {strides = array<i32>} : memref<100x128xf32, #tpu.memory_space<vmem>>, vector<1x16xf32>,
        %get3A_857 = vector.shape_cast %get3A_856 : vector<1x16xf32> to vector<16xf32>
        %add3A_858 = arith.addf %add3A_812, %get3A_857 : vector<16xf32>
        %get3A_859 = arith.index_cast %add3A_823 : i32 to index
        %get3A_860 = arith.constant 112 : index
        %get3A_861 = tpu.vector_load %arg8[%get3A_859, %get3A_860] {strides = array<i32>} : memref<100x128xf32, #tpu.memory_space<vmem>>, vector<1x16xf32>,
        %get3A_862 = vector.shape_cast %get3A_861 : vector<1x16xf32> to vector<16xf32>
        %add3A_863 = arith.addf %add3A_817, %get3A_862 : vector<16xf32>
        %mul3A_864 = arith.constant 5 : i32
        %mul3A_865 = arith.muli %scan3A_717, %mul3A_864 : i32
        %add3A_866 = arith.constant 50 : i32
        %add3A_867 = arith.addi %add3A_866, %mul3A_865 : i32
        %add3A_868 = arith.constant 3 : i32
        %add3A_869 = arith.addi %add3A_867, %add3A_868 : i32
        %get3A_870 = arith.index_cast %add3A_869 : i32 to index
        %get3A_871 = arith.constant 0 : index
        %get3A_872 = tpu.vector_load %arg8[%get3A_870, %get3A_871] {strides = array<i32>} : memref<100x128xf32, #tpu.memory_space<vmem>>, vector<1x16xf32>,
        %get3A_873 = vector.shape_cast %get3A_872 : vector<1x16xf32> to vector<16xf32>
        %add3A_874 = arith.addf %add3A_828, %get3A_873 : vector<16xf32>
        %get3A_875 = arith.index_cast %add3A_869 : i32 to index
        %get3A_876 = arith.constant 16 : index
        %get3A_877 = tpu.vector_load %arg8[%get3A_875, %get3A_876] {strides = array<i32>} : memref<100x128xf32, #tpu.memory_space<vmem>>, vector<1x16xf32>,
        %get3A_878 = vector.shape_cast %get3A_877 : vector<1x16xf32> to vector<16xf32>
        %add3A_879 = arith.addf %add3A_833, %get3A_878 : vector<16xf32>
        %get3A_880 = arith.index_cast %add3A_869 : i32 to index
        %get3A_881 = arith.constant 32 : index
        %get3A_882 = tpu.vector_load %arg8[%get3A_880, %get3A_881] {strides = array<i32>} : memref<100x128xf32, #tpu.memory_space<vmem>>, vector<1x16xf32>,
        %get3A_883 = vector.shape_cast %get3A_882 : vector<1x16xf32> to vector<16xf32>
        %add3A_884 = arith.addf %add3A_838, %get3A_883 : vector<16xf32>
        %get3A_885 = arith.index_cast %add3A_869 : i32 to index
        %get3A_886 = arith.constant 48 : index
        %get3A_887 = tpu.vector_load %arg8[%get3A_885, %get3A_886] {strides = array<i32>} : memref<100x128xf32, #tpu.memory_space<vmem>>, vector<1x16xf32>,
        %get3A_888 = vector.shape_cast %get3A_887 : vector<1x16xf32> to vector<16xf32>
        %add3A_889 = arith.addf %add3A_843, %get3A_888 : vector<16xf32>
        %get3A_890 = arith.index_cast %add3A_869 : i32 to index
        %get3A_891 = arith.constant 64 : index
        %get3A_892 = tpu.vector_load %arg8[%get3A_890, %get3A_891] {strides = array<i32>} : memref<100x128xf32, #tpu.memory_space<vmem>>, vector<1x16xf32>,
        %get3A_893 = vector.shape_cast %get3A_892 : vector<1x16xf32> to vector<16xf32>
        %add3A_894 = arith.addf %add3A_848, %get3A_893 : vector<16xf32>
        %get3A_895 = arith.index_cast %add3A_869 : i32 to index
        %get3A_896 = arith.constant 80 : index
        %get3A_897 = tpu.vector_load %arg8[%get3A_895, %get3A_896] {strides = array<i32>} : memref<100x128xf32, #tpu.memory_space<vmem>>, vector<1x16xf32>,
        %get3A_898 = vector.shape_cast %get3A_897 : vector<1x16xf32> to vector<16xf32>
        %add3A_899 = arith.addf %add3A_853, %get3A_898 : vector<16xf32>
        %get3A_900 = arith.index_cast %add3A_869 : i32 to index
        %get3A_901 = arith.constant 96 : index
        %get3A_902 = tpu.vector_load %arg8[%get3A_900, %get3A_901] {strides = array<i32>} : memref<100x128xf32, #tpu.memory_space<vmem>>, vector<1x16xf32>,
        %get3A_903 = vector.shape_cast %get3A_902 : vector<1x16xf32> to vector<16xf32>
        %add3A_904 = arith.addf %add3A_858, %get3A_903 : vector<16xf32>
        %get3A_905 = arith.index_cast %add3A_869 : i32 to index
        %get3A_906 = arith.constant 112 : index
        %get3A_907 = tpu.vector_load %arg8[%get3A_905, %get3A_906] {strides = array<i32>} : memref<100x128xf32, #tpu.memory_space<vmem>>, vector<1x16xf32>,
        %get3A_908 = vector.shape_cast %get3A_907 : vector<1x16xf32> to vector<16xf32>
        %add3A_909 = arith.addf %add3A_863, %get3A_908 : vector<16xf32>
        %mul3A_910 = arith.constant 5 : i32
        %mul3A_911 = arith.muli %scan3A_717, %mul3A_910 : i32
        %add3A_912 = arith.constant 50 : i32
        %add3A_913 = arith.addi %add3A_912, %mul3A_911 : i32
        %add3A_914 = arith.constant 4 : i32
        %add3A_915 = arith.addi %add3A_913, %add3A_914 : i32
        %get3A_916 = arith.index_cast %add3A_915 : i32 to index
        %get3A_917 = arith.constant 0 : index
        %get3A_918 = tpu.vector_load %arg8[%get3A_916, %get3A_917] {strides = array<i32>} : memref<100x128xf32, #tpu.memory_space<vmem>>, vector<1x16xf32>,
        %get3A_919 = vector.shape_cast %get3A_918 : vector<1x16xf32> to vector<16xf32>
        %add3A_920 = arith.addf %add3A_874, %get3A_919 : vector<16xf32>
        %get3A_921 = arith.index_cast %add3A_915 : i32 to index
        %get3A_922 = arith.constant 16 : index
        %get3A_923 = tpu.vector_load %arg8[%get3A_921, %get3A_922] {strides = array<i32>} : memref<100x128xf32, #tpu.memory_space<vmem>>, vector<1x16xf32>,
        %get3A_924 = vector.shape_cast %get3A_923 : vector<1x16xf32> to vector<16xf32>
        %add3A_925 = arith.addf %add3A_879, %get3A_924 : vector<16xf32>
        %get3A_926 = arith.index_cast %add3A_915 : i32 to index
        %get3A_927 = arith.constant 32 : index
        %get3A_928 = tpu.vector_load %arg8[%get3A_926, %get3A_927] {strides = array<i32>} : memref<100x128xf32, #tpu.memory_space<vmem>>, vector<1x16xf32>,
        %get3A_929 = vector.shape_cast %get3A_928 : vector<1x16xf32> to vector<16xf32>
        %add3A_930 = arith.addf %add3A_884, %get3A_929 : vector<16xf32>
        %get3A_931 = arith.index_cast %add3A_915 : i32 to index
        %get3A_932 = arith.constant 48 : index
        %get3A_933 = tpu.vector_load %arg8[%get3A_931, %get3A_932] {strides = array<i32>} : memref<100x128xf32, #tpu.memory_space<vmem>>, vector<1x16xf32>,
        %get3A_934 = vector.shape_cast %get3A_933 : vector<1x16xf32> to vector<16xf32>
        %add3A_935 = arith.addf %add3A_889, %get3A_934 : vector<16xf32>
        %get3A_936 = arith.index_cast %add3A_915 : i32 to index
        %get3A_937 = arith.constant 64 : index
        %get3A_938 = tpu.vector_load %arg8[%get3A_936, %get3A_937] {strides = array<i32>} : memref<100x128xf32, #tpu.memory_space<vmem>>, vector<1x16xf32>,
        %get3A_939 = vector.shape_cast %get3A_938 : vector<1x16xf32> to vector<16xf32>
        %add3A_940 = arith.addf %add3A_894, %get3A_939 : vector<16xf32>
        %get3A_941 = arith.index_cast %add3A_915 : i32 to index
        %get3A_942 = arith.constant 80 : index
        %get3A_943 = tpu.vector_load %arg8[%get3A_941, %get3A_942] {strides = array<i32>} : memref<100x128xf32, #tpu.memory_space<vmem>>, vector<1x16xf32>,
        %get3A_944 = vector.shape_cast %get3A_943 : vector<1x16xf32> to vector<16xf32>
        %add3A_945 = arith.addf %add3A_899, %get3A_944 : vector<16xf32>
        %get3A_946 = arith.index_cast %add3A_915 : i32 to index
        %get3A_947 = arith.constant 96 : index
        %get3A_948 = tpu.vector_load %arg8[%get3A_946, %get3A_947] {strides = array<i32>} : memref<100x128xf32, #tpu.memory_space<vmem>>, vector<1x16xf32>,
        %get3A_949 = vector.shape_cast %get3A_948 : vector<1x16xf32> to vector<16xf32>
        %add3A_950 = arith.addf %add3A_904, %get3A_949 : vector<16xf32>
        %get3A_951 = arith.index_cast %add3A_915 : i32 to index
        %get3A_952 = arith.constant 112 : index
        %get3A_953 = tpu.vector_load %arg8[%get3A_951, %get3A_952] {strides = array<i32>} : memref<100x128xf32, #tpu.memory_space<vmem>>, vector<1x16xf32>,
        %get3A_954 = vector.shape_cast %get3A_953 : vector<1x16xf32> to vector<16xf32>
        %add3A_955 = arith.addf %add3A_909, %get3A_954 : vector<16xf32>
        scf.yield %add3A_920, %add3A_925, %add3A_930, %add3A_935, %add3A_940, %add3A_945, %add3A_950, %add3A_955 : vector<16xf32>, vector<16xf32>, vector<16xf32>, vector<16xf32>, vector<16xf32>, vector<16xf32>, vector<16xf32>, vector<16xf32>
      }
      %scan3A_362 = arith.constant 10 : i32
      %swap3A_363 = arith.constant 1 : i32
      %swap3A_364 = arith.index_cast %swap3A_363 : i32 to index
      %swap3A_365 = arith.constant 0 : index
      %swap3A_366 = tpu.vector_load %arg10[%swap3A_364, %swap3A_365] {strides = array<i32>} : memref<2x128xf32, #tpu.memory_space<vmem>>, vector<1x16xf32>,
      %swap3A_367 = vector.shape_cast %swap3A_366 : vector<1x16xf32> to vector<16xf32>
      %swap3A_368 = vector.shape_cast %scan3A_361#0 : vector<16xf32> to vector<1x16xf32>
      tpu.vector_store %arg10[%swap3A_364, %swap3A_365], %swap3A_368 {strides = array<i32>} : memref<2x128xf32, #tpu.memory_space<vmem>>, vector<1x16xf32>,
      %swap3A_369 = arith.constant 1 : i32
      %swap3A_370 = arith.index_cast %swap3A_369 : i32 to index
      %swap3A_371 = arith.constant 16 : index
      %swap3A_372 = tpu.vector_load %arg10[%swap3A_370, %swap3A_371] {strides = array<i32>} : memref<2x128xf32, #tpu.memory_space<vmem>>, vector<1x16xf32>,
      %swap3A_373 = vector.shape_cast %swap3A_372 : vector<1x16xf32> to vector<16xf32>
      %swap3A_374 = vector.shape_cast %scan3A_361#1 : vector<16xf32> to vector<1x16xf32>
      tpu.vector_store %arg10[%swap3A_370, %swap3A_371], %swap3A_374 {strides = array<i32>} : memref<2x128xf32, #tpu.memory_space<vmem>>, vector<1x16xf32>,
      %swap3A_375 = arith.constant 1 : i32
      %swap3A_376 = arith.index_cast %swap3A_375 : i32 to index
      %swap3A_377 = arith.constant 32 : index
      %swap3A_378 = tpu.vector_load %arg10[%swap3A_376, %swap3A_377] {strides = array<i32>} : memref<2x128xf32, #tpu.memory_space<vmem>>, vector<1x16xf32>,
      %swap3A_379 = vector.shape_cast %swap3A_378 : vector<1x16xf32> to vector<16xf32>
      %swap3A_380 = vector.shape_cast %scan3A_361#2 : vector<16xf32> to vector<1x16xf32>
      tpu.vector_store %arg10[%swap3A_376, %swap3A_377], %swap3A_380 {strides = array<i32>} : memref<2x128xf32, #tpu.memory_space<vmem>>, vector<1x16xf32>,
      %swap3A_381 = arith.constant 1 : i32
      %swap3A_382 = arith.index_cast %swap3A_381 : i32 to index
      %swap3A_383 = arith.constant 48 : index
      %swap3A_384 = tpu.vector_load %arg10[%swap3A_382, %swap3A_383] {strides = array<i32>} : memref<2x128xf32, #tpu.memory_space<vmem>>, vector<1x16xf32>,
      %swap3A_385 = vector.shape_cast %swap3A_384 : vector<1x16xf32> to vector<16xf32>
      %swap3A_386 = vector.shape_cast %scan3A_361#3 : vector<16xf32> to vector<1x16xf32>
      tpu.vector_store %arg10[%swap3A_382, %swap3A_383], %swap3A_386 {strides = array<i32>} : memref<2x128xf32, #tpu.memory_space<vmem>>, vector<1x16xf32>,
      %swap3A_387 = arith.constant 1 : i32
      %swap3A_388 = arith.index_cast %swap3A_387 : i32 to index
      %swap3A_389 = arith.constant 64 : index
      %swap3A_390 = tpu.vector_load %arg10[%swap3A_388, %swap3A_389] {strides = array<i32>} : memref<2x128xf32, #tpu.memory_space<vmem>>, vector<1x16xf32>,
      %swap3A_391 = vector.shape_cast %swap3A_390 : vector<1x16xf32> to vector<16xf32>
      %swap3A_392 = vector.shape_cast %scan3A_361#4 : vector<16xf32> to vector<1x16xf32>
      tpu.vector_store %arg10[%swap3A_388, %swap3A_389], %swap3A_392 {strides = array<i32>} : memref<2x128xf32, #tpu.memory_space<vmem>>, vector<1x16xf32>,
      %swap3A_393 = arith.constant 1 : i32
      %swap3A_394 = arith.index_cast %swap3A_393 : i32 to index
      %swap3A_395 = arith.constant 80 : index
      %swap3A_396 = tpu.vector_load %arg10[%swap3A_394, %swap3A_395] {strides = array<i32>} : memref<2x128xf32, #tpu.memory_space<vmem>>, vector<1x16xf32>,
      %swap3A_397 = vector.shape_cast %swap3A_396 : vector<1x16xf32> to vector<16xf32>
      %swap3A_398 = vector.shape_cast %scan3A_361#5 : vector<16xf32> to vector<1x16xf32>
      tpu.vector_store %arg10[%swap3A_394, %swap3A_395], %swap3A_398 {strides = array<i32>} : memref<2x128xf32, #tpu.memory_space<vmem>>, vector<1x16xf32>,
      %swap3A_399 = arith.constant 1 : i32
      %swap3A_400 = arith.index_cast %swap3A_399 : i32 to index
      %swap3A_401 = arith.constant 96 : index
      %swap3A_402 = tpu.vector_load %arg10[%swap3A_400, %swap3A_401] {strides = array<i32>} : memref<2x128xf32, #tpu.memory_space<vmem>>, vector<1x16xf32>,
      %swap3A_403 = vector.shape_cast %swap3A_402 : vector<1x16xf32> to vector<16xf32>
      %swap3A_404 = vector.shape_cast %scan3A_361#6 : vector<16xf32> to vector<1x16xf32>
      tpu.vector_store %arg10[%swap3A_400, %swap3A_401], %swap3A_404 {strides = array<i32>} : memref<2x128xf32, #tpu.memory_space<vmem>>, vector<1x16xf32>,
      %swap3A_405 = arith.constant 1 : i32
      %swap3A_406 = arith.index_cast %swap3A_405 : i32 to index
      %swap3A_407 = arith.constant 112 : index
      %swap3A_408 = tpu.vector_load %arg10[%swap3A_406, %swap3A_407] {strides = array<i32>} : memref<2x128xf32, #tpu.memory_space<vmem>>, vector<1x16xf32>,
      %swap3A_409 = vector.shape_cast %swap3A_408 : vector<1x16xf32> to vector<16xf32>
      %swap3A_410 = vector.shape_cast %scan3A_361#7 : vector<16xf32> to vector<1x16xf32>
      tpu.vector_store %arg10[%swap3A_406, %swap3A_407], %swap3A_410 {strides = array<i32>} : memref<2x128xf32, #tpu.memory_space<vmem>>, vector<1x16xf32>,
      %mul3A_411 = arith.constant 2 : i32
      %mul3A_412 = arith.muli %mul3A_122, %mul3A_411 : i32
      %add3A_413 = arith.addi %mul3A_2, %mul3A_412 : i32
      %dma_start3A_414 = arith.constant 0 : i32
      %dma_start3A_415 = tpu.memref_slice %arg4[%add3A_413, %dma_start3A_414] : memref<32768x128xf32, #tpu.memory_space<hbm>> -> memref<2x128xf32, #tpu.memory_space<hbm>>
      %dma_start3A_416 = arith.constant 0 : i32
      %dma_start3A_417 = tpu.memref_slice %arg4[%add3A_413, %dma_start3A_416] : memref<32768x128xf32, #tpu.memory_space<hbm>> -> memref<2x128xf32, #tpu.memory_space<hbm>>
      tpu.enqueue_dma source(%arg10 : memref<2x128xf32, #tpu.memory_space<vmem>>) target(%dma_start3A_417 : memref<2x128xf32, #tpu.memory_space<hbm>>) target_semaphore(%arg14 : memref<!tpu.dma_semaphore, #tpu.memory_space<semaphore_mem>>)
      %add3A_418 = arith.constant 2 : i32
      %add3A_419 = arith.addi %mul3A_122, %add3A_418 : i32
      %min3A = arith.constant 511 : i32
      %min3A_420 = arith.minsi %add3A_419, %min3A : i32
      %mul3A_421 = arith.constant 128 : i32
      %mul3A_422 = arith.muli %min3A_420, %mul3A_421 : i32
      %add3A_423 = arith.constant 0 : i32
      %add3A_424 = arith.addi %mul3A_422, %add3A_423 : i32
      %add3A_425 = arith.constant 0 : i32
      %add3A_426 = arith.addi %add3A_424, %add3A_425 : i32
      %get3A_427 = arith.index_cast %add3A_426 : i32 to index
      %get3A_428 = tpu.vector_load %arg5[%get3A_427] {strides = array<i32>} : memref<65536xi32, #tpu.memory_space<vmem>>, vector<16xi32>,
      %get3A_429 = vector.shape_cast %get3A_428 : vector<16xi32> to vector<16xi32>
      %ne3A_430 = arith.constant 0 : i32
      %ne3A_431 = vector.broadcast %ne3A_430 : i32 to vector<16xi32>
      %ne3A_432 = arith.cmpi ne, %get3A_429, %ne3A_431 : vector<16xi32>
      %jit3A_433 = arith.constant 100000 : i32
      %broadcast_in_dim3A_434 = vector.broadcast %jit3A_433 : i32 to vector<16xi32>
      %select_n3A_435 = arith.select %ne3A_432, %get3A_429, %broadcast_in_dim3A_434 : vector<16xi1>, vector<16xi32>
      %swap3A_436 = arith.constant 0 : index
      %swap3A_437 = tpu.vector_load %arg6[%swap3A_436] {strides = array<i32>} : memref<100xi32, #tpu.memory_space<vmem>>, vector<16xi32>,
      %swap3A_438 = vector.shape_cast %swap3A_437 : vector<16xi32> to vector<16xi32>
      %swap3A_439 = vector.shape_cast %select_n3A_435 : vector<16xi32> to vector<16xi32>
      tpu.vector_store %arg6[%swap3A_436], %swap3A_439 {strides = array<i32>} : memref<100xi32, #tpu.memory_space<vmem>>, vector<16xi32>,
      %add3A_440 = arith.constant 0 : i32
      %add3A_441 = arith.addi %mul3A_422, %add3A_440 : i32
      %add3A_442 = arith.constant 16 : i32
      %add3A_443 = arith.addi %add3A_441, %add3A_442 : i32
      %get3A_444 = arith.index_cast %add3A_443 : i32 to index
      %get3A_445 = tpu.vector_load %arg5[%get3A_444] {strides = array<i32>} : memref<65536xi32, #tpu.memory_space<vmem>>, vector<16xi32>,
      %get3A_446 = vector.shape_cast %get3A_445 : vector<16xi32> to vector<16xi32>
      %ne3A_447 = arith.constant 0 : i32
      %ne3A_448 = vector.broadcast %ne3A_447 : i32 to vector<16xi32>
      %ne3A_449 = arith.cmpi ne, %get3A_446, %ne3A_448 : vector<16xi32>
      %jit3A_450 = arith.constant 100000 : i32
      %broadcast_in_dim3A_451 = vector.broadcast %jit3A_450 : i32 to vector<16xi32>
      %select_n3A_452 = arith.select %ne3A_449, %get3A_446, %broadcast_in_dim3A_451 : vector<16xi1>, vector<16xi32>
      %swap3A_453 = arith.constant 16 : index
      %swap3A_454 = tpu.vector_load %arg6[%swap3A_453] {strides = array<i32>} : memref<100xi32, #tpu.memory_space<vmem>>, vector<16xi32>,
      %swap3A_455 = vector.shape_cast %swap3A_454 : vector<16xi32> to vector<16xi32>
      %swap3A_456 = vector.shape_cast %select_n3A_452 : vector<16xi32> to vector<16xi32>
      tpu.vector_store %arg6[%swap3A_453], %swap3A_456 {strides = array<i32>} : memref<100xi32, #tpu.memory_space<vmem>>, vector<16xi32>,
      %add3A_457 = arith.constant 0 : i32
      %add3A_458 = arith.addi %mul3A_422, %add3A_457 : i32
      %add3A_459 = arith.constant 32 : i32
      %add3A_460 = arith.addi %add3A_458, %add3A_459 : i32
      %get3A_461 = arith.index_cast %add3A_460 : i32 to index
      %get3A_462 = tpu.vector_load %arg5[%get3A_461] {strides = array<i32>} : memref<65536xi32, #tpu.memory_space<vmem>>, vector<16xi32>,
      %get3A_463 = vector.shape_cast %get3A_462 : vector<16xi32> to vector<16xi32>
      %ne3A_464 = arith.constant 0 : i32
      %ne3A_465 = vector.broadcast %ne3A_464 : i32 to vector<16xi32>
      %ne3A_466 = arith.cmpi ne, %get3A_463, %ne3A_465 : vector<16xi32>
      %jit3A_467 = arith.constant 100000 : i32
      %broadcast_in_dim3A_468 = vector.broadcast %jit3A_467 : i32 to vector<16xi32>
      %select_n3A_469 = arith.select %ne3A_466, %get3A_463, %broadcast_in_dim3A_468 : vector<16xi1>, vector<16xi32>
      %swap3A_470 = arith.constant 32 : index
      %swap3A_471 = tpu.vector_load %arg6[%swap3A_470] {strides = array<i32>} : memref<100xi32, #tpu.memory_space<vmem>>, vector<16xi32>,
      %swap3A_472 = vector.shape_cast %swap3A_471 : vector<16xi32> to vector<16xi32>
      %swap3A_473 = vector.shape_cast %select_n3A_469 : vector<16xi32> to vector<16xi32>
      tpu.vector_store %arg6[%swap3A_470], %swap3A_473 {strides = array<i32>} : memref<100xi32, #tpu.memory_space<vmem>>, vector<16xi32>,
      %add3A_474 = arith.constant 0 : i32
      %add3A_475 = arith.addi %mul3A_422, %add3A_474 : i32
      %add3A_476 = arith.constant 34 : i32
      %add3A_477 = arith.addi %add3A_475, %add3A_476 : i32
      %get3A_478 = arith.index_cast %add3A_477 : i32 to index
      %get3A_479 = tpu.vector_load %arg5[%get3A_478] {strides = array<i32>} : memref<65536xi32, #tpu.memory_space<vmem>>, vector<16xi32>,
      %get3A_480 = vector.shape_cast %get3A_479 : vector<16xi32> to vector<16xi32>
      %ne3A_481 = arith.constant 0 : i32
      %ne3A_482 = vector.broadcast %ne3A_481 : i32 to vector<16xi32>
      %ne3A_483 = arith.cmpi ne, %get3A_480, %ne3A_482 : vector<16xi32>
      %jit3A_484 = arith.constant 100000 : i32
      %broadcast_in_dim3A_485 = vector.broadcast %jit3A_484 : i32 to vector<16xi32>
      %select_n3A_486 = arith.select %ne3A_483, %get3A_480, %broadcast_in_dim3A_485 : vector<16xi1>, vector<16xi32>
      %swap3A_487 = arith.constant 34 : index
      %swap3A_488 = tpu.vector_load %arg6[%swap3A_487] {strides = array<i32>} : memref<100xi32, #tpu.memory_space<vmem>>, vector<16xi32>,
      %swap3A_489 = vector.shape_cast %swap3A_488 : vector<16xi32> to vector<16xi32>
      %swap3A_490 = vector.shape_cast %select_n3A_486 : vector<16xi32> to vector<16xi32>
      tpu.vector_store %arg6[%swap3A_487], %swap3A_490 {strides = array<i32>} : memref<100xi32, #tpu.memory_space<vmem>>, vector<16xi32>,
      %add3A_491 = arith.constant 64 : i32
      %add3A_492 = arith.addi %mul3A_422, %add3A_491 : i32
      %add3A_493 = arith.constant 0 : i32
      %add3A_494 = arith.addi %add3A_492, %add3A_493 : i32
      %get3A_495 = arith.index_cast %add3A_494 : i32 to index
      %get3A_496 = tpu.vector_load %arg5[%get3A_495] {strides = array<i32>} : memref<65536xi32, #tpu.memory_space<vmem>>, vector<16xi32>,
      %get3A_497 = vector.shape_cast %get3A_496 : vector<16xi32> to vector<16xi32>
      %ne3A_498 = arith.constant 0 : i32
      %ne3A_499 = vector.broadcast %ne3A_498 : i32 to vector<16xi32>
      %ne3A_500 = arith.cmpi ne, %get3A_497, %ne3A_499 : vector<16xi32>
      %jit3A_501 = arith.constant 100000 : i32
      %broadcast_in_dim3A_502 = vector.broadcast %jit3A_501 : i32 to vector<16xi32>
      %select_n3A_503 = arith.select %ne3A_500, %get3A_497, %broadcast_in_dim3A_502 : vector<16xi1>, vector<16xi32>
      %swap3A_504 = arith.constant 50 : index
      %swap3A_505 = tpu.vector_load %arg6[%swap3A_504] {strides = array<i32>} : memref<100xi32, #tpu.memory_space<vmem>>, vector<16xi32>,
      %swap3A_506 = vector.shape_cast %swap3A_505 : vector<16xi32> to vector<16xi32>
      %swap3A_507 = vector.shape_cast %select_n3A_503 : vector<16xi32> to vector<16xi32>
      tpu.vector_store %arg6[%swap3A_504], %swap3A_507 {strides = array<i32>} : memref<100xi32, #tpu.memory_space<vmem>>, vector<16xi32>,
      %add3A_508 = arith.constant 64 : i32
      %add3A_509 = arith.addi %mul3A_422, %add3A_508 : i32
      %add3A_510 = arith.constant 16 : i32
      %add3A_511 = arith.addi %add3A_509, %add3A_510 : i32
      %get3A_512 = arith.index_cast %add3A_511 : i32 to index
      %get3A_513 = tpu.vector_load %arg5[%get3A_512] {strides = array<i32>} : memref<65536xi32, #tpu.memory_space<vmem>>, vector<16xi32>,
      %get3A_514 = vector.shape_cast %get3A_513 : vector<16xi32> to vector<16xi32>
      %ne3A_515 = arith.constant 0 : i32
      %ne3A_516 = vector.broadcast %ne3A_515 : i32 to vector<16xi32>
      %ne3A_517 = arith.cmpi ne, %get3A_514, %ne3A_516 : vector<16xi32>
      %jit3A_518 = arith.constant 100000 : i32
      %broadcast_in_dim3A_519 = vector.broadcast %jit3A_518 : i32 to vector<16xi32>
      %select_n3A_520 = arith.select %ne3A_517, %get3A_514, %broadcast_in_dim3A_519 : vector<16xi1>, vector<16xi32>
      %swap3A_521 = arith.constant 66 : index
      %swap3A_522 = tpu.vector_load %arg6[%swap3A_521] {strides = array<i32>} : memref<100xi32, #tpu.memory_space<vmem>>, vector<16xi32>,
      %swap3A_523 = vector.shape_cast %swap3A_522 : vector<16xi32> to vector<16xi32>
      %swap3A_524 = vector.shape_cast %select_n3A_520 : vector<16xi32> to vector<16xi32>
      tpu.vector_store %arg6[%swap3A_521], %swap3A_524 {strides = array<i32>} : memref<100xi32, #tpu.memory_space<vmem>>, vector<16xi32>,
      %add3A_525 = arith.constant 64 : i32
      %add3A_526 = arith.addi %mul3A_422, %add3A_525 : i32
      %add3A_527 = arith.constant 32 : i32
      %add3A_528 = arith.addi %add3A_526, %add3A_527 : i32
      %get3A_529 = arith.index_cast %add3A_528 : i32 to index
      %get3A_530 = tpu.vector_load %arg5[%get3A_529] {strides = array<i32>} : memref<65536xi32, #tpu.memory_space<vmem>>, vector<16xi32>,
      %get3A_531 = vector.shape_cast %get3A_530 : vector<16xi32> to vector<16xi32>
      %ne3A_532 = arith.constant 0 : i32
      %ne3A_533 = vector.broadcast %ne3A_532 : i32 to vector<16xi32>
      %ne3A_534 = arith.cmpi ne, %get3A_531, %ne3A_533 : vector<16xi32>
      %jit3A_535 = arith.constant 100000 : i32
      %broadcast_in_dim3A_536 = vector.broadcast %jit3A_535 : i32 to vector<16xi32>
      %select_n3A_537 = arith.select %ne3A_534, %get3A_531, %broadcast_in_dim3A_536 : vector<16xi1>, vector<16xi32>
      %swap3A_538 = arith.constant 82 : index
      %swap3A_539 = tpu.vector_load %arg6[%swap3A_538] {strides = array<i32>} : memref<100xi32, #tpu.memory_space<vmem>>, vector<16xi32>,
      %swap3A_540 = vector.shape_cast %swap3A_539 : vector<16xi32> to vector<16xi32>
      %swap3A_541 = vector.shape_cast %select_n3A_537 : vector<16xi32> to vector<16xi32>
      tpu.vector_store %arg6[%swap3A_538], %swap3A_541 {strides = array<i32>} : memref<100xi32, #tpu.memory_space<vmem>>, vector<16xi32>,
      %add3A_542 = arith.constant 64 : i32
      %add3A_543 = arith.addi %mul3A_422, %add3A_542 : i32
      %add3A_544 = arith.constant 34 : i32
      %add3A_545 = arith.addi %add3A_543, %add3A_544 : i32
      %get3A_546 = arith.index_cast %add3A_545 : i32 to index
      %get3A_547 = tpu.vector_load %arg5[%get3A_546] {strides = array<i32>} : memref<65536xi32, #tpu.memory_space<vmem>>, vector<16xi32>,
      %get3A_548 = vector.shape_cast %get3A_547 : vector<16xi32> to vector<16xi32>
      %ne3A_549 = arith.constant 0 : i32
      %ne3A_550 = vector.broadcast %ne3A_549 : i32 to vector<16xi32>
      %ne3A_551 = arith.cmpi ne, %get3A_548, %ne3A_550 : vector<16xi32>
      %jit3A_552 = arith.constant 100000 : i32
      %broadcast_in_dim3A_553 = vector.broadcast %jit3A_552 : i32 to vector<16xi32>
      %select_n3A_554 = arith.select %ne3A_551, %get3A_548, %broadcast_in_dim3A_553 : vector<16xi1>, vector<16xi32>
      %swap3A_555 = arith.constant 84 : index
      %swap3A_556 = tpu.vector_load %arg6[%swap3A_555] {strides = array<i32>} : memref<100xi32, #tpu.memory_space<vmem>>, vector<16xi32>,
      %swap3A_557 = vector.shape_cast %swap3A_556 : vector<16xi32> to vector<16xi32>
      %swap3A_558 = vector.shape_cast %select_n3A_554 : vector<16xi32> to vector<16xi32>
      tpu.vector_store %arg6[%swap3A_555], %swap3A_558 {strides = array<i32>} : memref<100xi32, #tpu.memory_space<vmem>>, vector<16xi32>,
      %dma_start3A_559 = arith.constant 0 : i32
      %dma_start3A_560 = arith.constant 0 : i32
      %dma_start3A_561 = tpu.memref_slice %arg3[%dma_start3A_559, %dma_start3A_560] : memref<100008x128xf32, #tpu.memory_space<hbm>> -> memref<100008x128xf32, #tpu.memory_space<hbm>>
      tpu.enqueue_indirect_dma source(%dma_start3A_561 : memref<100008x128xf32, #tpu.memory_space<hbm>>) target(%arg8 : memref<100x128xf32, #tpu.memory_space<vmem>>) offsets(%arg6 : memref<100xi32, #tpu.memory_space<vmem>>) semaphore(%arg12 : memref<!tpu.dma_semaphore, #tpu.memory_space<semaphore_mem>>)
      %dma_wait3A_562 = arith.constant 0 : i32
      %dma_wait3A_563 = arith.constant 0 : i32
      %dma_wait3A_564 = tpu.memref_slice %arg3[%dma_wait3A_562, %dma_wait3A_563] : memref<100008x128xf32, #tpu.memory_space<hbm>> -> memref<100008x128xf32, #tpu.memory_space<hbm>>
      tpu.wait_indirect_dma semaphore(%arg13 : memref<!tpu.dma_semaphore, #tpu.memory_space<semaphore_mem>>) src(%dma_wait3A_564 : memref<100008x128xf32, #tpu.memory_space<hbm>>) dst(%arg9 : memref<100x128xf32, #tpu.memory_space<vmem>>)
      %gt3A_565 = arith.constant 0 : i32
      %gt3A_566 = arith.cmpi sgt, %scan3A_120, %gt3A_565 : i32
      %convert_element_type3A_567 = arith.extui %gt3A_566 : i1 to i32
      %cond3A_568 = arith.constant 0 : i32
      %cond3A_569 = arith.cmpi ne, %convert_element_type3A_567, %cond3A_568 : i32
      scf.if %cond3A_569 {
        %dma_wait3A_717 = arith.constant 0 : i32
        %dma_wait3A_718 = tpu.memref_slice %arg4[%mul3A_2, %dma_wait3A_717] : memref<32768x128xf32, #tpu.memory_space<hbm>> -> memref<2x128xf32, #tpu.memory_space<hbm>>
        %dma_wait3A_719 = arith.constant 0 : i32
        %dma_wait3A_720 = tpu.memref_slice %arg4[%mul3A_2, %dma_wait3A_719] : memref<32768x128xf32, #tpu.memory_space<hbm>> -> memref<2x128xf32, #tpu.memory_space<hbm>>
        tpu.wait_dma2 semaphore(%arg15 : memref<!tpu.dma_semaphore, #tpu.memory_space<semaphore_mem>>) src(%arg11 : memref<2x128xf32, #tpu.memory_space<vmem>>) dst(%dma_wait3A_720 : memref<2x128xf32, #tpu.memory_space<hbm>>)
      } else {
      }
      %broadcast_in_dim3A_570 = arith.constant 0.000000e+00 : f32
      %broadcast_in_dim3A_571 = vector.broadcast %broadcast_in_dim3A_570 : f32 to vector<16xf32>
      %broadcast_in_dim3A_572 = arith.constant 0.000000e+00 : f32
      %broadcast_in_dim3A_573 = vector.broadcast %broadcast_in_dim3A_572 : f32 to vector<16xf32>
      %broadcast_in_dim3A_574 = arith.constant 0.000000e+00 : f32
      %broadcast_in_dim3A_575 = vector.broadcast %broadcast_in_dim3A_574 : f32 to vector<16xf32>
      %broadcast_in_dim3A_576 = arith.constant 0.000000e+00 : f32
      %broadcast_in_dim3A_577 = vector.broadcast %broadcast_in_dim3A_576 : f32 to vector<16xf32>
      %broadcast_in_dim3A_578 = arith.constant 0.000000e+00 : f32
      %broadcast_in_dim3A_579 = vector.broadcast %broadcast_in_dim3A_578 : f32 to vector<16xf32>
      %broadcast_in_dim3A_580 = arith.constant 0.000000e+00 : f32
      %broadcast_in_dim3A_581 = vector.broadcast %broadcast_in_dim3A_580 : f32 to vector<16xf32>
      %broadcast_in_dim3A_582 = arith.constant 0.000000e+00 : f32
      %broadcast_in_dim3A_583 = vector.broadcast %broadcast_in_dim3A_582 : f32 to vector<16xf32>
      %broadcast_in_dim3A_584 = arith.constant 0.000000e+00 : f32
      %broadcast_in_dim3A_585 = vector.broadcast %broadcast_in_dim3A_584 : f32 to vector<16xf32>
      %scan3A_586 = arith.constant 0 : i32
      %scan3A_587 = arith.constant 10 : i32
      %scan3A_588 = arith.addi %scan3A_586, %scan3A_587 : i32
      %scan3A_589 = arith.constant 1 : i32
      %scan3A_590:8 = scf.for %scan3A_717 = %scan3A_586 to %scan3A_588 step %scan3A_589 iter_args(%scan3A_718 = %broadcast_in_dim3A_571, %scan3A_719 = %broadcast_in_dim3A_573, %scan3A_720 = %broadcast_in_dim3A_575, %scan3A_721 = %broadcast_in_dim3A_577, %scan3A_722 = %broadcast_in_dim3A_579, %scan3A_723 = %broadcast_in_dim3A_581, %scan3A_724 = %broadcast_in_dim3A_583, %scan3A_725 = %broadcast_in_dim3A_585) -> (vector<16xf32>, vector<16xf32>, vector<16xf32>, vector<16xf32>, vector<16xf32>, vector<16xf32>, vector<16xf32>, vector<16xf32>)  : i32 {
        %mul3A_726 = arith.constant 5 : i32
        %mul3A_727 = arith.muli %scan3A_717, %mul3A_726 : i32
        %add3A_728 = arith.constant 0 : i32
        %add3A_729 = arith.addi %add3A_728, %mul3A_727 : i32
        %add3A_730 = arith.constant 0 : i32
        %add3A_731 = arith.addi %add3A_729, %add3A_730 : i32
        %get3A_732 = arith.index_cast %add3A_731 : i32 to index
        %get3A_733 = arith.constant 0 : index
        %get3A_734 = tpu.vector_load %arg9[%get3A_732, %get3A_733] {strides = array<i32>} : memref<100x128xf32, #tpu.memory_space<vmem>>, vector<1x16xf32>,
        %get3A_735 = vector.shape_cast %get3A_734 : vector<1x16xf32> to vector<16xf32>
        %add3A_736 = arith.addf %scan3A_718, %get3A_735 : vector<16xf32>
        %get3A_737 = arith.index_cast %add3A_731 : i32 to index
        %get3A_738 = arith.constant 16 : index
        %get3A_739 = tpu.vector_load %arg9[%get3A_737, %get3A_738] {strides = array<i32>} : memref<100x128xf32, #tpu.memory_space<vmem>>, vector<1x16xf32>,
        %get3A_740 = vector.shape_cast %get3A_739 : vector<1x16xf32> to vector<16xf32>
        %add3A_741 = arith.addf %scan3A_719, %get3A_740 : vector<16xf32>
        %get3A_742 = arith.index_cast %add3A_731 : i32 to index
        %get3A_743 = arith.constant 32 : index
        %get3A_744 = tpu.vector_load %arg9[%get3A_742, %get3A_743] {strides = array<i32>} : memref<100x128xf32, #tpu.memory_space<vmem>>, vector<1x16xf32>,
        %get3A_745 = vector.shape_cast %get3A_744 : vector<1x16xf32> to vector<16xf32>
        %add3A_746 = arith.addf %scan3A_720, %get3A_745 : vector<16xf32>
        %get3A_747 = arith.index_cast %add3A_731 : i32 to index
        %get3A_748 = arith.constant 48 : index
        %get3A_749 = tpu.vector_load %arg9[%get3A_747, %get3A_748] {strides = array<i32>} : memref<100x128xf32, #tpu.memory_space<vmem>>, vector<1x16xf32>,
        %get3A_750 = vector.shape_cast %get3A_749 : vector<1x16xf32> to vector<16xf32>
        %add3A_751 = arith.addf %scan3A_721, %get3A_750 : vector<16xf32>
        %get3A_752 = arith.index_cast %add3A_731 : i32 to index
        %get3A_753 = arith.constant 64 : index
        %get3A_754 = tpu.vector_load %arg9[%get3A_752, %get3A_753] {strides = array<i32>} : memref<100x128xf32, #tpu.memory_space<vmem>>, vector<1x16xf32>,
        %get3A_755 = vector.shape_cast %get3A_754 : vector<1x16xf32> to vector<16xf32>
        %add3A_756 = arith.addf %scan3A_722, %get3A_755 : vector<16xf32>
        %get3A_757 = arith.index_cast %add3A_731 : i32 to index
        %get3A_758 = arith.constant 80 : index
        %get3A_759 = tpu.vector_load %arg9[%get3A_757, %get3A_758] {strides = array<i32>} : memref<100x128xf32, #tpu.memory_space<vmem>>, vector<1x16xf32>,
        %get3A_760 = vector.shape_cast %get3A_759 : vector<1x16xf32> to vector<16xf32>
        %add3A_761 = arith.addf %scan3A_723, %get3A_760 : vector<16xf32>
        %get3A_762 = arith.index_cast %add3A_731 : i32 to index
        %get3A_763 = arith.constant 96 : index
        %get3A_764 = tpu.vector_load %arg9[%get3A_762, %get3A_763] {strides = array<i32>} : memref<100x128xf32, #tpu.memory_space<vmem>>, vector<1x16xf32>,
        %get3A_765 = vector.shape_cast %get3A_764 : vector<1x16xf32> to vector<16xf32>
        %add3A_766 = arith.addf %scan3A_724, %get3A_765 : vector<16xf32>
        %get3A_767 = arith.index_cast %add3A_731 : i32 to index
        %get3A_768 = arith.constant 112 : index
        %get3A_769 = tpu.vector_load %arg9[%get3A_767, %get3A_768] {strides = array<i32>} : memref<100x128xf32, #tpu.memory_space<vmem>>, vector<1x16xf32>,
        %get3A_770 = vector.shape_cast %get3A_769 : vector<1x16xf32> to vector<16xf32>
        %add3A_771 = arith.addf %scan3A_725, %get3A_770 : vector<16xf32>
        %mul3A_772 = arith.constant 5 : i32
        %mul3A_773 = arith.muli %scan3A_717, %mul3A_772 : i32
        %add3A_774 = arith.constant 0 : i32
        %add3A_775 = arith.addi %add3A_774, %mul3A_773 : i32
        %add3A_776 = arith.constant 1 : i32
        %add3A_777 = arith.addi %add3A_775, %add3A_776 : i32
        %get3A_778 = arith.index_cast %add3A_777 : i32 to index
        %get3A_779 = arith.constant 0 : index
        %get3A_780 = tpu.vector_load %arg9[%get3A_778, %get3A_779] {strides = array<i32>} : memref<100x128xf32, #tpu.memory_space<vmem>>, vector<1x16xf32>,
        %get3A_781 = vector.shape_cast %get3A_780 : vector<1x16xf32> to vector<16xf32>
        %add3A_782 = arith.addf %add3A_736, %get3A_781 : vector<16xf32>
        %get3A_783 = arith.index_cast %add3A_777 : i32 to index
        %get3A_784 = arith.constant 16 : index
        %get3A_785 = tpu.vector_load %arg9[%get3A_783, %get3A_784] {strides = array<i32>} : memref<100x128xf32, #tpu.memory_space<vmem>>, vector<1x16xf32>,
        %get3A_786 = vector.shape_cast %get3A_785 : vector<1x16xf32> to vector<16xf32>
        %add3A_787 = arith.addf %add3A_741, %get3A_786 : vector<16xf32>
        %get3A_788 = arith.index_cast %add3A_777 : i32 to index
        %get3A_789 = arith.constant 32 : index
        %get3A_790 = tpu.vector_load %arg9[%get3A_788, %get3A_789] {strides = array<i32>} : memref<100x128xf32, #tpu.memory_space<vmem>>, vector<1x16xf32>,
        %get3A_791 = vector.shape_cast %get3A_790 : vector<1x16xf32> to vector<16xf32>
        %add3A_792 = arith.addf %add3A_746, %get3A_791 : vector<16xf32>
        %get3A_793 = arith.index_cast %add3A_777 : i32 to index
        %get3A_794 = arith.constant 48 : index
        %get3A_795 = tpu.vector_load %arg9[%get3A_793, %get3A_794] {strides = array<i32>} : memref<100x128xf32, #tpu.memory_space<vmem>>, vector<1x16xf32>,
        %get3A_796 = vector.shape_cast %get3A_795 : vector<1x16xf32> to vector<16xf32>
        %add3A_797 = arith.addf %add3A_751, %get3A_796 : vector<16xf32>
        %get3A_798 = arith.index_cast %add3A_777 : i32 to index
        %get3A_799 = arith.constant 64 : index
        %get3A_800 = tpu.vector_load %arg9[%get3A_798, %get3A_799] {strides = array<i32>} : memref<100x128xf32, #tpu.memory_space<vmem>>, vector<1x16xf32>,
        %get3A_801 = vector.shape_cast %get3A_800 : vector<1x16xf32> to vector<16xf32>
        %add3A_802 = arith.addf %add3A_756, %get3A_801 : vector<16xf32>
        %get3A_803 = arith.index_cast %add3A_777 : i32 to index
        %get3A_804 = arith.constant 80 : index
        %get3A_805 = tpu.vector_load %arg9[%get3A_803, %get3A_804] {strides = array<i32>} : memref<100x128xf32, #tpu.memory_space<vmem>>, vector<1x16xf32>,
        %get3A_806 = vector.shape_cast %get3A_805 : vector<1x16xf32> to vector<16xf32>
        %add3A_807 = arith.addf %add3A_761, %get3A_806 : vector<16xf32>
        %get3A_808 = arith.index_cast %add3A_777 : i32 to index
        %get3A_809 = arith.constant 96 : index
        %get3A_810 = tpu.vector_load %arg9[%get3A_808, %get3A_809] {strides = array<i32>} : memref<100x128xf32, #tpu.memory_space<vmem>>, vector<1x16xf32>,
        %get3A_811 = vector.shape_cast %get3A_810 : vector<1x16xf32> to vector<16xf32>
        %add3A_812 = arith.addf %add3A_766, %get3A_811 : vector<16xf32>
        %get3A_813 = arith.index_cast %add3A_777 : i32 to index
        %get3A_814 = arith.constant 112 : index
        %get3A_815 = tpu.vector_load %arg9[%get3A_813, %get3A_814] {strides = array<i32>} : memref<100x128xf32, #tpu.memory_space<vmem>>, vector<1x16xf32>,
        %get3A_816 = vector.shape_cast %get3A_815 : vector<1x16xf32> to vector<16xf32>
        %add3A_817 = arith.addf %add3A_771, %get3A_816 : vector<16xf32>
        %mul3A_818 = arith.constant 5 : i32
        %mul3A_819 = arith.muli %scan3A_717, %mul3A_818 : i32
        %add3A_820 = arith.constant 0 : i32
        %add3A_821 = arith.addi %add3A_820, %mul3A_819 : i32
        %add3A_822 = arith.constant 2 : i32
        %add3A_823 = arith.addi %add3A_821, %add3A_822 : i32
        %get3A_824 = arith.index_cast %add3A_823 : i32 to index
        %get3A_825 = arith.constant 0 : index
        %get3A_826 = tpu.vector_load %arg9[%get3A_824, %get3A_825] {strides = array<i32>} : memref<100x128xf32, #tpu.memory_space<vmem>>, vector<1x16xf32>,
        %get3A_827 = vector.shape_cast %get3A_826 : vector<1x16xf32> to vector<16xf32>
        %add3A_828 = arith.addf %add3A_782, %get3A_827 : vector<16xf32>
        %get3A_829 = arith.index_cast %add3A_823 : i32 to index
        %get3A_830 = arith.constant 16 : index
        %get3A_831 = tpu.vector_load %arg9[%get3A_829, %get3A_830] {strides = array<i32>} : memref<100x128xf32, #tpu.memory_space<vmem>>, vector<1x16xf32>,
        %get3A_832 = vector.shape_cast %get3A_831 : vector<1x16xf32> to vector<16xf32>
        %add3A_833 = arith.addf %add3A_787, %get3A_832 : vector<16xf32>
        %get3A_834 = arith.index_cast %add3A_823 : i32 to index
        %get3A_835 = arith.constant 32 : index
        %get3A_836 = tpu.vector_load %arg9[%get3A_834, %get3A_835] {strides = array<i32>} : memref<100x128xf32, #tpu.memory_space<vmem>>, vector<1x16xf32>,
        %get3A_837 = vector.shape_cast %get3A_836 : vector<1x16xf32> to vector<16xf32>
        %add3A_838 = arith.addf %add3A_792, %get3A_837 : vector<16xf32>
        %get3A_839 = arith.index_cast %add3A_823 : i32 to index
        %get3A_840 = arith.constant 48 : index
        %get3A_841 = tpu.vector_load %arg9[%get3A_839, %get3A_840] {strides = array<i32>} : memref<100x128xf32, #tpu.memory_space<vmem>>, vector<1x16xf32>,
        %get3A_842 = vector.shape_cast %get3A_841 : vector<1x16xf32> to vector<16xf32>
        %add3A_843 = arith.addf %add3A_797, %get3A_842 : vector<16xf32>
        %get3A_844 = arith.index_cast %add3A_823 : i32 to index
        %get3A_845 = arith.constant 64 : index
        %get3A_846 = tpu.vector_load %arg9[%get3A_844, %get3A_845] {strides = array<i32>} : memref<100x128xf32, #tpu.memory_space<vmem>>, vector<1x16xf32>,
        %get3A_847 = vector.shape_cast %get3A_846 : vector<1x16xf32> to vector<16xf32>
        %add3A_848 = arith.addf %add3A_802, %get3A_847 : vector<16xf32>
        %get3A_849 = arith.index_cast %add3A_823 : i32 to index
        %get3A_850 = arith.constant 80 : index
        %get3A_851 = tpu.vector_load %arg9[%get3A_849, %get3A_850] {strides = array<i32>} : memref<100x128xf32, #tpu.memory_space<vmem>>, vector<1x16xf32>,
        %get3A_852 = vector.shape_cast %get3A_851 : vector<1x16xf32> to vector<16xf32>
        %add3A_853 = arith.addf %add3A_807, %get3A_852 : vector<16xf32>
        %get3A_854 = arith.index_cast %add3A_823 : i32 to index
        %get3A_855 = arith.constant 96 : index
        %get3A_856 = tpu.vector_load %arg9[%get3A_854, %get3A_855] {strides = array<i32>} : memref<100x128xf32, #tpu.memory_space<vmem>>, vector<1x16xf32>,
        %get3A_857 = vector.shape_cast %get3A_856 : vector<1x16xf32> to vector<16xf32>
        %add3A_858 = arith.addf %add3A_812, %get3A_857 : vector<16xf32>
        %get3A_859 = arith.index_cast %add3A_823 : i32 to index
        %get3A_860 = arith.constant 112 : index
        %get3A_861 = tpu.vector_load %arg9[%get3A_859, %get3A_860] {strides = array<i32>} : memref<100x128xf32, #tpu.memory_space<vmem>>, vector<1x16xf32>,
        %get3A_862 = vector.shape_cast %get3A_861 : vector<1x16xf32> to vector<16xf32>
        %add3A_863 = arith.addf %add3A_817, %get3A_862 : vector<16xf32>
        %mul3A_864 = arith.constant 5 : i32
        %mul3A_865 = arith.muli %scan3A_717, %mul3A_864 : i32
        %add3A_866 = arith.constant 0 : i32
        %add3A_867 = arith.addi %add3A_866, %mul3A_865 : i32
        %add3A_868 = arith.constant 3 : i32
        %add3A_869 = arith.addi %add3A_867, %add3A_868 : i32
        %get3A_870 = arith.index_cast %add3A_869 : i32 to index
        %get3A_871 = arith.constant 0 : index
        %get3A_872 = tpu.vector_load %arg9[%get3A_870, %get3A_871] {strides = array<i32>} : memref<100x128xf32, #tpu.memory_space<vmem>>, vector<1x16xf32>,
        %get3A_873 = vector.shape_cast %get3A_872 : vector<1x16xf32> to vector<16xf32>
        %add3A_874 = arith.addf %add3A_828, %get3A_873 : vector<16xf32>
        %get3A_875 = arith.index_cast %add3A_869 : i32 to index
        %get3A_876 = arith.constant 16 : index
        %get3A_877 = tpu.vector_load %arg9[%get3A_875, %get3A_876] {strides = array<i32>} : memref<100x128xf32, #tpu.memory_space<vmem>>, vector<1x16xf32>,
        %get3A_878 = vector.shape_cast %get3A_877 : vector<1x16xf32> to vector<16xf32>
        %add3A_879 = arith.addf %add3A_833, %get3A_878 : vector<16xf32>
        %get3A_880 = arith.index_cast %add3A_869 : i32 to index
        %get3A_881 = arith.constant 32 : index
        %get3A_882 = tpu.vector_load %arg9[%get3A_880, %get3A_881] {strides = array<i32>} : memref<100x128xf32, #tpu.memory_space<vmem>>, vector<1x16xf32>,
        %get3A_883 = vector.shape_cast %get3A_882 : vector<1x16xf32> to vector<16xf32>
        %add3A_884 = arith.addf %add3A_838, %get3A_883 : vector<16xf32>
        %get3A_885 = arith.index_cast %add3A_869 : i32 to index
        %get3A_886 = arith.constant 48 : index
        %get3A_887 = tpu.vector_load %arg9[%get3A_885, %get3A_886] {strides = array<i32>} : memref<100x128xf32, #tpu.memory_space<vmem>>, vector<1x16xf32>,
        %get3A_888 = vector.shape_cast %get3A_887 : vector<1x16xf32> to vector<16xf32>
        %add3A_889 = arith.addf %add3A_843, %get3A_888 : vector<16xf32>
        %get3A_890 = arith.index_cast %add3A_869 : i32 to index
        %get3A_891 = arith.constant 64 : index
        %get3A_892 = tpu.vector_load %arg9[%get3A_890, %get3A_891] {strides = array<i32>} : memref<100x128xf32, #tpu.memory_space<vmem>>, vector<1x16xf32>,
        %get3A_893 = vector.shape_cast %get3A_892 : vector<1x16xf32> to vector<16xf32>
        %add3A_894 = arith.addf %add3A_848, %get3A_893 : vector<16xf32>
        %get3A_895 = arith.index_cast %add3A_869 : i32 to index
        %get3A_896 = arith.constant 80 : index
        %get3A_897 = tpu.vector_load %arg9[%get3A_895, %get3A_896] {strides = array<i32>} : memref<100x128xf32, #tpu.memory_space<vmem>>, vector<1x16xf32>,
        %get3A_898 = vector.shape_cast %get3A_897 : vector<1x16xf32> to vector<16xf32>
        %add3A_899 = arith.addf %add3A_853, %get3A_898 : vector<16xf32>
        %get3A_900 = arith.index_cast %add3A_869 : i32 to index
        %get3A_901 = arith.constant 96 : index
        %get3A_902 = tpu.vector_load %arg9[%get3A_900, %get3A_901] {strides = array<i32>} : memref<100x128xf32, #tpu.memory_space<vmem>>, vector<1x16xf32>,
        %get3A_903 = vector.shape_cast %get3A_902 : vector<1x16xf32> to vector<16xf32>
        %add3A_904 = arith.addf %add3A_858, %get3A_903 : vector<16xf32>
        %get3A_905 = arith.index_cast %add3A_869 : i32 to index
        %get3A_906 = arith.constant 112 : index
        %get3A_907 = tpu.vector_load %arg9[%get3A_905, %get3A_906] {strides = array<i32>} : memref<100x128xf32, #tpu.memory_space<vmem>>, vector<1x16xf32>,
        %get3A_908 = vector.shape_cast %get3A_907 : vector<1x16xf32> to vector<16xf32>
        %add3A_909 = arith.addf %add3A_863, %get3A_908 : vector<16xf32>
        %mul3A_910 = arith.constant 5 : i32
        %mul3A_911 = arith.muli %scan3A_717, %mul3A_910 : i32
        %add3A_912 = arith.constant 0 : i32
        %add3A_913 = arith.addi %add3A_912, %mul3A_911 : i32
        %add3A_914 = arith.constant 4 : i32
        %add3A_915 = arith.addi %add3A_913, %add3A_914 : i32
        %get3A_916 = arith.index_cast %add3A_915 : i32 to index
        %get3A_917 = arith.constant 0 : index
        %get3A_918 = tpu.vector_load %arg9[%get3A_916, %get3A_917] {strides = array<i32>} : memref<100x128xf32, #tpu.memory_space<vmem>>, vector<1x16xf32>,
        %get3A_919 = vector.shape_cast %get3A_918 : vector<1x16xf32> to vector<16xf32>
        %add3A_920 = arith.addf %add3A_874, %get3A_919 : vector<16xf32>
        %get3A_921 = arith.index_cast %add3A_915 : i32 to index
        %get3A_922 = arith.constant 16 : index
        %get3A_923 = tpu.vector_load %arg9[%get3A_921, %get3A_922] {strides = array<i32>} : memref<100x128xf32, #tpu.memory_space<vmem>>, vector<1x16xf32>,
        %get3A_924 = vector.shape_cast %get3A_923 : vector<1x16xf32> to vector<16xf32>
        %add3A_925 = arith.addf %add3A_879, %get3A_924 : vector<16xf32>
        %get3A_926 = arith.index_cast %add3A_915 : i32 to index
        %get3A_927 = arith.constant 32 : index
        %get3A_928 = tpu.vector_load %arg9[%get3A_926, %get3A_927] {strides = array<i32>} : memref<100x128xf32, #tpu.memory_space<vmem>>, vector<1x16xf32>,
        %get3A_929 = vector.shape_cast %get3A_928 : vector<1x16xf32> to vector<16xf32>
        %add3A_930 = arith.addf %add3A_884, %get3A_929 : vector<16xf32>
        %get3A_931 = arith.index_cast %add3A_915 : i32 to index
        %get3A_932 = arith.constant 48 : index
        %get3A_933 = tpu.vector_load %arg9[%get3A_931, %get3A_932] {strides = array<i32>} : memref<100x128xf32, #tpu.memory_space<vmem>>, vector<1x16xf32>,
        %get3A_934 = vector.shape_cast %get3A_933 : vector<1x16xf32> to vector<16xf32>
        %add3A_935 = arith.addf %add3A_889, %get3A_934 : vector<16xf32>
        %get3A_936 = arith.index_cast %add3A_915 : i32 to index
        %get3A_937 = arith.constant 64 : index
        %get3A_938 = tpu.vector_load %arg9[%get3A_936, %get3A_937] {strides = array<i32>} : memref<100x128xf32, #tpu.memory_space<vmem>>, vector<1x16xf32>,
        %get3A_939 = vector.shape_cast %get3A_938 : vector<1x16xf32> to vector<16xf32>
        %add3A_940 = arith.addf %add3A_894, %get3A_939 : vector<16xf32>
        %get3A_941 = arith.index_cast %add3A_915 : i32 to index
        %get3A_942 = arith.constant 80 : index
        %get3A_943 = tpu.vector_load %arg9[%get3A_941, %get3A_942] {strides = array<i32>} : memref<100x128xf32, #tpu.memory_space<vmem>>, vector<1x16xf32>,
        %get3A_944 = vector.shape_cast %get3A_943 : vector<1x16xf32> to vector<16xf32>
        %add3A_945 = arith.addf %add3A_899, %get3A_944 : vector<16xf32>
        %get3A_946 = arith.index_cast %add3A_915 : i32 to index
        %get3A_947 = arith.constant 96 : index
        %get3A_948 = tpu.vector_load %arg9[%get3A_946, %get3A_947] {strides = array<i32>} : memref<100x128xf32, #tpu.memory_space<vmem>>, vector<1x16xf32>,
        %get3A_949 = vector.shape_cast %get3A_948 : vector<1x16xf32> to vector<16xf32>
        %add3A_950 = arith.addf %add3A_904, %get3A_949 : vector<16xf32>
        %get3A_951 = arith.index_cast %add3A_915 : i32 to index
        %get3A_952 = arith.constant 112 : index
        %get3A_953 = tpu.vector_load %arg9[%get3A_951, %get3A_952] {strides = array<i32>} : memref<100x128xf32, #tpu.memory_space<vmem>>, vector<1x16xf32>,
        %get3A_954 = vector.shape_cast %get3A_953 : vector<1x16xf32> to vector<16xf32>
        %add3A_955 = arith.addf %add3A_909, %get3A_954 : vector<16xf32>
        scf.yield %add3A_920, %add3A_925, %add3A_930, %add3A_935, %add3A_940, %add3A_945, %add3A_950, %add3A_955 : vector<16xf32>, vector<16xf32>, vector<16xf32>, vector<16xf32>, vector<16xf32>, vector<16xf32>, vector<16xf32>, vector<16xf32>
      }
      %scan3A_591 = arith.constant 10 : i32
      %swap3A_592 = arith.constant 0 : i32
      %swap3A_593 = arith.index_cast %swap3A_592 : i32 to index
      %swap3A_594 = arith.constant 0 : index
      %swap3A_595 = tpu.vector_load %arg11[%swap3A_593, %swap3A_594] {strides = array<i32>} : memref<2x128xf32, #tpu.memory_space<vmem>>, vector<1x16xf32>,
      %swap3A_596 = vector.shape_cast %swap3A_595 : vector<1x16xf32> to vector<16xf32>
      %swap3A_597 = vector.shape_cast %scan3A_590#0 : vector<16xf32> to vector<1x16xf32>
      tpu.vector_store %arg11[%swap3A_593, %swap3A_594], %swap3A_597 {strides = array<i32>} : memref<2x128xf32, #tpu.memory_space<vmem>>, vector<1x16xf32>,
      %swap3A_598 = arith.constant 0 : i32
      %swap3A_599 = arith.index_cast %swap3A_598 : i32 to index
      %swap3A_600 = arith.constant 16 : index
      %swap3A_601 = tpu.vector_load %arg11[%swap3A_599, %swap3A_600] {strides = array<i32>} : memref<2x128xf32, #tpu.memory_space<vmem>>, vector<1x16xf32>,
      %swap3A_602 = vector.shape_cast %swap3A_601 : vector<1x16xf32> to vector<16xf32>
      %swap3A_603 = vector.shape_cast %scan3A_590#1 : vector<16xf32> to vector<1x16xf32>
      tpu.vector_store %arg11[%swap3A_599, %swap3A_600], %swap3A_603 {strides = array<i32>} : memref<2x128xf32, #tpu.memory_space<vmem>>, vector<1x16xf32>,
      %swap3A_604 = arith.constant 0 : i32
      %swap3A_605 = arith.index_cast %swap3A_604 : i32 to index
      %swap3A_606 = arith.constant 32 : index
      %swap3A_607 = tpu.vector_load %arg11[%swap3A_605, %swap3A_606] {strides = array<i32>} : memref<2x128xf32, #tpu.memory_space<vmem>>, vector<1x16xf32>,
      %swap3A_608 = vector.shape_cast %swap3A_607 : vector<1x16xf32> to vector<16xf32>
      %swap3A_609 = vector.shape_cast %scan3A_590#2 : vector<16xf32> to vector<1x16xf32>
      tpu.vector_store %arg11[%swap3A_605, %swap3A_606], %swap3A_609 {strides = array<i32>} : memref<2x128xf32, #tpu.memory_space<vmem>>, vector<1x16xf32>,
      %swap3A_610 = arith.constant 0 : i32
      %swap3A_611 = arith.index_cast %swap3A_610 : i32 to index
      %swap3A_612 = arith.constant 48 : index
      %swap3A_613 = tpu.vector_load %arg11[%swap3A_611, %swap3A_612] {strides = array<i32>} : memref<2x128xf32, #tpu.memory_space<vmem>>, vector<1x16xf32>,
      %swap3A_614 = vector.shape_cast %swap3A_613 : vector<1x16xf32> to vector<16xf32>
      %swap3A_615 = vector.shape_cast %scan3A_590#3 : vector<16xf32> to vector<1x16xf32>
      tpu.vector_store %arg11[%swap3A_611, %swap3A_612], %swap3A_615 {strides = array<i32>} : memref<2x128xf32, #tpu.memory_space<vmem>>, vector<1x16xf32>,
      %swap3A_616 = arith.constant 0 : i32
      %swap3A_617 = arith.index_cast %swap3A_616 : i32 to index
      %swap3A_618 = arith.constant 64 : index
      %swap3A_619 = tpu.vector_load %arg11[%swap3A_617, %swap3A_618] {strides = array<i32>} : memref<2x128xf32, #tpu.memory_space<vmem>>, vector<1x16xf32>,
      %swap3A_620 = vector.shape_cast %swap3A_619 : vector<1x16xf32> to vector<16xf32>
      %swap3A_621 = vector.shape_cast %scan3A_590#4 : vector<16xf32> to vector<1x16xf32>
      tpu.vector_store %arg11[%swap3A_617, %swap3A_618], %swap3A_621 {strides = array<i32>} : memref<2x128xf32, #tpu.memory_space<vmem>>, vector<1x16xf32>,
      %swap3A_622 = arith.constant 0 : i32
      %swap3A_623 = arith.index_cast %swap3A_622 : i32 to index
      %swap3A_624 = arith.constant 80 : index
      %swap3A_625 = tpu.vector_load %arg11[%swap3A_623, %swap3A_624] {strides = array<i32>} : memref<2x128xf32, #tpu.memory_space<vmem>>, vector<1x16xf32>,
      %swap3A_626 = vector.shape_cast %swap3A_625 : vector<1x16xf32> to vector<16xf32>
      %swap3A_627 = vector.shape_cast %scan3A_590#5 : vector<16xf32> to vector<1x16xf32>
      tpu.vector_store %arg11[%swap3A_623, %swap3A_624], %swap3A_627 {strides = array<i32>} : memref<2x128xf32, #tpu.memory_space<vmem>>, vector<1x16xf32>,
      %swap3A_628 = arith.constant 0 : i32
      %swap3A_629 = arith.index_cast %swap3A_628 : i32 to index
      %swap3A_630 = arith.constant 96 : index
      %swap3A_631 = tpu.vector_load %arg11[%swap3A_629, %swap3A_630] {strides = array<i32>} : memref<2x128xf32, #tpu.memory_space<vmem>>, vector<1x16xf32>,
      %swap3A_632 = vector.shape_cast %swap3A_631 : vector<1x16xf32> to vector<16xf32>
      %swap3A_633 = vector.shape_cast %scan3A_590#6 : vector<16xf32> to vector<1x16xf32>
      tpu.vector_store %arg11[%swap3A_629, %swap3A_630], %swap3A_633 {strides = array<i32>} : memref<2x128xf32, #tpu.memory_space<vmem>>, vector<1x16xf32>,
      %swap3A_634 = arith.constant 0 : i32
      %swap3A_635 = arith.index_cast %swap3A_634 : i32 to index
      %swap3A_636 = arith.constant 112 : index
      %swap3A_637 = tpu.vector_load %arg11[%swap3A_635, %swap3A_636] {strides = array<i32>} : memref<2x128xf32, #tpu.memory_space<vmem>>, vector<1x16xf32>,
      %swap3A_638 = vector.shape_cast %swap3A_637 : vector<1x16xf32> to vector<16xf32>
      %swap3A_639 = vector.shape_cast %scan3A_590#7 : vector<16xf32> to vector<1x16xf32>
      tpu.vector_store %arg11[%swap3A_635, %swap3A_636], %swap3A_639 {strides = array<i32>} : memref<2x128xf32, #tpu.memory_space<vmem>>, vector<1x16xf32>,
      %broadcast_in_dim3A_640 = arith.constant 0.000000e+00 : f32
      %broadcast_in_dim3A_641 = vector.broadcast %broadcast_in_dim3A_640 : f32 to vector<16xf32>
      %broadcast_in_dim3A_642 = arith.constant 0.000000e+00 : f32
      %broadcast_in_dim3A_643 = vector.broadcast %broadcast_in_dim3A_642 : f32 to vector<16xf32>
      %broadcast_in_dim3A_644 = arith.constant 0.000000e+00 : f32
      %broadcast_in_dim3A_645 = vector.broadcast %broadcast_in_dim3A_644 : f32 to vector<16xf32>
      %broadcast_in_dim3A_646 = arith.constant 0.000000e+00 : f32
      %broadcast_in_dim3A_647 = vector.broadcast %broadcast_in_dim3A_646 : f32 to vector<16xf32>
      %broadcast_in_dim3A_648 = arith.constant 0.000000e+00 : f32
      %broadcast_in_dim3A_649 = vector.broadcast %broadcast_in_dim3A_648 : f32 to vector<16xf32>
      %broadcast_in_dim3A_650 = arith.constant 0.000000e+00 : f32
      %broadcast_in_dim3A_651 = vector.broadcast %broadcast_in_dim3A_650 : f32 to vector<16xf32>
      %broadcast_in_dim3A_652 = arith.constant 0.000000e+00 : f32
      %broadcast_in_dim3A_653 = vector.broadcast %broadcast_in_dim3A_652 : f32 to vector<16xf32>
      %broadcast_in_dim3A_654 = arith.constant 0.000000e+00 : f32
      %broadcast_in_dim3A_655 = vector.broadcast %broadcast_in_dim3A_654 : f32 to vector<16xf32>
      %scan3A_656 = arith.constant 0 : i32
      %scan3A_657 = arith.constant 10 : i32
      %scan3A_658 = arith.addi %scan3A_656, %scan3A_657 : i32
      %scan3A_659 = arith.constant 1 : i32
      %scan3A_660:8 = scf.for %scan3A_717 = %scan3A_656 to %scan3A_658 step %scan3A_659 iter_args(%scan3A_718 = %broadcast_in_dim3A_641, %scan3A_719 = %broadcast_in_dim3A_643, %scan3A_720 = %broadcast_in_dim3A_645, %scan3A_721 = %broadcast_in_dim3A_647, %scan3A_722 = %broadcast_in_dim3A_649, %scan3A_723 = %broadcast_in_dim3A_651, %scan3A_724 = %broadcast_in_dim3A_653, %scan3A_725 = %broadcast_in_dim3A_655) -> (vector<16xf32>, vector<16xf32>, vector<16xf32>, vector<16xf32>, vector<16xf32>, vector<16xf32>, vector<16xf32>, vector<16xf32>)  : i32 {
        %mul3A_726 = arith.constant 5 : i32
        %mul3A_727 = arith.muli %scan3A_717, %mul3A_726 : i32
        %add3A_728 = arith.constant 50 : i32
        %add3A_729 = arith.addi %add3A_728, %mul3A_727 : i32
        %add3A_730 = arith.constant 0 : i32
        %add3A_731 = arith.addi %add3A_729, %add3A_730 : i32
        %get3A_732 = arith.index_cast %add3A_731 : i32 to index
        %get3A_733 = arith.constant 0 : index
        %get3A_734 = tpu.vector_load %arg9[%get3A_732, %get3A_733] {strides = array<i32>} : memref<100x128xf32, #tpu.memory_space<vmem>>, vector<1x16xf32>,
        %get3A_735 = vector.shape_cast %get3A_734 : vector<1x16xf32> to vector<16xf32>
        %add3A_736 = arith.addf %scan3A_718, %get3A_735 : vector<16xf32>
        %get3A_737 = arith.index_cast %add3A_731 : i32 to index
        %get3A_738 = arith.constant 16 : index
        %get3A_739 = tpu.vector_load %arg9[%get3A_737, %get3A_738] {strides = array<i32>} : memref<100x128xf32, #tpu.memory_space<vmem>>, vector<1x16xf32>,
        %get3A_740 = vector.shape_cast %get3A_739 : vector<1x16xf32> to vector<16xf32>
        %add3A_741 = arith.addf %scan3A_719, %get3A_740 : vector<16xf32>
        %get3A_742 = arith.index_cast %add3A_731 : i32 to index
        %get3A_743 = arith.constant 32 : index
        %get3A_744 = tpu.vector_load %arg9[%get3A_742, %get3A_743] {strides = array<i32>} : memref<100x128xf32, #tpu.memory_space<vmem>>, vector<1x16xf32>,
        %get3A_745 = vector.shape_cast %get3A_744 : vector<1x16xf32> to vector<16xf32>
        %add3A_746 = arith.addf %scan3A_720, %get3A_745 : vector<16xf32>
        %get3A_747 = arith.index_cast %add3A_731 : i32 to index
        %get3A_748 = arith.constant 48 : index
        %get3A_749 = tpu.vector_load %arg9[%get3A_747, %get3A_748] {strides = array<i32>} : memref<100x128xf32, #tpu.memory_space<vmem>>, vector<1x16xf32>,
        %get3A_750 = vector.shape_cast %get3A_749 : vector<1x16xf32> to vector<16xf32>
        %add3A_751 = arith.addf %scan3A_721, %get3A_750 : vector<16xf32>
        %get3A_752 = arith.index_cast %add3A_731 : i32 to index
        %get3A_753 = arith.constant 64 : index
        %get3A_754 = tpu.vector_load %arg9[%get3A_752, %get3A_753] {strides = array<i32>} : memref<100x128xf32, #tpu.memory_space<vmem>>, vector<1x16xf32>,
        %get3A_755 = vector.shape_cast %get3A_754 : vector<1x16xf32> to vector<16xf32>
        %add3A_756 = arith.addf %scan3A_722, %get3A_755 : vector<16xf32>
        %get3A_757 = arith.index_cast %add3A_731 : i32 to index
        %get3A_758 = arith.constant 80 : index
        %get3A_759 = tpu.vector_load %arg9[%get3A_757, %get3A_758] {strides = array<i32>} : memref<100x128xf32, #tpu.memory_space<vmem>>, vector<1x16xf32>,
        %get3A_760 = vector.shape_cast %get3A_759 : vector<1x16xf32> to vector<16xf32>
        %add3A_761 = arith.addf %scan3A_723, %get3A_760 : vector<16xf32>
        %get3A_762 = arith.index_cast %add3A_731 : i32 to index
        %get3A_763 = arith.constant 96 : index
        %get3A_764 = tpu.vector_load %arg9[%get3A_762, %get3A_763] {strides = array<i32>} : memref<100x128xf32, #tpu.memory_space<vmem>>, vector<1x16xf32>,
        %get3A_765 = vector.shape_cast %get3A_764 : vector<1x16xf32> to vector<16xf32>
        %add3A_766 = arith.addf %scan3A_724, %get3A_765 : vector<16xf32>
        %get3A_767 = arith.index_cast %add3A_731 : i32 to index
        %get3A_768 = arith.constant 112 : index
        %get3A_769 = tpu.vector_load %arg9[%get3A_767, %get3A_768] {strides = array<i32>} : memref<100x128xf32, #tpu.memory_space<vmem>>, vector<1x16xf32>,
        %get3A_770 = vector.shape_cast %get3A_769 : vector<1x16xf32> to vector<16xf32>
        %add3A_771 = arith.addf %scan3A_725, %get3A_770 : vector<16xf32>
        %mul3A_772 = arith.constant 5 : i32
        %mul3A_773 = arith.muli %scan3A_717, %mul3A_772 : i32
        %add3A_774 = arith.constant 50 : i32
        %add3A_775 = arith.addi %add3A_774, %mul3A_773 : i32
        %add3A_776 = arith.constant 1 : i32
        %add3A_777 = arith.addi %add3A_775, %add3A_776 : i32
        %get3A_778 = arith.index_cast %add3A_777 : i32 to index
        %get3A_779 = arith.constant 0 : index
        %get3A_780 = tpu.vector_load %arg9[%get3A_778, %get3A_779] {strides = array<i32>} : memref<100x128xf32, #tpu.memory_space<vmem>>, vector<1x16xf32>,
        %get3A_781 = vector.shape_cast %get3A_780 : vector<1x16xf32> to vector<16xf32>
        %add3A_782 = arith.addf %add3A_736, %get3A_781 : vector<16xf32>
        %get3A_783 = arith.index_cast %add3A_777 : i32 to index
        %get3A_784 = arith.constant 16 : index
        %get3A_785 = tpu.vector_load %arg9[%get3A_783, %get3A_784] {strides = array<i32>} : memref<100x128xf32, #tpu.memory_space<vmem>>, vector<1x16xf32>,
        %get3A_786 = vector.shape_cast %get3A_785 : vector<1x16xf32> to vector<16xf32>
        %add3A_787 = arith.addf %add3A_741, %get3A_786 : vector<16xf32>
        %get3A_788 = arith.index_cast %add3A_777 : i32 to index
        %get3A_789 = arith.constant 32 : index
        %get3A_790 = tpu.vector_load %arg9[%get3A_788, %get3A_789] {strides = array<i32>} : memref<100x128xf32, #tpu.memory_space<vmem>>, vector<1x16xf32>,
        %get3A_791 = vector.shape_cast %get3A_790 : vector<1x16xf32> to vector<16xf32>
        %add3A_792 = arith.addf %add3A_746, %get3A_791 : vector<16xf32>
        %get3A_793 = arith.index_cast %add3A_777 : i32 to index
        %get3A_794 = arith.constant 48 : index
        %get3A_795 = tpu.vector_load %arg9[%get3A_793, %get3A_794] {strides = array<i32>} : memref<100x128xf32, #tpu.memory_space<vmem>>, vector<1x16xf32>,
        %get3A_796 = vector.shape_cast %get3A_795 : vector<1x16xf32> to vector<16xf32>
        %add3A_797 = arith.addf %add3A_751, %get3A_796 : vector<16xf32>
        %get3A_798 = arith.index_cast %add3A_777 : i32 to index
        %get3A_799 = arith.constant 64 : index
        %get3A_800 = tpu.vector_load %arg9[%get3A_798, %get3A_799] {strides = array<i32>} : memref<100x128xf32, #tpu.memory_space<vmem>>, vector<1x16xf32>,
        %get3A_801 = vector.shape_cast %get3A_800 : vector<1x16xf32> to vector<16xf32>
        %add3A_802 = arith.addf %add3A_756, %get3A_801 : vector<16xf32>
        %get3A_803 = arith.index_cast %add3A_777 : i32 to index
        %get3A_804 = arith.constant 80 : index
        %get3A_805 = tpu.vector_load %arg9[%get3A_803, %get3A_804] {strides = array<i32>} : memref<100x128xf32, #tpu.memory_space<vmem>>, vector<1x16xf32>,
        %get3A_806 = vector.shape_cast %get3A_805 : vector<1x16xf32> to vector<16xf32>
        %add3A_807 = arith.addf %add3A_761, %get3A_806 : vector<16xf32>
        %get3A_808 = arith.index_cast %add3A_777 : i32 to index
        %get3A_809 = arith.constant 96 : index
        %get3A_810 = tpu.vector_load %arg9[%get3A_808, %get3A_809] {strides = array<i32>} : memref<100x128xf32, #tpu.memory_space<vmem>>, vector<1x16xf32>,
        %get3A_811 = vector.shape_cast %get3A_810 : vector<1x16xf32> to vector<16xf32>
        %add3A_812 = arith.addf %add3A_766, %get3A_811 : vector<16xf32>
        %get3A_813 = arith.index_cast %add3A_777 : i32 to index
        %get3A_814 = arith.constant 112 : index
        %get3A_815 = tpu.vector_load %arg9[%get3A_813, %get3A_814] {strides = array<i32>} : memref<100x128xf32, #tpu.memory_space<vmem>>, vector<1x16xf32>,
        %get3A_816 = vector.shape_cast %get3A_815 : vector<1x16xf32> to vector<16xf32>
        %add3A_817 = arith.addf %add3A_771, %get3A_816 : vector<16xf32>
        %mul3A_818 = arith.constant 5 : i32
        %mul3A_819 = arith.muli %scan3A_717, %mul3A_818 : i32
        %add3A_820 = arith.constant 50 : i32
        %add3A_821 = arith.addi %add3A_820, %mul3A_819 : i32
        %add3A_822 = arith.constant 2 : i32
        %add3A_823 = arith.addi %add3A_821, %add3A_822 : i32
        %get3A_824 = arith.index_cast %add3A_823 : i32 to index
        %get3A_825 = arith.constant 0 : index
        %get3A_826 = tpu.vector_load %arg9[%get3A_824, %get3A_825] {strides = array<i32>} : memref<100x128xf32, #tpu.memory_space<vmem>>, vector<1x16xf32>,
        %get3A_827 = vector.shape_cast %get3A_826 : vector<1x16xf32> to vector<16xf32>
        %add3A_828 = arith.addf %add3A_782, %get3A_827 : vector<16xf32>
        %get3A_829 = arith.index_cast %add3A_823 : i32 to index
        %get3A_830 = arith.constant 16 : index
        %get3A_831 = tpu.vector_load %arg9[%get3A_829, %get3A_830] {strides = array<i32>} : memref<100x128xf32, #tpu.memory_space<vmem>>, vector<1x16xf32>,
        %get3A_832 = vector.shape_cast %get3A_831 : vector<1x16xf32> to vector<16xf32>
        %add3A_833 = arith.addf %add3A_787, %get3A_832 : vector<16xf32>
        %get3A_834 = arith.index_cast %add3A_823 : i32 to index
        %get3A_835 = arith.constant 32 : index
        %get3A_836 = tpu.vector_load %arg9[%get3A_834, %get3A_835] {strides = array<i32>} : memref<100x128xf32, #tpu.memory_space<vmem>>, vector<1x16xf32>,
        %get3A_837 = vector.shape_cast %get3A_836 : vector<1x16xf32> to vector<16xf32>
        %add3A_838 = arith.addf %add3A_792, %get3A_837 : vector<16xf32>
        %get3A_839 = arith.index_cast %add3A_823 : i32 to index
        %get3A_840 = arith.constant 48 : index
        %get3A_841 = tpu.vector_load %arg9[%get3A_839, %get3A_840] {strides = array<i32>} : memref<100x128xf32, #tpu.memory_space<vmem>>, vector<1x16xf32>,
        %get3A_842 = vector.shape_cast %get3A_841 : vector<1x16xf32> to vector<16xf32>
        %add3A_843 = arith.addf %add3A_797, %get3A_842 : vector<16xf32>
        %get3A_844 = arith.index_cast %add3A_823 : i32 to index
        %get3A_845 = arith.constant 64 : index
        %get3A_846 = tpu.vector_load %arg9[%get3A_844, %get3A_845] {strides = array<i32>} : memref<100x128xf32, #tpu.memory_space<vmem>>, vector<1x16xf32>,
        %get3A_847 = vector.shape_cast %get3A_846 : vector<1x16xf32> to vector<16xf32>
        %add3A_848 = arith.addf %add3A_802, %get3A_847 : vector<16xf32>
        %get3A_849 = arith.index_cast %add3A_823 : i32 to index
        %get3A_850 = arith.constant 80 : index
        %get3A_851 = tpu.vector_load %arg9[%get3A_849, %get3A_850] {strides = array<i32>} : memref<100x128xf32, #tpu.memory_space<vmem>>, vector<1x16xf32>,
        %get3A_852 = vector.shape_cast %get3A_851 : vector<1x16xf32> to vector<16xf32>
        %add3A_853 = arith.addf %add3A_807, %get3A_852 : vector<16xf32>
        %get3A_854 = arith.index_cast %add3A_823 : i32 to index
        %get3A_855 = arith.constant 96 : index
        %get3A_856 = tpu.vector_load %arg9[%get3A_854, %get3A_855] {strides = array<i32>} : memref<100x128xf32, #tpu.memory_space<vmem>>, vector<1x16xf32>,
        %get3A_857 = vector.shape_cast %get3A_856 : vector<1x16xf32> to vector<16xf32>
        %add3A_858 = arith.addf %add3A_812, %get3A_857 : vector<16xf32>
        %get3A_859 = arith.index_cast %add3A_823 : i32 to index
        %get3A_860 = arith.constant 112 : index
        %get3A_861 = tpu.vector_load %arg9[%get3A_859, %get3A_860] {strides = array<i32>} : memref<100x128xf32, #tpu.memory_space<vmem>>, vector<1x16xf32>,
        %get3A_862 = vector.shape_cast %get3A_861 : vector<1x16xf32> to vector<16xf32>
        %add3A_863 = arith.addf %add3A_817, %get3A_862 : vector<16xf32>
        %mul3A_864 = arith.constant 5 : i32
        %mul3A_865 = arith.muli %scan3A_717, %mul3A_864 : i32
        %add3A_866 = arith.constant 50 : i32
        %add3A_867 = arith.addi %add3A_866, %mul3A_865 : i32
        %add3A_868 = arith.constant 3 : i32
        %add3A_869 = arith.addi %add3A_867, %add3A_868 : i32
        %get3A_870 = arith.index_cast %add3A_869 : i32 to index
        %get3A_871 = arith.constant 0 : index
        %get3A_872 = tpu.vector_load %arg9[%get3A_870, %get3A_871] {strides = array<i32>} : memref<100x128xf32, #tpu.memory_space<vmem>>, vector<1x16xf32>,
        %get3A_873 = vector.shape_cast %get3A_872 : vector<1x16xf32> to vector<16xf32>
        %add3A_874 = arith.addf %add3A_828, %get3A_873 : vector<16xf32>
        %get3A_875 = arith.index_cast %add3A_869 : i32 to index
        %get3A_876 = arith.constant 16 : index
        %get3A_877 = tpu.vector_load %arg9[%get3A_875, %get3A_876] {strides = array<i32>} : memref<100x128xf32, #tpu.memory_space<vmem>>, vector<1x16xf32>,
        %get3A_878 = vector.shape_cast %get3A_877 : vector<1x16xf32> to vector<16xf32>
        %add3A_879 = arith.addf %add3A_833, %get3A_878 : vector<16xf32>
        %get3A_880 = arith.index_cast %add3A_869 : i32 to index
        %get3A_881 = arith.constant 32 : index
        %get3A_882 = tpu.vector_load %arg9[%get3A_880, %get3A_881] {strides = array<i32>} : memref<100x128xf32, #tpu.memory_space<vmem>>, vector<1x16xf32>,
        %get3A_883 = vector.shape_cast %get3A_882 : vector<1x16xf32> to vector<16xf32>
        %add3A_884 = arith.addf %add3A_838, %get3A_883 : vector<16xf32>
        %get3A_885 = arith.index_cast %add3A_869 : i32 to index
        %get3A_886 = arith.constant 48 : index
        %get3A_887 = tpu.vector_load %arg9[%get3A_885, %get3A_886] {strides = array<i32>} : memref<100x128xf32, #tpu.memory_space<vmem>>, vector<1x16xf32>,
        %get3A_888 = vector.shape_cast %get3A_887 : vector<1x16xf32> to vector<16xf32>
        %add3A_889 = arith.addf %add3A_843, %get3A_888 : vector<16xf32>
        %get3A_890 = arith.index_cast %add3A_869 : i32 to index
        %get3A_891 = arith.constant 64 : index
        %get3A_892 = tpu.vector_load %arg9[%get3A_890, %get3A_891] {strides = array<i32>} : memref<100x128xf32, #tpu.memory_space<vmem>>, vector<1x16xf32>,
        %get3A_893 = vector.shape_cast %get3A_892 : vector<1x16xf32> to vector<16xf32>
        %add3A_894 = arith.addf %add3A_848, %get3A_893 : vector<16xf32>
        %get3A_895 = arith.index_cast %add3A_869 : i32 to index
        %get3A_896 = arith.constant 80 : index
        %get3A_897 = tpu.vector_load %arg9[%get3A_895, %get3A_896] {strides = array<i32>} : memref<100x128xf32, #tpu.memory_space<vmem>>, vector<1x16xf32>,
        %get3A_898 = vector.shape_cast %get3A_897 : vector<1x16xf32> to vector<16xf32>
        %add3A_899 = arith.addf %add3A_853, %get3A_898 : vector<16xf32>
        %get3A_900 = arith.index_cast %add3A_869 : i32 to index
        %get3A_901 = arith.constant 96 : index
        %get3A_902 = tpu.vector_load %arg9[%get3A_900, %get3A_901] {strides = array<i32>} : memref<100x128xf32, #tpu.memory_space<vmem>>, vector<1x16xf32>,
        %get3A_903 = vector.shape_cast %get3A_902 : vector<1x16xf32> to vector<16xf32>
        %add3A_904 = arith.addf %add3A_858, %get3A_903 : vector<16xf32>
        %get3A_905 = arith.index_cast %add3A_869 : i32 to index
        %get3A_906 = arith.constant 112 : index
        %get3A_907 = tpu.vector_load %arg9[%get3A_905, %get3A_906] {strides = array<i32>} : memref<100x128xf32, #tpu.memory_space<vmem>>, vector<1x16xf32>,
        %get3A_908 = vector.shape_cast %get3A_907 : vector<1x16xf32> to vector<16xf32>
        %add3A_909 = arith.addf %add3A_863, %get3A_908 : vector<16xf32>
        %mul3A_910 = arith.constant 5 : i32
        %mul3A_911 = arith.muli %scan3A_717, %mul3A_910 : i32
        %add3A_912 = arith.constant 50 : i32
        %add3A_913 = arith.addi %add3A_912, %mul3A_911 : i32
        %add3A_914 = arith.constant 4 : i32
        %add3A_915 = arith.addi %add3A_913, %add3A_914 : i32
        %get3A_916 = arith.index_cast %add3A_915 : i32 to index
        %get3A_917 = arith.constant 0 : index
        %get3A_918 = tpu.vector_load %arg9[%get3A_916, %get3A_917] {strides = array<i32>} : memref<100x128xf32, #tpu.memory_space<vmem>>, vector<1x16xf32>,
        %get3A_919 = vector.shape_cast %get3A_918 : vector<1x16xf32> to vector<16xf32>
        %add3A_920 = arith.addf %add3A_874, %get3A_919 : vector<16xf32>
        %get3A_921 = arith.index_cast %add3A_915 : i32 to index
        %get3A_922 = arith.constant 16 : index
        %get3A_923 = tpu.vector_load %arg9[%get3A_921, %get3A_922] {strides = array<i32>} : memref<100x128xf32, #tpu.memory_space<vmem>>, vector<1x16xf32>,
        %get3A_924 = vector.shape_cast %get3A_923 : vector<1x16xf32> to vector<16xf32>
        %add3A_925 = arith.addf %add3A_879, %get3A_924 : vector<16xf32>
        %get3A_926 = arith.index_cast %add3A_915 : i32 to index
        %get3A_927 = arith.constant 32 : index
        %get3A_928 = tpu.vector_load %arg9[%get3A_926, %get3A_927] {strides = array<i32>} : memref<100x128xf32, #tpu.memory_space<vmem>>, vector<1x16xf32>,
        %get3A_929 = vector.shape_cast %get3A_928 : vector<1x16xf32> to vector<16xf32>
        %add3A_930 = arith.addf %add3A_884, %get3A_929 : vector<16xf32>
        %get3A_931 = arith.index_cast %add3A_915 : i32 to index
        %get3A_932 = arith.constant 48 : index
        %get3A_933 = tpu.vector_load %arg9[%get3A_931, %get3A_932] {strides = array<i32>} : memref<100x128xf32, #tpu.memory_space<vmem>>, vector<1x16xf32>,
        %get3A_934 = vector.shape_cast %get3A_933 : vector<1x16xf32> to vector<16xf32>
        %add3A_935 = arith.addf %add3A_889, %get3A_934 : vector<16xf32>
        %get3A_936 = arith.index_cast %add3A_915 : i32 to index
        %get3A_937 = arith.constant 64 : index
        %get3A_938 = tpu.vector_load %arg9[%get3A_936, %get3A_937] {strides = array<i32>} : memref<100x128xf32, #tpu.memory_space<vmem>>, vector<1x16xf32>,
        %get3A_939 = vector.shape_cast %get3A_938 : vector<1x16xf32> to vector<16xf32>
        %add3A_940 = arith.addf %add3A_894, %get3A_939 : vector<16xf32>
        %get3A_941 = arith.index_cast %add3A_915 : i32 to index
        %get3A_942 = arith.constant 80 : index
        %get3A_943 = tpu.vector_load %arg9[%get3A_941, %get3A_942] {strides = array<i32>} : memref<100x128xf32, #tpu.memory_space<vmem>>, vector<1x16xf32>,
        %get3A_944 = vector.shape_cast %get3A_943 : vector<1x16xf32> to vector<16xf32>
        %add3A_945 = arith.addf %add3A_899, %get3A_944 : vector<16xf32>
        %get3A_946 = arith.index_cast %add3A_915 : i32 to index
        %get3A_947 = arith.constant 96 : index
        %get3A_948 = tpu.vector_load %arg9[%get3A_946, %get3A_947] {strides = array<i32>} : memref<100x128xf32, #tpu.memory_space<vmem>>, vector<1x16xf32>,
        %get3A_949 = vector.shape_cast %get3A_948 : vector<1x16xf32> to vector<16xf32>
        %add3A_950 = arith.addf %add3A_904, %get3A_949 : vector<16xf32>
        %get3A_951 = arith.index_cast %add3A_915 : i32 to index
        %get3A_952 = arith.constant 112 : index
        %get3A_953 = tpu.vector_load %arg9[%get3A_951, %get3A_952] {strides = array<i32>} : memref<100x128xf32, #tpu.memory_space<vmem>>, vector<1x16xf32>,
        %get3A_954 = vector.shape_cast %get3A_953 : vector<1x16xf32> to vector<16xf32>
        %add3A_955 = arith.addf %add3A_909, %get3A_954 : vector<16xf32>
        scf.yield %add3A_920, %add3A_925, %add3A_930, %add3A_935, %add3A_940, %add3A_945, %add3A_950, %add3A_955 : vector<16xf32>, vector<16xf32>, vector<16xf32>, vector<16xf32>, vector<16xf32>, vector<16xf32>, vector<16xf32>, vector<16xf32>
      }
      %scan3A_661 = arith.constant 10 : i32
      %swap3A_662 = arith.constant 1 : i32
      %swap3A_663 = arith.index_cast %swap3A_662 : i32 to index
      %swap3A_664 = arith.constant 0 : index
      %swap3A_665 = tpu.vector_load %arg11[%swap3A_663, %swap3A_664] {strides = array<i32>} : memref<2x128xf32, #tpu.memory_space<vmem>>, vector<1x16xf32>,
      %swap3A_666 = vector.shape_cast %swap3A_665 : vector<1x16xf32> to vector<16xf32>
      %swap3A_667 = vector.shape_cast %scan3A_660#0 : vector<16xf32> to vector<1x16xf32>
      tpu.vector_store %arg11[%swap3A_663, %swap3A_664], %swap3A_667 {strides = array<i32>} : memref<2x128xf32, #tpu.memory_space<vmem>>, vector<1x16xf32>,
      %swap3A_668 = arith.constant 1 : i32
      %swap3A_669 = arith.index_cast %swap3A_668 : i32 to index
      %swap3A_670 = arith.constant 16 : index
      %swap3A_671 = tpu.vector_load %arg11[%swap3A_669, %swap3A_670] {strides = array<i32>} : memref<2x128xf32, #tpu.memory_space<vmem>>, vector<1x16xf32>,
      %swap3A_672 = vector.shape_cast %swap3A_671 : vector<1x16xf32> to vector<16xf32>
      %swap3A_673 = vector.shape_cast %scan3A_660#1 : vector<16xf32> to vector<1x16xf32>
      tpu.vector_store %arg11[%swap3A_669, %swap3A_670], %swap3A_673 {strides = array<i32>} : memref<2x128xf32, #tpu.memory_space<vmem>>, vector<1x16xf32>,
      %swap3A_674 = arith.constant 1 : i32
      %swap3A_675 = arith.index_cast %swap3A_674 : i32 to index
      %swap3A_676 = arith.constant 32 : index
      %swap3A_677 = tpu.vector_load %arg11[%swap3A_675, %swap3A_676] {strides = array<i32>} : memref<2x128xf32, #tpu.memory_space<vmem>>, vector<1x16xf32>,
      %swap3A_678 = vector.shape_cast %swap3A_677 : vector<1x16xf32> to vector<16xf32>
      %swap3A_679 = vector.shape_cast %scan3A_660#2 : vector<16xf32> to vector<1x16xf32>
      tpu.vector_store %arg11[%swap3A_675, %swap3A_676], %swap3A_679 {strides = array<i32>} : memref<2x128xf32, #tpu.memory_space<vmem>>, vector<1x16xf32>,
      %swap3A_680 = arith.constant 1 : i32
      %swap3A_681 = arith.index_cast %swap3A_680 : i32 to index
      %swap3A_682 = arith.constant 48 : index
      %swap3A_683 = tpu.vector_load %arg11[%swap3A_681, %swap3A_682] {strides = array<i32>} : memref<2x128xf32, #tpu.memory_space<vmem>>, vector<1x16xf32>,
      %swap3A_684 = vector.shape_cast %swap3A_683 : vector<1x16xf32> to vector<16xf32>
      %swap3A_685 = vector.shape_cast %scan3A_660#3 : vector<16xf32> to vector<1x16xf32>
      tpu.vector_store %arg11[%swap3A_681, %swap3A_682], %swap3A_685 {strides = array<i32>} : memref<2x128xf32, #tpu.memory_space<vmem>>, vector<1x16xf32>,
      %swap3A_686 = arith.constant 1 : i32
      %swap3A_687 = arith.index_cast %swap3A_686 : i32 to index
      %swap3A_688 = arith.constant 64 : index
      %swap3A_689 = tpu.vector_load %arg11[%swap3A_687, %swap3A_688] {strides = array<i32>} : memref<2x128xf32, #tpu.memory_space<vmem>>, vector<1x16xf32>,
      %swap3A_690 = vector.shape_cast %swap3A_689 : vector<1x16xf32> to vector<16xf32>
      %swap3A_691 = vector.shape_cast %scan3A_660#4 : vector<16xf32> to vector<1x16xf32>
      tpu.vector_store %arg11[%swap3A_687, %swap3A_688], %swap3A_691 {strides = array<i32>} : memref<2x128xf32, #tpu.memory_space<vmem>>, vector<1x16xf32>,
      %swap3A_692 = arith.constant 1 : i32
      %swap3A_693 = arith.index_cast %swap3A_692 : i32 to index
      %swap3A_694 = arith.constant 80 : index
      %swap3A_695 = tpu.vector_load %arg11[%swap3A_693, %swap3A_694] {strides = array<i32>} : memref<2x128xf32, #tpu.memory_space<vmem>>, vector<1x16xf32>,
      %swap3A_696 = vector.shape_cast %swap3A_695 : vector<1x16xf32> to vector<16xf32>
      %swap3A_697 = vector.shape_cast %scan3A_660#5 : vector<16xf32> to vector<1x16xf32>
      tpu.vector_store %arg11[%swap3A_693, %swap3A_694], %swap3A_697 {strides = array<i32>} : memref<2x128xf32, #tpu.memory_space<vmem>>, vector<1x16xf32>,
      %swap3A_698 = arith.constant 1 : i32
      %swap3A_699 = arith.index_cast %swap3A_698 : i32 to index
      %swap3A_700 = arith.constant 96 : index
      %swap3A_701 = tpu.vector_load %arg11[%swap3A_699, %swap3A_700] {strides = array<i32>} : memref<2x128xf32, #tpu.memory_space<vmem>>, vector<1x16xf32>,
      %swap3A_702 = vector.shape_cast %swap3A_701 : vector<1x16xf32> to vector<16xf32>
      %swap3A_703 = vector.shape_cast %scan3A_660#6 : vector<16xf32> to vector<1x16xf32>
      tpu.vector_store %arg11[%swap3A_699, %swap3A_700], %swap3A_703 {strides = array<i32>} : memref<2x128xf32, #tpu.memory_space<vmem>>, vector<1x16xf32>,
      %swap3A_704 = arith.constant 1 : i32
      %swap3A_705 = arith.index_cast %swap3A_704 : i32 to index
      %swap3A_706 = arith.constant 112 : index
      %swap3A_707 = tpu.vector_load %arg11[%swap3A_705, %swap3A_706] {strides = array<i32>} : memref<2x128xf32, #tpu.memory_space<vmem>>, vector<1x16xf32>,
      %swap3A_708 = vector.shape_cast %swap3A_707 : vector<1x16xf32> to vector<16xf32>
      %swap3A_709 = vector.shape_cast %scan3A_660#7 : vector<16xf32> to vector<1x16xf32>
      tpu.vector_store %arg11[%swap3A_705, %swap3A_706], %swap3A_709 {strides = array<i32>} : memref<2x128xf32, #tpu.memory_space<vmem>>, vector<1x16xf32>,
      %mul3A_710 = arith.constant 2 : i32
      %mul3A_711 = arith.muli %add3A_124, %mul3A_710 : i32
      %add3A_712 = arith.addi %mul3A_2, %mul3A_711 : i32
      %dma_start3A_713 = arith.constant 0 : i32
      %dma_start3A_714 = tpu.memref_slice %arg4[%add3A_712, %dma_start3A_713] : memref<32768x128xf32, #tpu.memory_space<hbm>> -> memref<2x128xf32, #tpu.memory_space<hbm>>
      %dma_start3A_715 = arith.constant 0 : i32
      %dma_start3A_716 = tpu.memref_slice %arg4[%add3A_712, %dma_start3A_715] : memref<32768x128xf32, #tpu.memory_space<hbm>> -> memref<2x128xf32, #tpu.memory_space<hbm>>
      tpu.enqueue_dma source(%arg11 : memref<2x128xf32, #tpu.memory_space<vmem>>) target(%dma_start3A_716 : memref<2x128xf32, #tpu.memory_space<hbm>>) target_semaphore(%arg15 : memref<!tpu.dma_semaphore, #tpu.memory_space<semaphore_mem>>)
    }
    %scan3A_109 = arith.constant 256 : i32
    %dma_wait3A = arith.constant 0 : i32
    %dma_wait3A_110 = arith.constant 0 : i32
    %dma_wait3A_111 = tpu.memref_slice %arg3[%dma_wait3A, %dma_wait3A_110] : memref<100008x128xf32, #tpu.memory_space<hbm>> -> memref<100008x128xf32, #tpu.memory_space<hbm>>
    tpu.wait_indirect_dma semaphore(%arg12 : memref<!tpu.dma_semaphore, #tpu.memory_space<semaphore_mem>>) src(%dma_wait3A_111 : memref<100008x128xf32, #tpu.memory_space<hbm>>) dst(%arg8 : memref<100x128xf32, #tpu.memory_space<vmem>>)
    %dma_wait3A_112 = arith.constant 0 : i32
    %dma_wait3A_113 = tpu.memref_slice %arg4[%mul3A_2, %dma_wait3A_112] : memref<32768x128xf32, #tpu.memory_space<hbm>> -> memref<2x128xf32, #tpu.memory_space<hbm>>
    %dma_wait3A_114 = arith.constant 0 : i32
    %dma_wait3A_115 = tpu.memref_slice %arg4[%mul3A_2, %dma_wait3A_114] : memref<32768x128xf32, #tpu.memory_space<hbm>> -> memref<2x128xf32, #tpu.memory_space<hbm>>
    tpu.wait_dma2 semaphore(%arg14 : memref<!tpu.dma_semaphore, #tpu.memory_space<semaphore_mem>>) src(%arg10 : memref<2x128xf32, #tpu.memory_space<vmem>>) dst(%dma_wait3A_115 : memref<2x128xf32, #tpu.memory_space<hbm>>)
    %dma_wait3A_116 = arith.constant 0 : i32
    %dma_wait3A_117 = tpu.memref_slice %arg4[%mul3A_2, %dma_wait3A_116] : memref<32768x128xf32, #tpu.memory_space<hbm>> -> memref<2x128xf32, #tpu.memory_space<hbm>>
    %dma_wait3A_118 = arith.constant 0 : i32
    %dma_wait3A_119 = tpu.memref_slice %arg4[%mul3A_2, %dma_wait3A_118] : memref<32768x128xf32, #tpu.memory_space<hbm>> -> memref<2x128xf32, #tpu.memory_space<hbm>>
    tpu.wait_dma2 semaphore(%arg15 : memref<!tpu.dma_semaphore, #tpu.memory_space<semaphore_mem>>) src(%arg11 : memref<2x128xf32, #tpu.memory_space<vmem>>) dst(%dma_wait3A_119 : memref<2x128xf32, #tpu.memory_space<hbm>>)
    return
  }
}

module attributes {stable_mosaic.version = 14 : i64} {
  func.func @_k1_body(%arg0: i32, %arg1: memref<512x128xf32, #tpu.memory_space<vmem>>, %arg2: memref<512x128xf32, #tpu.memory_space<vmem>>, %arg3: memref<512x50xi32, #tpu.memory_space<vmem>>, %arg4: memref<512x50xi32, #tpu.memory_space<vmem>>, %arg5: memref<256x1024xf32, #tpu.memory_space<vmem>>, %arg6: memref<1x1024xf32, #tpu.memory_space<vmem>>, %arg7: memref<512x1024xf32, #tpu.memory_space<vmem>>, %arg8: memref<2x1024xf32, #tpu.memory_space<vmem>>) attributes {dimension_semantics = [#tpu.dimension_semantics<arbitrary>], iteration_bounds = array<i64: 32>, scalar_prefetch = 0 : i64, scratch_operands = 0 : i64, tpu.core_type = #tpu.core_type<tc>, window_params = [{transform_indices = @transform_0, window_bounds = array<i64: 512, 128>}, {transform_indices = @transform_1, window_bounds = array<i64: 512, 128>}, {transform_indices = @transform_2, window_bounds = array<i64: 512, 50>}, {transform_indices = @transform_3, window_bounds = array<i64: 512, 50>}, {pipeline_mode = #tpu.pipeline_mode<synchronous>, transform_indices = @transform_4, window_bounds = array<i64: 256, 1024>}, {pipeline_mode = #tpu.pipeline_mode<synchronous>, transform_indices = @transform_5, window_bounds = array<i64: 1, 1024>}, {transform_indices = @transform_6, window_bounds = array<i64: 512, 1024>}, {pipeline_mode = #tpu.pipeline_mode<synchronous>, transform_indices = @transform_7, window_bounds = array<i64: 2, 1024>}]} {
    %get3A = arith.constant 0 : index
    %get3A_0 = arith.constant 0 : index
    %get3A_1 = vector.load %arg3[%get3A, %get3A_0] : memref<512x50xi32, #tpu.memory_space<vmem>>, vector<512x50xi32>
    %ne3A = arith.constant 0 : i32
    %ne3A_2 = vector.broadcast %ne3A : i32 to vector<512x50xi32>
    %ne3A_3 = arith.cmpi ne, %get3A_1, %ne3A_2 : vector<512x50xi32>
    %convert_element_type3A = arith.extui %ne3A_3 : vector<512x50xi1> to vector<512x50xi32>
    %convert_element_type3A_4 = arith.sitofp %convert_element_type3A : vector<512x50xi32> to vector<512x50xf32>
    %reduce_sum3A = arith.constant dense<0.000000e+00> : vector<512xf32>
    %reduce_sum3A_5 = vector.multi_reduction <add>, %convert_element_type3A_4, %reduce_sum3A [1] : vector<512x50xf32> to vector<512xf32>
    %broadcast_in_dim3A = vector.shape_cast %reduce_sum3A_5 : vector<512xf32> to vector<512x1xf32>
    %get3A_6 = arith.constant 0 : index
    %get3A_7 = arith.constant 0 : index
    %get3A_8 = vector.load %arg4[%get3A_6, %get3A_7] : memref<512x50xi32, #tpu.memory_space<vmem>>, vector<512x50xi32>
    %ne3A_9 = arith.constant 0 : i32
    %ne3A_10 = vector.broadcast %ne3A_9 : i32 to vector<512x50xi32>
    %ne3A_11 = arith.cmpi ne, %get3A_8, %ne3A_10 : vector<512x50xi32>
    %convert_element_type3A_12 = arith.extui %ne3A_11 : vector<512x50xi1> to vector<512x50xi32>
    %convert_element_type3A_13 = arith.sitofp %convert_element_type3A_12 : vector<512x50xi32> to vector<512x50xf32>
    %reduce_sum3A_14 = arith.constant dense<0.000000e+00> : vector<512xf32>
    %reduce_sum3A_15 = vector.multi_reduction <add>, %convert_element_type3A_13, %reduce_sum3A_14 [1] : vector<512x50xf32> to vector<512xf32>
    %broadcast_in_dim3A_16 = vector.shape_cast %reduce_sum3A_15 : vector<512xf32> to vector<512x1xf32>
    %get3A_17 = arith.constant 0 : index
    %get3A_18 = arith.constant 0 : index
    %get3A_19 = vector.load %arg1[%get3A_17, %get3A_18] : memref<512x128xf32, #tpu.memory_space<vmem>>, vector<512x128xf32>
    %max3A = arith.constant 9.99999971E-10 : f32
    %max3A_20 = vector.broadcast %max3A : f32 to vector<512x1xf32>
    %max3A_21 = arith.maximumf %broadcast_in_dim3A, %max3A_20 : vector<512x1xf32>
    %div3A = vector.broadcast %max3A_21 : vector<512x1xf32> to vector<512x128xf32>
    %div3A_22 = arith.divf %get3A_19, %div3A : vector<512x128xf32>
    %get3A_23 = arith.constant 0 : index
    %get3A_24 = arith.constant 0 : index
    %get3A_25 = vector.load %arg2[%get3A_23, %get3A_24] : memref<512x128xf32, #tpu.memory_space<vmem>>, vector<512x128xf32>
    %max3A_26 = arith.constant 9.99999971E-10 : f32
    %max3A_27 = vector.broadcast %max3A_26 : f32 to vector<512x1xf32>
    %max3A_28 = arith.maximumf %broadcast_in_dim3A_16, %max3A_27 : vector<512x1xf32>
    %div3A_29 = vector.broadcast %max3A_28 : vector<512x1xf32> to vector<512x128xf32>
    %div3A_30 = arith.divf %get3A_25, %div3A_29 : vector<512x128xf32>
    %get3A_31 = arith.constant 0 : index
    %get3A_32 = arith.constant 0 : index
    %get3A_33 = vector.load %arg5[%get3A_31, %get3A_32] : memref<256x1024xf32, #tpu.memory_space<vmem>>, vector<128x1024xf32>
    %dot_general3A = arith.constant dense<0.000000e+00> : vector<512x1024xf32>
    %dot_general3A_34 = tpu.matmul %div3A_22, %get3A_33, %dot_general3A {dimension_numbers = #tpu.dot_dimension_numbers<[1], [0], [0], [1], [0, 0, 1, 1], [], []>, transpose_lhs_hint = false} : vector<512x128xf32>, vector<128x1024xf32>, vector<512x1024xf32> -> vector<512x1024xf32>
    %get3A_35 = arith.constant 128 : index
    %get3A_36 = arith.constant 0 : index
    %get3A_37 = vector.load %arg5[%get3A_35, %get3A_36] : memref<256x1024xf32, #tpu.memory_space<vmem>>, vector<128x1024xf32>
    %dot_general3A_38 = arith.constant dense<0.000000e+00> : vector<512x1024xf32>
    %dot_general3A_39 = tpu.matmul %div3A_30, %get3A_37, %dot_general3A_38 {dimension_numbers = #tpu.dot_dimension_numbers<[1], [0], [0], [1], [0, 0, 1, 1], [], []>, transpose_lhs_hint = false} : vector<512x128xf32>, vector<128x1024xf32>, vector<512x1024xf32> -> vector<512x1024xf32>
    %add3A = arith.addf %dot_general3A_34, %dot_general3A_39 : vector<512x1024xf32>
    %get3A_40 = arith.constant 0 : index
    %get3A_41 = arith.constant 0 : index
    %get3A_42 = vector.load %arg6[%get3A_40, %get3A_41] : memref<1x1024xf32, #tpu.memory_space<vmem>>, vector<1x1024xf32>
    %add3A_43 = vector.broadcast %get3A_42 : vector<1x1024xf32> to vector<512x1024xf32>
    %add3A_44 = arith.addf %add3A, %add3A_43 : vector<512x1024xf32>
    %max3A_45 = arith.constant 0.000000e+00 : f32
    %max3A_46 = vector.broadcast %max3A_45 : f32 to vector<512x1024xf32>
    %max3A_47 = arith.maximumf %add3A_44, %max3A_46 : vector<512x1024xf32>
    %swap3A = arith.constant 0 : index
    %swap3A_48 = arith.constant 0 : index
    %swap3A_49 = vector.load %arg7[%swap3A, %swap3A_48] : memref<512x1024xf32, #tpu.memory_space<vmem>>, vector<512x1024xf32>
    tpu.vector_store %arg7[%swap3A, %swap3A_48], %max3A_47 {strides = array<i32>} : memref<512x1024xf32, #tpu.memory_space<vmem>>, vector<512x1024xf32>,
    %reduce_sum3A_50 = arith.constant dense<0.000000e+00> : vector<1024xf32>
    %reduce_sum3A_51 = vector.multi_reduction <add>, %max3A_47, %reduce_sum3A_50 [0] : vector<512x1024xf32> to vector<1024xf32>
    %broadcast_in_dim3A_52 = vector.shape_cast %reduce_sum3A_51 : vector<1024xf32> to vector<1x1024xf32>
    %mul3A = arith.mulf %max3A_47, %max3A_47 : vector<512x1024xf32>
    %reduce_sum3A_53 = arith.constant dense<0.000000e+00> : vector<1024xf32>
    %reduce_sum3A_54 = vector.multi_reduction <add>, %mul3A, %reduce_sum3A_53 [0] : vector<512x1024xf32> to vector<1024xf32>
    %broadcast_in_dim3A_55 = vector.shape_cast %reduce_sum3A_54 : vector<1024xf32> to vector<1x1024xf32>
    %concatenate3A = tpu.concatenate %broadcast_in_dim3A_52, %broadcast_in_dim3A_55 in 0 : vector<1x1024xf32>, vector<1x1024xf32> -> vector<2x1024xf32>
    %eq3A = arith.constant 0 : i32
    %eq3A_56 = arith.cmpi eq, %arg0, %eq3A : i32
    %convert_element_type3A_57 = arith.extui %eq3A_56 : i1 to i32
    %cond3A = arith.constant 0 : i32
    %cond3A_58 = arith.cmpi ne, %convert_element_type3A_57, %cond3A : i32
    scf.if %cond3A_58 {
      %broadcast_in_dim3A_66 = arith.constant 0.000000e+00 : f32
      %broadcast_in_dim3A_67 = vector.broadcast %broadcast_in_dim3A_66 : f32 to vector<2x1024xf32>
      %swap3A_68 = arith.constant 0 : index
      %swap3A_69 = arith.constant 0 : index
      %swap3A_70 = vector.load %arg8[%swap3A_68, %swap3A_69] : memref<2x1024xf32, #tpu.memory_space<vmem>>, vector<2x1024xf32>
      tpu.vector_store %arg8[%swap3A_68, %swap3A_69], %broadcast_in_dim3A_67 {strides = array<i32>} : memref<2x1024xf32, #tpu.memory_space<vmem>>, vector<2x1024xf32>,
    } else {
    }
    %get3A_59 = arith.constant 0 : index
    %get3A_60 = arith.constant 0 : index
    %get3A_61 = vector.load %arg8[%get3A_59, %get3A_60] : memref<2x1024xf32, #tpu.memory_space<vmem>>, vector<2x1024xf32>
    %add3A_62 = arith.addf %get3A_61, %concatenate3A : vector<2x1024xf32>
    %swap3A_63 = arith.constant 0 : index
    %swap3A_64 = arith.constant 0 : index
    %swap3A_65 = vector.load %arg8[%swap3A_63, %swap3A_64] : memref<2x1024xf32, #tpu.memory_space<vmem>>, vector<2x1024xf32>
    tpu.vector_store %arg8[%swap3A_63, %swap3A_64], %add3A_62 {strides = array<i32>} : memref<2x1024xf32, #tpu.memory_space<vmem>>, vector<2x1024xf32>,
    return
  }
  func.func @transform_0(%arg0: i32) -> (i32, i32) {
    %c0_i32 = arith.constant 0 : i32
    %c0_i32_0 = arith.constant 0 : i32
    return %arg0, %c0_i32 : i32, i32
  }
  func.func @transform_1(%arg0: i32) -> (i32, i32) {
    %add3A = arith.constant 32 : i32
    %add3A_0 = arith.addi %arg0, %add3A : i32
    %c0_i32 = arith.constant 0 : i32
    %c0_i32_1 = arith.constant 0 : i32
    return %add3A_0, %c0_i32 : i32, i32
  }
  func.func @transform_2(%arg0: i32) -> (i32, i32) {
    %c0_i32 = arith.constant 0 : i32
    %c0_i32_0 = arith.constant 0 : i32
    return %arg0, %c0_i32 : i32, i32
  }
  func.func @transform_3(%arg0: i32) -> (i32, i32) {
    %c0_i32 = arith.constant 0 : i32
    %c0_i32_0 = arith.constant 0 : i32
    return %arg0, %c0_i32 : i32, i32
  }
  func.func @transform_4(%arg0: i32) -> (i32, i32) {
    %c0_i32 = arith.constant 0 : i32
    %c0_i32_0 = arith.constant 0 : i32
    %c0_i32_1 = arith.constant 0 : i32
    return %c0_i32, %c0_i32_0 : i32, i32
  }
  func.func @transform_5(%arg0: i32) -> (i32, i32) {
    %c0_i32 = arith.constant 0 : i32
    %c0_i32_0 = arith.constant 0 : i32
    %c0_i32_1 = arith.constant 0 : i32
    return %c0_i32, %c0_i32_0 : i32, i32
  }
  func.func @transform_6(%arg0: i32) -> (i32, i32) {
    %c0_i32 = arith.constant 0 : i32
    %c0_i32_0 = arith.constant 0 : i32
    return %arg0, %c0_i32 : i32, i32
  }
  func.func @transform_7(%arg0: i32) -> (i32, i32) {
    %c0_i32 = arith.constant 0 : i32
    %c0_i32_0 = arith.constant 0 : i32
    %c0_i32_1 = arith.constant 0 : i32
    return %c0_i32, %c0_i32_0 : i32, i32
  }
}

module attributes {stable_mosaic.version = 14 : i64} {
  func.func @_k2_body(%arg0: i32, %arg1: memref<512x1024xf32, #tpu.memory_space<vmem>>, %arg2: memref<2x1024xf32, #tpu.memory_space<vmem>>, %arg3: memref<1x1024xf32, #tpu.memory_space<vmem>>, %arg4: memref<1x1024xf32, #tpu.memory_space<vmem>>, %arg5: memref<1024x1024xf32, #tpu.memory_space<vmem>>, %arg6: memref<1x1024xf32, #tpu.memory_space<vmem>>, %arg7: memref<512x1024xf32, #tpu.memory_space<vmem>>, %arg8: memref<2x1024xf32, #tpu.memory_space<vmem>>) attributes {dimension_semantics = [#tpu.dimension_semantics<arbitrary>], iteration_bounds = array<i64: 32>, scalar_prefetch = 0 : i64, scratch_operands = 0 : i64, tpu.core_type = #tpu.core_type<tc>, window_params = [{transform_indices = @transform_0, window_bounds = array<i64: 512, 1024>}, {pipeline_mode = #tpu.pipeline_mode<synchronous>, transform_indices = @transform_1, window_bounds = array<i64: 2, 1024>}, {pipeline_mode = #tpu.pipeline_mode<synchronous>, transform_indices = @transform_2, window_bounds = array<i64: 1, 1024>}, {pipeline_mode = #tpu.pipeline_mode<synchronous>, transform_indices = @transform_3, window_bounds = array<i64: 1, 1024>}, {pipeline_mode = #tpu.pipeline_mode<synchronous>, transform_indices = @transform_4, window_bounds = array<i64: 1024, 1024>}, {pipeline_mode = #tpu.pipeline_mode<synchronous>, transform_indices = @transform_5, window_bounds = array<i64: 1, 1024>}, {transform_indices = @transform_6, window_bounds = array<i64: 512, 1024>}, {pipeline_mode = #tpu.pipeline_mode<synchronous>, transform_indices = @transform_7, window_bounds = array<i64: 2, 1024>}]} {
    %get3A = arith.constant 0 : index
    %get3A_0 = arith.constant 0 : index
    %get3A_1 = vector.load %arg2[%get3A, %get3A_0] : memref<2x1024xf32, #tpu.memory_space<vmem>>, vector<1x1024xf32>
    %mul3A = arith.constant 6.10351563E-5 : f32
    %mul3A_2 = vector.broadcast %mul3A : f32 to vector<1x1024xf32>
    %mul3A_3 = arith.mulf %get3A_1, %mul3A_2 : vector<1x1024xf32>
    %get3A_4 = arith.constant 1 : index
    %get3A_5 = arith.constant 0 : index
    %get3A_6 = vector.load %arg2[%get3A_4, %get3A_5] : memref<2x1024xf32, #tpu.memory_space<vmem>>, vector<1x1024xf32>
    %mul3A_7 = arith.constant 6.10351563E-5 : f32
    %mul3A_8 = vector.broadcast %mul3A_7 : f32 to vector<1x1024xf32>
    %mul3A_9 = arith.mulf %get3A_6, %mul3A_8 : vector<1x1024xf32>
    %mul3A_10 = arith.mulf %mul3A_3, %mul3A_3 : vector<1x1024xf32>
    %sub3A = arith.subf %mul3A_9, %mul3A_10 : vector<1x1024xf32>
    %get3A_11 = arith.constant 0 : index
    %get3A_12 = arith.constant 0 : index
    %get3A_13 = vector.load %arg3[%get3A_11, %get3A_12] : memref<1x1024xf32, #tpu.memory_space<vmem>>, vector<1x1024xf32>
    %add3A = arith.constant 9.99999974E-6 : f32
    %add3A_14 = vector.broadcast %add3A : f32 to vector<1x1024xf32>
    %add3A_15 = arith.addf %sub3A, %add3A_14 : vector<1x1024xf32>
    %rsqrt3A = math.rsqrt %add3A_15 : vector<1x1024xf32>
    %mul3A_16 = arith.mulf %get3A_13, %rsqrt3A : vector<1x1024xf32>
    %get3A_17 = arith.constant 0 : index
    %get3A_18 = arith.constant 0 : index
    %get3A_19 = vector.load %arg4[%get3A_17, %get3A_18] : memref<1x1024xf32, #tpu.memory_space<vmem>>, vector<1x1024xf32>
    %mul3A_20 = arith.mulf %mul3A_3, %mul3A_16 : vector<1x1024xf32>
    %sub3A_21 = arith.subf %get3A_19, %mul3A_20 : vector<1x1024xf32>
    %get3A_22 = arith.constant 0 : index
    %get3A_23 = arith.constant 0 : index
    %get3A_24 = vector.load %arg1[%get3A_22, %get3A_23] : memref<512x1024xf32, #tpu.memory_space<vmem>>, vector<512x1024xf32>
    %mul3A_25 = vector.broadcast %mul3A_16 : vector<1x1024xf32> to vector<512x1024xf32>
    %mul3A_26 = arith.mulf %get3A_24, %mul3A_25 : vector<512x1024xf32>
    %add3A_27 = vector.broadcast %sub3A_21 : vector<1x1024xf32> to vector<512x1024xf32>
    %add3A_28 = arith.addf %mul3A_26, %add3A_27 : vector<512x1024xf32>
    %get3A_29 = arith.constant 0 : index
    %get3A_30 = arith.constant 0 : index
    %get3A_31 = vector.load %arg5[%get3A_29, %get3A_30] : memref<1024x1024xf32, #tpu.memory_space<vmem>>, vector<1024x1024xf32>
    %dot_general3A = arith.constant dense<0.000000e+00> : vector<512x1024xf32>
    %dot_general3A_32 = tpu.matmul %add3A_28, %get3A_31, %dot_general3A {dimension_numbers = #tpu.dot_dimension_numbers<[1], [0], [0], [1], [0, 0, 1, 1], [], []>, transpose_lhs_hint = false} : vector<512x1024xf32>, vector<1024x1024xf32>, vector<512x1024xf32> -> vector<512x1024xf32>
    %get3A_33 = arith.constant 0 : index
    %get3A_34 = arith.constant 0 : index
    %get3A_35 = vector.load %arg6[%get3A_33, %get3A_34] : memref<1x1024xf32, #tpu.memory_space<vmem>>, vector<1x1024xf32>
    %add3A_36 = vector.broadcast %get3A_35 : vector<1x1024xf32> to vector<512x1024xf32>
    %add3A_37 = arith.addf %dot_general3A_32, %add3A_36 : vector<512x1024xf32>
    %max3A = arith.constant 0.000000e+00 : f32
    %max3A_38 = vector.broadcast %max3A : f32 to vector<512x1024xf32>
    %max3A_39 = arith.maximumf %add3A_37, %max3A_38 : vector<512x1024xf32>
    %swap3A = arith.constant 0 : index
    %swap3A_40 = arith.constant 0 : index
    %swap3A_41 = vector.load %arg7[%swap3A, %swap3A_40] : memref<512x1024xf32, #tpu.memory_space<vmem>>, vector<512x1024xf32>
    tpu.vector_store %arg7[%swap3A, %swap3A_40], %max3A_39 {strides = array<i32>} : memref<512x1024xf32, #tpu.memory_space<vmem>>, vector<512x1024xf32>,
    %reduce_sum3A = arith.constant dense<0.000000e+00> : vector<1024xf32>
    %reduce_sum3A_42 = vector.multi_reduction <add>, %max3A_39, %reduce_sum3A [0] : vector<512x1024xf32> to vector<1024xf32>
    %broadcast_in_dim3A = vector.shape_cast %reduce_sum3A_42 : vector<1024xf32> to vector<1x1024xf32>
    %mul3A_43 = arith.mulf %max3A_39, %max3A_39 : vector<512x1024xf32>
    %reduce_sum3A_44 = arith.constant dense<0.000000e+00> : vector<1024xf32>
    %reduce_sum3A_45 = vector.multi_reduction <add>, %mul3A_43, %reduce_sum3A_44 [0] : vector<512x1024xf32> to vector<1024xf32>
    %broadcast_in_dim3A_46 = vector.shape_cast %reduce_sum3A_45 : vector<1024xf32> to vector<1x1024xf32>
    %concatenate3A = tpu.concatenate %broadcast_in_dim3A, %broadcast_in_dim3A_46 in 0 : vector<1x1024xf32>, vector<1x1024xf32> -> vector<2x1024xf32>
    %eq3A = arith.constant 0 : i32
    %eq3A_47 = arith.cmpi eq, %arg0, %eq3A : i32
    %convert_element_type3A = arith.extui %eq3A_47 : i1 to i32
    %cond3A = arith.constant 0 : i32
    %cond3A_48 = arith.cmpi ne, %convert_element_type3A, %cond3A : i32
    scf.if %cond3A_48 {
      %broadcast_in_dim3A_56 = arith.constant 0.000000e+00 : f32
      %broadcast_in_dim3A_57 = vector.broadcast %broadcast_in_dim3A_56 : f32 to vector<2x1024xf32>
      %swap3A_58 = arith.constant 0 : index
      %swap3A_59 = arith.constant 0 : index
      %swap3A_60 = vector.load %arg8[%swap3A_58, %swap3A_59] : memref<2x1024xf32, #tpu.memory_space<vmem>>, vector<2x1024xf32>
      tpu.vector_store %arg8[%swap3A_58, %swap3A_59], %broadcast_in_dim3A_57 {strides = array<i32>} : memref<2x1024xf32, #tpu.memory_space<vmem>>, vector<2x1024xf32>,
    } else {
    }
    %get3A_49 = arith.constant 0 : index
    %get3A_50 = arith.constant 0 : index
    %get3A_51 = vector.load %arg8[%get3A_49, %get3A_50] : memref<2x1024xf32, #tpu.memory_space<vmem>>, vector<2x1024xf32>
    %add3A_52 = arith.addf %get3A_51, %concatenate3A : vector<2x1024xf32>
    %swap3A_53 = arith.constant 0 : index
    %swap3A_54 = arith.constant 0 : index
    %swap3A_55 = vector.load %arg8[%swap3A_53, %swap3A_54] : memref<2x1024xf32, #tpu.memory_space<vmem>>, vector<2x1024xf32>
    tpu.vector_store %arg8[%swap3A_53, %swap3A_54], %add3A_52 {strides = array<i32>} : memref<2x1024xf32, #tpu.memory_space<vmem>>, vector<2x1024xf32>,
    return
  }
  func.func @transform_0(%arg0: i32) -> (i32, i32) {
    %c0_i32 = arith.constant 0 : i32
    %c0_i32_0 = arith.constant 0 : i32
    return %arg0, %c0_i32 : i32, i32
  }
  func.func @transform_1(%arg0: i32) -> (i32, i32) {
    %c0_i32 = arith.constant 0 : i32
    %c0_i32_0 = arith.constant 0 : i32
    %c0_i32_1 = arith.constant 0 : i32
    return %c0_i32, %c0_i32_0 : i32, i32
  }
  func.func @transform_2(%arg0: i32) -> (i32, i32) {
    %c0_i32 = arith.constant 0 : i32
    %c0_i32_0 = arith.constant 0 : i32
    %c0_i32_1 = arith.constant 0 : i32
    return %c0_i32, %c0_i32_0 : i32, i32
  }
  func.func @transform_3(%arg0: i32) -> (i32, i32) {
    %c0_i32 = arith.constant 0 : i32
    %c0_i32_0 = arith.constant 0 : i32
    %c0_i32_1 = arith.constant 0 : i32
    return %c0_i32, %c0_i32_0 : i32, i32
  }
  func.func @transform_4(%arg0: i32) -> (i32, i32) {
    %c0_i32 = arith.constant 0 : i32
    %c0_i32_0 = arith.constant 0 : i32
    %c0_i32_1 = arith.constant 0 : i32
    return %c0_i32, %c0_i32_0 : i32, i32
  }
  func.func @transform_5(%arg0: i32) -> (i32, i32) {
    %c0_i32 = arith.constant 0 : i32
    %c0_i32_0 = arith.constant 0 : i32
    %c0_i32_1 = arith.constant 0 : i32
    return %c0_i32, %c0_i32_0 : i32, i32
  }
  func.func @transform_6(%arg0: i32) -> (i32, i32) {
    %c0_i32 = arith.constant 0 : i32
    %c0_i32_0 = arith.constant 0 : i32
    return %arg0, %c0_i32 : i32, i32
  }
  func.func @transform_7(%arg0: i32) -> (i32, i32) {
    %c0_i32 = arith.constant 0 : i32
    %c0_i32_0 = arith.constant 0 : i32
    %c0_i32_1 = arith.constant 0 : i32
    return %c0_i32, %c0_i32_0 : i32, i32
  }
}

module attributes {stable_mosaic.version = 14 : i64} {
  func.func @_k3_body(%arg0: i32, %arg1: memref<512x1024xf32, #tpu.memory_space<vmem>>, %arg2: memref<2x1024xf32, #tpu.memory_space<vmem>>, %arg3: memref<1x1024xf32, #tpu.memory_space<vmem>>, %arg4: memref<1x1024xf32, #tpu.memory_space<vmem>>, %arg5: memref<1024x1024xf32, #tpu.memory_space<vmem>>, %arg6: memref<1x1024xf32, #tpu.memory_space<vmem>>, %arg7: memref<1x1024xf32, #tpu.memory_space<vmem>>, %arg8: memref<1x1xf32, #tpu.memory_space<vmem>>, %arg9: memref<512x1xf32, #tpu.memory_space<vmem>>) attributes {dimension_semantics = [#tpu.dimension_semantics<arbitrary>], iteration_bounds = array<i64: 32>, scalar_prefetch = 0 : i64, scratch_operands = 0 : i64, tpu.core_type = #tpu.core_type<tc>, window_params = [{transform_indices = @transform_0, window_bounds = array<i64: 512, 1024>}, {pipeline_mode = #tpu.pipeline_mode<synchronous>, transform_indices = @transform_1, window_bounds = array<i64: 2, 1024>}, {pipeline_mode = #tpu.pipeline_mode<synchronous>, transform_indices = @transform_2, window_bounds = array<i64: 1, 1024>}, {pipeline_mode = #tpu.pipeline_mode<synchronous>, transform_indices = @transform_3, window_bounds = array<i64: 1, 1024>}, {pipeline_mode = #tpu.pipeline_mode<synchronous>, transform_indices = @transform_4, window_bounds = array<i64: 1024, 1024>}, {pipeline_mode = #tpu.pipeline_mode<synchronous>, transform_indices = @transform_5, window_bounds = array<i64: 1, 1024>}, {pipeline_mode = #tpu.pipeline_mode<synchronous>, transform_indices = @transform_6, window_bounds = array<i64: 1, 1024>}, {pipeline_mode = #tpu.pipeline_mode<synchronous>, transform_indices = @transform_7, window_bounds = array<i64: 1, 1>}, {transform_indices = @transform_8, window_bounds = array<i64: 512, 1>}]} {
    %get3A = arith.constant 0 : index
    %get3A_0 = arith.constant 0 : index
    %get3A_1 = vector.load %arg2[%get3A, %get3A_0] : memref<2x1024xf32, #tpu.memory_space<vmem>>, vector<1x1024xf32>
    %mul3A = arith.constant 6.10351563E-5 : f32
    %mul3A_2 = vector.broadcast %mul3A : f32 to vector<1x1024xf32>
    %mul3A_3 = arith.mulf %get3A_1, %mul3A_2 : vector<1x1024xf32>
    %get3A_4 = arith.constant 1 : index
    %get3A_5 = arith.constant 0 : index
    %get3A_6 = vector.load %arg2[%get3A_4, %get3A_5] : memref<2x1024xf32, #tpu.memory_space<vmem>>, vector<1x1024xf32>
    %mul3A_7 = arith.constant 6.10351563E-5 : f32
    %mul3A_8 = vector.broadcast %mul3A_7 : f32 to vector<1x1024xf32>
    %mul3A_9 = arith.mulf %get3A_6, %mul3A_8 : vector<1x1024xf32>
    %mul3A_10 = arith.mulf %mul3A_3, %mul3A_3 : vector<1x1024xf32>
    %sub3A = arith.subf %mul3A_9, %mul3A_10 : vector<1x1024xf32>
    %get3A_11 = arith.constant 0 : index
    %get3A_12 = arith.constant 0 : index
    %get3A_13 = vector.load %arg3[%get3A_11, %get3A_12] : memref<1x1024xf32, #tpu.memory_space<vmem>>, vector<1x1024xf32>
    %add3A = arith.constant 9.99999974E-6 : f32
    %add3A_14 = vector.broadcast %add3A : f32 to vector<1x1024xf32>
    %add3A_15 = arith.addf %sub3A, %add3A_14 : vector<1x1024xf32>
    %rsqrt3A = math.rsqrt %add3A_15 : vector<1x1024xf32>
    %mul3A_16 = arith.mulf %get3A_13, %rsqrt3A : vector<1x1024xf32>
    %get3A_17 = arith.constant 0 : index
    %get3A_18 = arith.constant 0 : index
    %get3A_19 = vector.load %arg4[%get3A_17, %get3A_18] : memref<1x1024xf32, #tpu.memory_space<vmem>>, vector<1x1024xf32>
    %mul3A_20 = arith.mulf %mul3A_3, %mul3A_16 : vector<1x1024xf32>
    %sub3A_21 = arith.subf %get3A_19, %mul3A_20 : vector<1x1024xf32>
    %get3A_22 = arith.constant 0 : index
    %get3A_23 = arith.constant 0 : index
    %get3A_24 = vector.load %arg1[%get3A_22, %get3A_23] : memref<512x1024xf32, #tpu.memory_space<vmem>>, vector<512x1024xf32>
    %mul3A_25 = vector.broadcast %mul3A_16 : vector<1x1024xf32> to vector<512x1024xf32>
    %mul3A_26 = arith.mulf %get3A_24, %mul3A_25 : vector<512x1024xf32>
    %add3A_27 = vector.broadcast %sub3A_21 : vector<1x1024xf32> to vector<512x1024xf32>
    %add3A_28 = arith.addf %mul3A_26, %add3A_27 : vector<512x1024xf32>
    %get3A_29 = arith.constant 0 : index
    %get3A_30 = arith.constant 0 : index
    %get3A_31 = vector.load %arg5[%get3A_29, %get3A_30] : memref<1024x1024xf32, #tpu.memory_space<vmem>>, vector<1024x1024xf32>
    %dot_general3A = arith.constant dense<0.000000e+00> : vector<512x1024xf32>
    %dot_general3A_32 = tpu.matmul %add3A_28, %get3A_31, %dot_general3A {dimension_numbers = #tpu.dot_dimension_numbers<[1], [0], [0], [1], [0, 0, 1, 1], [], []>, transpose_lhs_hint = false} : vector<512x1024xf32>, vector<1024x1024xf32>, vector<512x1024xf32> -> vector<512x1024xf32>
    %get3A_33 = arith.constant 0 : index
    %get3A_34 = arith.constant 0 : index
    %get3A_35 = vector.load %arg6[%get3A_33, %get3A_34] : memref<1x1024xf32, #tpu.memory_space<vmem>>, vector<1x1024xf32>
    %add3A_36 = vector.broadcast %get3A_35 : vector<1x1024xf32> to vector<512x1024xf32>
    %add3A_37 = arith.addf %dot_general3A_32, %add3A_36 : vector<512x1024xf32>
    %max3A = arith.constant 0.000000e+00 : f32
    %max3A_38 = vector.broadcast %max3A : f32 to vector<512x1024xf32>
    %max3A_39 = arith.maximumf %add3A_37, %max3A_38 : vector<512x1024xf32>
    %get3A_40 = arith.constant 0 : index
    %get3A_41 = arith.constant 0 : index
    %get3A_42 = vector.load %arg7[%get3A_40, %get3A_41] : memref<1x1024xf32, #tpu.memory_space<vmem>>, vector<1x1024xf32>
    %mul3A_43 = vector.broadcast %get3A_42 : vector<1x1024xf32> to vector<512x1024xf32>
    %mul3A_44 = arith.mulf %max3A_39, %mul3A_43 : vector<512x1024xf32>
    %reduce_sum3A = arith.constant dense<0.000000e+00> : vector<512xf32>
    %reduce_sum3A_45 = vector.multi_reduction <add>, %mul3A_44, %reduce_sum3A [1] : vector<512x1024xf32> to vector<512xf32>
    %broadcast_in_dim3A = vector.shape_cast %reduce_sum3A_45 : vector<512xf32> to vector<512x1xf32>
    %get3A_46 = arith.constant 0 : index
    %get3A_47 = arith.constant 0 : index
    %get3A_48 = vector.load %arg8[%get3A_46, %get3A_47] : memref<1x1xf32, #tpu.memory_space<vmem>>, vector<1x1xf32>
    %add3A_49 = vector.broadcast %get3A_48 : vector<1x1xf32> to vector<512x1xf32>
    %add3A_50 = arith.addf %broadcast_in_dim3A, %add3A_49 : vector<512x1xf32>
    %logistic3A = arith.negf %add3A_50 : vector<512x1xf32>
    %logistic3A_51 = math.exp %logistic3A : vector<512x1xf32>
    %logistic3A_52 = arith.constant 1.000000e+00 : f32
    %logistic3A_53 = vector.broadcast %logistic3A_52 : f32 to vector<512x1xf32>
    %logistic3A_54 = arith.addf %logistic3A_53, %logistic3A_51 : vector<512x1xf32>
    %logistic3A_55 = arith.divf %logistic3A_53, %logistic3A_54 : vector<512x1xf32>
    %swap3A = arith.constant 0 : index
    %swap3A_56 = arith.constant 0 : index
    %swap3A_57 = vector.load %arg9[%swap3A, %swap3A_56] : memref<512x1xf32, #tpu.memory_space<vmem>>, vector<512x1xf32>
    tpu.vector_store %arg9[%swap3A, %swap3A_56], %logistic3A_55 {strides = array<i32>} : memref<512x1xf32, #tpu.memory_space<vmem>>, vector<512x1xf32>,
    return
  }
  func.func @transform_0(%arg0: i32) -> (i32, i32) {
    %c0_i32 = arith.constant 0 : i32
    %c0_i32_0 = arith.constant 0 : i32
    return %arg0, %c0_i32 : i32, i32
  }
  func.func @transform_1(%arg0: i32) -> (i32, i32) {
    %c0_i32 = arith.constant 0 : i32
    %c0_i32_0 = arith.constant 0 : i32
    %c0_i32_1 = arith.constant 0 : i32
    return %c0_i32, %c0_i32_0 : i32, i32
  }
  func.func @transform_2(%arg0: i32) -> (i32, i32) {
    %c0_i32 = arith.constant 0 : i32
    %c0_i32_0 = arith.constant 0 : i32
    %c0_i32_1 = arith.constant 0 : i32
    return %c0_i32, %c0_i32_0 : i32, i32
  }
  func.func @transform_3(%arg0: i32) -> (i32, i32) {
    %c0_i32 = arith.constant 0 : i32
    %c0_i32_0 = arith.constant 0 : i32
    %c0_i32_1 = arith.constant 0 : i32
    return %c0_i32, %c0_i32_0 : i32, i32
  }
  func.func @transform_4(%arg0: i32) -> (i32, i32) {
    %c0_i32 = arith.constant 0 : i32
    %c0_i32_0 = arith.constant 0 : i32
    %c0_i32_1 = arith.constant 0 : i32
    return %c0_i32, %c0_i32_0 : i32, i32
  }
  func.func @transform_5(%arg0: i32) -> (i32, i32) {
    %c0_i32 = arith.constant 0 : i32
    %c0_i32_0 = arith.constant 0 : i32
    %c0_i32_1 = arith.constant 0 : i32
    return %c0_i32, %c0_i32_0 : i32, i32
  }
  func.func @transform_6(%arg0: i32) -> (i32, i32) {
    %c0_i32 = arith.constant 0 : i32
    %c0_i32_0 = arith.constant 0 : i32
    %c0_i32_1 = arith.constant 0 : i32
    return %c0_i32, %c0_i32_0 : i32, i32
  }
  func.func @transform_7(%arg0: i32) -> (i32, i32) {
    %c0_i32 = arith.constant 0 : i32
    %c0_i32_0 = arith.constant 0 : i32
    %c0_i32_1 = arith.constant 0 : i32
    return %c0_i32, %c0_i32_0 : i32, i32
  }
  func.func @transform_8(%arg0: i32) -> (i32, i32) {
    %c0_i32 = arith.constant 0 : i32
    %c0_i32_0 = arith.constant 0 : i32
    return %arg0, %c0_i32 : i32, i32
  }
}

</mosaic_0001>

<sc_bundles>
// kernel: kernel.6.cloned.1.call-start
scs
__scs_entry_jumppad:
0x0: {  	(pc) =	sbr.rel $0x88, $3  }
0x1: {  	(tag) =	ssettag $0x0;
	lr =	simm.s32 $0x1  }
0x2: {  	[smem:$0x3F92] =	sst lr;
	_ =	strace $0xD0000000  }
0x3: {  	_ = 	snop  }
0x4: {  	_ = 	snop  }
0x5: {  	_ = 	snop  }
0x6: {  	_ = 	snop  }
0x7: {  	_ = 	snop  }
__scs_overlays_trampoline_lowered:
0x8: {  	[smem:$0x3FA1] =	sst s0  }
0x9: {  	[smem:$0x3FA2] =	sst s1  }
0xa: {  	[smem:$0x3FA3] =	sst s2  }
0xb: {  	[smem:$0x3FA4] =	sst s3  }
0xc: {  	[smem:$0x3FA5] =	sst s4  }
0xd: {  	[smem:$0x3FA6] =	sst s5  }
0xe: {  	[smem:$0x3FA7] =	sst s6  }
0xf: {  	[smem:$0x3FA8] =	sst s7  }
0x10: {  	[smem:$0x3FA9] =	sst s8  }
0x11: {  	[smem:$0x3FAA] =	sst s9;
	s0 =	simm.s32 @!p0 $0x0  }
0x12: {  	s1 =	sld [smem:$0x3F90];
	s0 =	simm.s32 @p0 $0x1  }
0x13: {  	[smem:$0x3FAB] =	sst s0;
	s0 =	simm.s32 @!p1 $0x0  }
0x14: {  	s2 =	sld [smem:$0x3F8F];
	s0 =	simm.s32 @p1 $0x1  }
0x15: {  	[smem:$0x3FAC] =	sst s0;
	s0 =	simm.s32 @!p2 $0x0  }
0x16: {  	s3 =	sld [smem:$0x3FDB];
	s0 =	simm.s32 @p2 $0x1  }
0x17: {  	s4 =	simm.s32 $0x1BF5;
	[smem:$0x3FAE] =	sst s0  }
0x18: {  	s0 =	sld [smem:$0x3F91];
	_ =	swait.ge [sflag:s4], $0x0  }
0x19: {  	s7 =	sld [smem:$0x3F92]  }
0x1a: {  	s8 =	sadd.s32 $0xFFFFE003, lr  }
0x1b: {  	s9 =	sadd.s32 $0xFFFFFEF7, lr;
	s5 =	simm.s32 $0xFFFFFFFF;
	p2 =	slt.u32 s8, $0xFFFFF086  }
0x1c: {  	p1 =	slt.u32 s9, $0xF7A;
	s5 =	simm.s32 @!p2 $0x0  }
0x1d: {  	s5 =	simm.s32 @p1 $0x1;
	p0 =	seq.s32 s7, s2  }
0x1e: {  	s7 =	smul.u32 @!p0 $0xF7A, s2;
	p2 =	seq.s32 @!p0 s5, $0x0  }
0x1f: {  	s9 =	smul.u32 $0xF7A, s1;
	s8 =	simm.s32 @!p0 $0x1BF5;
	p2 =	por !p2, p0  }
0x20: {  	[sflag:s8] =	ssyncset.s32 @!p0 $0xFFFFF086;
	s6 =	sadd.s32 @!p0 s3, s7;
	s7 =	simm.s32 @!p0 $0x108  }
0x21: {  	s3 =	sadd.s32 s3, s9;
	s6 =	sadd.s32 @!p0 $0x88, s6;
	s7 =	simm.s32 @p2 $0x1082  }
0x22: {  	[simem:s7], [sflag:s8] =	dma.local @!p0 [hbm:s6], $0xF7A  }
0x23: {  	s9 =	sor.u32 $0xD0000000, s2;
	s6 =	simm.s32 $0x108;
	_ =	swait.ge @!p0 [sflag:s8], $0x0  }
0x24: {  	s3 =	sadd.s32 $0x88, s3;
	s6 =	simm.s32 @!p1 $0x1082;
	[sflag:s4] =	ssyncset.s32 $0xFFFFF086  }
0x25: {  	[simem:s6], [sflag:s4] =	dma.local [hbm:s3], $0xF7A  }
0x26: {  	[smem:$0x3F92] =	sst s1;
	(tag) =	ssettag s2;
	_ =	strace s9  }
0x27: {  	s1 =	sld [smem:$0x3FA2]  }
0x28: {  	s2 =	sld [smem:$0x3FA3]  }
0x29: {  	s4 =	sld [smem:$0x3FA5]  }
0x2a: {  	p0 =	seq.s32 s5, $0x0;
	s5 =	sld [smem:$0x3FA6]  }
0x2b: {  	s6 =	sld [smem:$0x3FA7]  }
0x2c: {  	s7 =	sld [smem:$0x3FA8]  }
0x2d: {  	s3 =	simm.s32 $0x108;
	s8 =	sld [smem:$0x3FA9]  }
0x2e: {  	s3 =	simm.s32 @!p0 $0x1082;
	s9 =	sld [smem:$0x3FAA]  }
0x2f: {  	lr =	sadd.s32 s0, s3;
	s0 =	sld [smem:$0x3FA1]  }
0x30: {  	s3 =	sld [smem:$0x3FA4]  }
0x31: {  	[smem:$0x3FAD] =	sst s10  }
0x32: {  	s10 =	sld [smem:$0x3FAB];
	_ =	sdelay $0x3  }
0x33: {  	p0 =	seq.s32 s10, $0x1;
	s10 =	sld [smem:$0x3FAD];
	_ =	sdelay $0x3  }
0x34: {  	[smem:$0x3FAD] =	sst s10  }
0x35: {  	s10 =	sld [smem:$0x3FAC];
	_ =	sdelay $0x3  }
0x36: {  	p1 =	seq.s32 s10, $0x1;
	s10 =	sld [smem:$0x3FAD];
	_ =	sdelay $0x3  }
0x37: {  	[smem:$0x3FAD] =	sst s10  }
0x38: {  	s10 =	sld [smem:$0x3FAE]  }
0x39: {  	_ = 	snop;
	(pc) =	sbr.ind lr, $3  }
0x3a: {  	_ = 	snop  }
0x3b: {  	_ = 	snop  }
0x3c: {  	p2 =	seq.s32 s10, $0x1;
	s10 =	sld [smem:$0x3FAD]  }
0x3d: {  	_ =	shalt  }
0x3e: {  	_ =	shalt  }
0x3f: {  	_ =	shalt  }
0x40: {  	_ =	shalt  }
0x41: {  	_ =	shalt  }
0x42: {  	_ =	shalt  }
0x43: {  	_ =	shalt  }
0x44: {  	_ =	shalt  }
0x45: {  	_ =	shalt  }
0x46: {  	_ =	shalt  }
0x47: {  	_ =	shalt  }
0x48: {  	_ =	shalt  }
0x49: {  	_ =	shalt  }
0x4a: {  	_ =	shalt  }
0x4b: {  	_ =	shalt  }
0x4c: {  	_ =	shalt  }
0x4d: {  	_ =	shalt  }
0x4e: {  	_ =	shalt  }
0x4f: {  	_ =	shalt  }
0x50: {  	_ =	shalt  }
0x51: {  	_ =	shalt  }
0x52: {  	_ =	shalt  }
0x53: {  	_ =	shalt  }
0x54: {  	_ =	shalt  }
0x55: {  	_ =	shalt  }
0x56: {  	_ =	shalt  }
0x57: {  	_ =	shalt  }
0x58: {  	_ =	shalt  }
0x59: {  	_ =	shalt  }
0x5a: {  	_ =	shalt  }
0x5b: {  	_ =	shalt  }
0x5c: {  	_ =	shalt  }
0x5d: {  	_ =	shalt  }
0x5e: {  	_ =	shalt  }
0x5f: {  	_ =	shalt  }
0x60: {  	_ =	shalt  }
0x61: {  	_ =	shalt  }
0x62: {  	_ =	shalt  }
0x63: {  	_ =	shalt  }
0x64: {  	_ =	shalt  }
0x65: {  	_ =	shalt  }
0x66: {  	_ =	shalt  }
0x67: {  	_ =	shalt  }
0x68: {  	_ =	shalt  }
0x69: {  	_ =	shalt  }
0x6a: {  	_ =	shalt  }
0x6b: {  	_ =	shalt  }
0x6c: {  	_ =	shalt  }
0x6d: {  	_ =	shalt  }
0x6e: {  	_ =	shalt  }
0x6f: {  	_ =	shalt  }
0x70: {  	_ =	shalt  }
0x71: {  	_ =	shalt  }
0x72: {  	_ =	shalt  }
0x73: {  	_ =	shalt  }
0x74: {  	_ =	shalt  }
0x75: {  	_ =	shalt  }
0x76: {  	_ =	shalt  }
0x77: {  	_ =	shalt  }
0x78: {  	_ =	shalt  }
0x79: {  	_ =	shalt  }
0x7a: {  	_ =	shalt  }
0x7b: {  	_ =	shalt  }
0x7c: {  	_ =	shalt  }
0x7d: {  	_ =	shalt  }
0x7e: {  	_ =	shalt  }
0x7f: {  	_ =	shalt  }
0x80: {  	_ =	shalt  }
0x81: {  	_ =	shalt  }
0x82: {  	_ =	shalt  }
0x83: {  	_ =	shalt  }
0x84: {  	_ =	shalt  }
0x85: {  	_ =	shalt  }
0x86: {  	_ =	shalt  }
0x87: {  	_ =	shalt  }
.Lfunc_end0:
.L_simem_size_0:
called_computation_lowered:
.L_overlay_start_0:
0x88: {  	s2 =	sld [smem:$0x3FD9]  }
0x89: {  	s3 =	sld [smem:$0x3FFE];
	_ =	sdelay $0x1  }
0x8a: {  	s1 =	srdreg.scid  }
0x8b: {  	s0 =	sand.u32 $0x1, s1  }
0x8c: {  	s16 =	sshll.u32 s0, $0xA;
	s2 =	sadd.s32 s3, s2  }
0x8d: {  	s2 =	sadd.s32 s2, s16  }
0x8e: {  	[smem:$0x3FB9] =	sst s2  }
0x8f: {  	_ = 	snop  }
0x90: {  	(tm) =	ssettm $0x1  }
0x91: {  	s17 =	sld [smem:$0x3FFB];
	_ =	sdelay $0x3  }
0x92: {  	_ =	strace s17  }
0x93: {  	s2 =	sld [smem:$0x3FFC];
	_ =	sdelay $0x3  }
0x94: {  	_ =	strace s2  }
0x95: {  	s2 =	sld [smem:$0x3FFD];
	_ =	sdelay $0x3  }
0x96: {  	_ =	strace s2  }
0x97: {  	_ =	strace $0x8FFFFFFF  }
0x98: {  	s18 =	sld [smem:$0x3FDB];
	_ =	sdelay $0x1  }
0x99: {  	s19 =	simm.s32 $_scs_section_size  }
0x9a: {  	s4 =	simm.s32 $_size__tile_overlayer_lowered;
	s5 =	simm.s32 $_tile_overlayer_lowered  }
0x9b: {  	s22 =	simm.s32 $0x1BFF;
	s21 =	sshll.u32 s5, $0x1;
	s2 =	sadd.s32 s19, s18  }
0x9c: {  	s6 =	simm.s32 $0x0;
	s20 =	sshll.u32 s4, $0x1;
	s4 =	sadd.s32 s21, s2  }
0x9d: {  	[timem:s6], [sflag:s22] =	dma.local [hbm:s4], s20  }
0x9e: {  	_ =	swait.ge [sflag:s22], s20  }
0x9f: {  	s3 =	ssub.s32 $0x0, s20;
	[sflag:s22] =	ssyncset.done $0x0  }
0xa0: {  	[sflag:s22] =	ssyncadd.s32 s3;
	_ =	sdelay $0x1  }
0xa1: {  	s23 =	simm.s32 $0x1B8B  }
0xa2: {  	_ =	swait.ge [sflag:s23], $0x1  }
0xa3: {  	[sflag:s23] =	ssyncset.done $0x0  }
0xa4: {  	s25 =	simm.s32 $0x1B8E;
	s24 =	sld [smem:$0x3FFE];
	[sflag:s23] =	ssyncadd.s32 $0xFFFFFFFF  }
0xa5: {  	s26 =	simm.s32 $execute0_lowered;
	[smem:$0x3FD2] =	sst s25  }
0xa6: {  	s4 =	sshll.u32 s26, $0x1;
	_ =	strace $0x80000046;
	[dreg:$0x1] =	wrdreg $0xFFFFFFFF  }
0xa7: {  	s28 =	simm.s32 $_size_execute0_lowered;
	s2 =	sadd.s32 s2, s4;
	[dreg:$0x0] =	wrdreg $0x0  }
0xa8: {  	s4 =	sshll.u32 s28, $0x1;
	[dreg:$0x2] =	wrdreg s2  }
0xa9: {  	[dreg:$0x3] =	wrdreg s4  }
0xaa: {  	[dreg:$0x4] =	wrdreg $0xC0  }
0xab: {  	_ =	task [dreg:s6], $0x5FFFF  }
0xac: {  	[dreg:$0x1] =	wrdreg $0xFFFFFFFF  }
0xad: {  	[dreg:$0x0] =	wrdreg $0x60  }
0xae: {  	[dreg:$0x2] =	wrdreg s24  }
0xaf: {  	[dreg:$0x3] =	wrdreg $0x9  }
0xb0: {  	_ =	task.clear_ibuf [dreg:s6], $0x4FFFF;
	_ =	strace $0x90000046  }
0xb1: {  	s29 =	simm.s32 $0x9;
	_ =	strace $0x80000048  }
0xb2: {  	_ =	swait.ge [sflag:s29], $0x1  }
0xb3: {  	[sflag:s29] =	ssyncadd.s32 $0xFFFFFFFF  }
0xb4: {  	_ =	strace $0x90000048  }
0xb5: {  	_ =	sfence  }
0xb6: {  	s30 =	sld [smem:$0x0];
	_ =	sdelay $0x2  }
0xb7: {  	s31 =	sshll.u32 s1, $0xD;
	s1 =	sshrl.u32 s1, $0x2  }
0xb8: {  	s3 =	sand.u32 $0x4000, s31;
	s1 =	sadd.s32 s1, s30  }
0xb9: {  	s0 =	sor.u32 s3, s0;
	s1 =	sshll.u32 s1, $0x11  }
0xba: {  	s0 =	sor.u32 s1, s0  }
0xbb: {  	s0 =	sadd.s32 $0x8F2B, s0  }
0xbc: {  	[sflag:s0] =	ssyncadd.remote.s32 $0x1  }
0xbd: {  	_ =	sfence.sel $0xFFFF  }
0xbe: {  	[dreg:$0x0] =	wrdreg $0xFFFFFFFF;
	(pc) =	sbr.abs _section_cstart, $3  }
0xbf: {  	[dreg:$0x1] =	wrdreg $0xFFFFFFFF  }
0xc0: {  	_ =	task.clear_ibuf [dreg:s6], $0x2FFFF;
	_ =	strace $0x9FFFFFFF  }
0xc1: {  	(tm) =	ssettm $0x7FFFFFFF  }
tec
execute0_lowered:
.L_overlay_start_1:
0x0: {  	(tag) =	ssettag $0x1  }
0x1: {  	s4 =	rddreg [dreg:$0x0]  }
0x2: {  	s0 =	rddreg [dreg:$0x1];
	s3 =	srdreg.scid  }
0x3: {  	s1 =	stileid.u32;
	s2 =	simm.s32 $0x0;
	s9 =	simm.s32 $0x64  }
0x4: {  	s10 =	simm.s32 $0x10000;
	s11 =	simm.s32 $0x10100;
	s12 =	simm.s32 $0x10080  }
0x5: {  	s13 =	simm.s32 $0x13500;
	s14 =	simm.s32 $0x1;
	s15 =	simm.s32 $0x16900  }
0x6: {  	s16 =	simm.s32 $0x2;
	s17 =	simm.s32 $0x16A00;
	s18 =	simm.s32 $0x3  }
0x7: {  	s19 =	simm.s32 $0x4;
	s3 =	sand.u32 $0x1, s3;
	s5 =	sshll.u32 s1, $0x1  }
0x8: {  	s20 =	simm.s32 $0x0;
	[smem:$0x7FF] =	sst s2;
	s5 =	sor.u32 s3, s5  }
0x9: {  	_ =	strace $0x80000047;
	s7 =	ssub.s32 $0x2, s3;
	s3 =	sadd.s32 $0xC1E00, s4  }
0xa: {  	s6 =	sshll.u32 s5, $0xD;
	s8 =	sshrl.u32 s7, $0x1;
	s5 =	sshll.u32 s5, $0xE  }
0xb: {  	s6 =	sadd.s32 s6, s4;
	s4 =	sadd.s32 $0x1E00, s4;
	s7 =	ssub.s32 s7, s8  }
0xc: {  	s8 =	simm.s32 $0x5;
	s6 =	sadd.s32 $0x81E00, s6;
	s7 =	smax.u32 s7, $0x1  }
.LBB2_1:
0xd: {  	[tilespmem:s2], [sflag:$0x5] =	stream.linear.gather [hbm4b:s6+s2], $0x10000, $0x38;
	[tilespmem:$0x16B00] =	vst v63  }
0xe: {  	_ =	swait.ge [sflag:s8], $0x10000  }
0xf: {  	[sflag:s8] =	ssyncset.done $0x0  }
0x10: {  	[sflag:s8] =	ssyncadd.s32 $0xFFFF0000  }
0x11: {  	v0 =	vld [tilespmem:$0x0]  }
0x12: {  	v1 =	vld [tilespmem:$0x10]  }
0x13: {  	v2 =	vld [tilespmem:$0x20]  }
0x14: {  	v4 =	vld [tilespmem:$0x40]  }
0x15: {  	v5 =	vld [tilespmem:$0x50]  }
0x16: {  	v6 =	vld [tilespmem:$0x60];
	vm0 =	veq.s32 v0, $0x0  }
0x17: {  	v3 =	vld [tilespmem:$0x22];
	vm9 =	veq.s32 v1, $0x0;
	v0 =	vsel vm0, $0x186A0, v0  }
0x18: {  	v57 =	vld [tilespmem:$0x62];
	vm10 =	veq.s32 v2, $0x0;
	v56 =	vsel vm9, $0x186A0, v1;
	[tilespmem:$0x10000] =	vst v0  }
0x19: {  	vm12 =	veq.s32 v4, $0x0;
	v58 =	vsel vm10, $0x186A0, v2;
	[tilespmem:$0x10010] =	vst v56  }
0x1a: {  	vm13 =	veq.s32 v5, $0x0;
	v60 =	vsel vm12, $0x186A0, v4;
	[tilespmem:$0x10020] =	vst v58  }
0x1b: {  	vm14 =	veq.s32 v6, $0x0;
	v61 =	vsel vm13, $0x186A0, v5;
	[tilespmem:$0x10032] =	vst v60  }
0x1c: {  	vm11 =	veq.s32 v3, $0x0;
	v62 =	vsel vm14, $0x186A0, v6;
	[tilespmem:$0x10042] =	vst v61  }
0x1d: {  	vm15 =	veq.s32 v57, $0x0;
	v59 =	vsel vm11, $0x186A0, v3;
	[tilespmem:$0x10052] =	vst v62  }
0x1e: {  	v63 =	vsel vm15, $0x186A0, v57;
	[tilespmem:$0x10022] =	vst v59  }
0x1f: {  	s21 =	simm.s32 $0x0;
	[tilespmem:$0x10054] =	vst v63  }
0x20: {  	[tilespmem:s11], [sflag:$0x1] =	stream.indirect.gather [hbm4b:s3+s9], $0x80, s10, s9, $0xb8;
	[tilespmem:$0x16B00] =	vst v63  }
.LBB2_2:
0x21: {  	s22 =	sshllo.u32 s21, $0x1  }
0x22: {  	s23 =	sshll.u32 s22, $0x7  }
0x23: {  	s23 =	sand.u32 $0x3FFFFF80, s23  }
0x24: {  	v0 =	vld [tilespmem:s23+$0x0];
	_ =	sdelay $0x4  }
0x25: {  	vm0 =	veq.s32 v0, $0x0  }
0x26: {  	v0 =	vsel vm0, $0x186A0, v0  }
0x27: {  	[tilespmem:$0x10080] =	vst v0  }
0x28: {  	v0 =	vld [tilespmem:s23+$0x10];
	_ =	sdelay $0x4  }
0x29: {  	vm9 =	veq.s32 v0, $0x0  }
0x2a: {  	v0 =	vsel vm9, $0x186A0, v0  }
0x2b: {  	[tilespmem:$0x10090] =	vst v0  }
0x2c: {  	v0 =	vld [tilespmem:s23+$0x20];
	_ =	sdelay $0x4  }
0x2d: {  	vm10 =	veq.s32 v0, $0x0  }
0x2e: {  	v0 =	vsel vm10, $0x186A0, v0  }
0x2f: {  	[tilespmem:$0x100A0] =	vst v0  }
0x30: {  	v0 =	vld [tilespmem:s23+$0x22];
	_ =	sdelay $0x4  }
0x31: {  	vm11 =	veq.s32 v0, $0x0  }
0x32: {  	v0 =	vsel vm11, $0x186A0, v0  }
0x33: {  	[tilespmem:$0x100A2] =	vst v0  }
0x34: {  	v0 =	vld [tilespmem:s23+$0x40];
	_ =	sdelay $0x4  }
0x35: {  	vm12 =	veq.s32 v0, $0x0  }
0x36: {  	v0 =	vsel vm12, $0x186A0, v0  }
0x37: {  	[tilespmem:$0x100B2] =	vst v0  }
0x38: {  	v0 =	vld [tilespmem:s23+$0x50];
	_ =	sdelay $0x4  }
0x39: {  	vm13 =	veq.s32 v0, $0x0  }
0x3a: {  	v0 =	vsel vm13, $0x186A0, v0  }
0x3b: {  	[tilespmem:$0x100C2] =	vst v0  }
0x3c: {  	v0 =	vld [tilespmem:s23+$0x60];
	_ =	sdelay $0x4  }
0x3d: {  	vm14 =	veq.s32 v0, $0x0  }
0x3e: {  	v0 =	vsel vm14, $0x186A0, v0  }
0x3f: {  	[tilespmem:$0x100D2] =	vst v0  }
0x40: {  	v0 =	vld [tilespmem:s23+$0x62];
	_ =	sdelay $0x4  }
0x41: {  	vm15 =	veq.s32 v0, $0x0  }
0x42: {  	v0 =	vsel vm15, $0x186A0, v0  }
0x43: {  	[tilespmem:$0x100D4] =	vst v0  }
0x44: {  	[tilespmem:s13], [sflag:$0x2] =	stream.indirect.gather [hbm4b:s3+s9], $0x80, s12, s9, $0xb8;
	[tilespmem:$0x16B00] =	vst v63  }
0x45: {  	_ =	swait.ge [sflag:s14], $0x3200  }
0x46: {  	p0 =	seq.s32 s21, $0x0;
	[sflag:s14] =	ssyncset.done $0x0  }
0x47: {  	s23 =	simm.s32 @!p0 $0x3;
	[sflag:s14] =	ssyncadd.s32 $0xFFFFCE00  }
0x48: {  	_ =	swait.ge @!p0 [sflag:s23], $0x100  }
0x49: {  	[sflag:s23] =	ssyncset.done @!p0 $0x0  }
0x4a: {  	[sflag:s23] =	ssyncadd.s32 @!p0 $0xFFFFFF00;
	s23 =	simm.s32 $0x0  }
0x4b: {  	v4 =	vld [tilespmem:s23+$0x10300]  }
0x4c: {  	v5 =	vld [tilespmem:s23+$0x10310]  }
0x4d: {  	v6 =	vld [tilespmem:s23+$0x10320]  }
0x4e: {  	v7 =	vld [tilespmem:s23+$0x10330]  }
0x4f: {  	v0 =	vld [tilespmem:s23+$0x10340]  }
0x50: {  	v1 =	vld [tilespmem:s23+$0x10350]  }
0x51: {  	v10 =	vld [tilespmem:s23+$0x10280]  }
0x52: {  	v12 =	vld [tilespmem:s23+$0x10290]  }
0x53: {  	v9 =	vld [tilespmem:s23+$0x102A0]  }
0x54: {  	v11 =	vld [tilespmem:s23+$0x102B0]  }
0x55: {  	v3 =	vld [tilespmem:s23+$0x102C0]  }
0x56: {  	v2 =	vld [tilespmem:s23+$0x102D0]  }
0x57: {  	v13 =	vld [tilespmem:s23+$0x10200]  }
0x58: {  	v15 =	vld [tilespmem:s23+$0x10210]  }
0x59: {  	v16 =	vld [tilespmem:s23+$0x10220]  }
0x5a: {  	v19 =	vld [tilespmem:s23+$0x10180]  }
0x5b: {  	v20 =	vld [tilespmem:s23+$0x10190]  }
0x5c: {  	v17 =	vld [tilespmem:s23+$0x10100]  }
0x5d: {  	v18 =	vld [tilespmem:s23+$0x10110]  }
0x5e: {  	v21 =	vld [tilespmem:s23+$0x10120]  }
0x5f: {  	v22 =	vld [tilespmem:s23+$0x10130]  }
0x60: {  	v23 =	vld [tilespmem:s23+$0x101A0]  }
0x61: {  	v24 =	vld [tilespmem:s23+$0x101B0]  }
0x62: {  	v8 =	vimm.f32 $0.0e+00;
	v26 =	vld [tilespmem:s23+$0x10230]  }
0x63: {  	v14 =	vld [tilespmem:s23+$0x10240];
	v25 =	vadd.f32 v17, v8;
	v27 =	vadd.f32 v18, v8  }
0x64: {  	v17 =	vld [tilespmem:s23+$0x10250];
	v21 =	vadd.f32 v21, v8;
	v22 =	vadd.f32 v22, v8  }
0x65: {  	v18 =	vld [tilespmem:s23+$0x101C0];
	v25 =	vadd.f32 v19, v25;
	v27 =	vadd.f32 v20, v27  }
0x66: {  	v19 =	vld [tilespmem:s23+$0x101D0];
	v28 =	vadd.f32 v23, v21;
	v22 =	vadd.f32 v24, v22  }
0x67: {  	v20 =	vld [tilespmem:s23+$0x10140];
	v23 =	vadd.f32 v13, v25;
	v24 =	vadd.f32 v15, v27  }
0x68: {  	v21 =	vld [tilespmem:s23+$0x10150];
	v25 =	vadd.f32 v16, v28;
	v26 =	vadd.f32 v26, v22  }
0x69: {  	s24 =	sshll.u32 s21, $0x1;
	s25 =	simm.s32 $0xA00;
	v22 =	vld [tilespmem:s23+$0x10160];
	v16 =	vimm.f32 $0.0e+00;
	v15 =	vimm.f32 $0.0e+00;
	v13 =	vimm.f32 $0.0e+00  }
.LBB2_3:
0x6a: {  	p1 =	sne.s32 s25, $0x5A00;
	v27 =	vld [tilespmem:s23+$0x10170];
	v10 =	vadd.f32 v10, v23;
	v12 =	vadd.f32 v12, v24  }
0x6b: {  	v23 =	vld [tilespmem:s23+$0x101E0];
	v9 =	vadd.f32 v9, v25;
	v11 =	vadd.f32 v11, v26  }
0x6c: {  	v24 =	vld [tilespmem:s23+$0x101F0];
	v25 =	vadd.f32 v4, v10;
	v26 =	vadd.f32 v5, v12  }
0x6d: {  	v5 =	vld [tilespmem:s23+$0x10260];
	v28 =	vadd.f32 v6, v9;
	v29 =	vadd.f32 v7, v11  }
0x6e: {  	v4 =	vadd.f32 v20, v8;
	v6 =	vadd.f32 v21, v16;
	v7 =	vld [tilespmem:s23+$0x10270]  }
0x6f: {  	v8 =	vadd.f32 v22, v15;
	v9 =	vadd.f32 v27, v13;
	v10 =	vld [tilespmem:s23+$0x102E0]  }
0x70: {  	v4 =	vadd.f32 v18, v4;
	v6 =	vadd.f32 v19, v6;
	v11 =	vld [tilespmem:s23+$0x102F0]  }
0x71: {  	v8 =	vadd.f32 v23, v8;
	v9 =	vadd.f32 v24, v9;
	v12 =	vld [tilespmem:s23+$0x10360]  }
0x72: {  	v13 =	vadd.f32 v14, v4;
	v6 =	vadd.f32 v17, v6;
	v14 =	vld [tilespmem:s23+$0x10370];
	s23 =	sshra.s32 s25, $0x2  }
0x73: {  	v8 =	vadd.f32 v5, v8;
	v4 =	vld [tilespmem:s23+$0x10300];
	v7 =	vadd.f32 v7, v9  }
0x74: {  	v3 =	vadd.f32 v3, v13;
	v2 =	vadd.f32 v2, v6;
	v5 =	vld [tilespmem:s23+$0x10310]  }
0x75: {  	v9 =	vadd.f32 v10, v8;
	v6 =	vld [tilespmem:s23+$0x10320];
	v10 =	vadd.f32 v11, v7  }
0x76: {  	v8 =	vadd.f32 v0, v3;
	v16 =	vadd.f32 v1, v2;
	v7 =	vld [tilespmem:s23+$0x10330]  }
0x77: {  	v15 =	vadd.f32 v12, v9;
	v0 =	vld [tilespmem:s23+$0x10340];
	v13 =	vadd.f32 v14, v10  }
0x78: {  	v1 =	vld [tilespmem:s23+$0x10350]  }
0x79: {  	v10 =	vld [tilespmem:s23+$0x10280]  }
0x7a: {  	v12 =	vld [tilespmem:s23+$0x10290]  }
0x7b: {  	v9 =	vld [tilespmem:s23+$0x102A0]  }
0x7c: {  	v11 =	vld [tilespmem:s23+$0x102B0]  }
0x7d: {  	v3 =	vld [tilespmem:s23+$0x102C0]  }
0x7e: {  	v2 =	vld [tilespmem:s23+$0x102D0]  }
0x7f: {  	v22 =	vld [tilespmem:s23+$0x10200]  }
0x80: {  	v24 =	vld [tilespmem:s23+$0x10210]  }
0x81: {  	v27 =	vld [tilespmem:s23+$0x10220]  }
0x82: {  	v30 =	vld [tilespmem:s23+$0x10230]  }
0x83: {  	v19 =	vld [tilespmem:s23+$0x10180]  }
0x84: {  	v20 =	vld [tilespmem:s23+$0x10190]  }
0x85: {  	v17 =	vld [tilespmem:s23+$0x10100]  }
0x86: {  	v18 =	vld [tilespmem:s23+$0x10110]  }
0x87: {  	v21 =	vld [tilespmem:s23+$0x10120]  }
0x88: {  	v23 =	vld [tilespmem:s23+$0x10130]  }
0x89: {  	v31 =	vld [tilespmem:s23+$0x101A0]  }
0x8a: {  	v32 =	vld [tilespmem:s23+$0x101B0]  }
0x8b: {  	v14 =	vld [tilespmem:s23+$0x10240]  }
0x8c: {  	v25 =	vadd.f32 v17, v25;
	v26 =	vadd.f32 v18, v26;
	v17 =	vld [tilespmem:s23+$0x10250]  }
.Ltmp0:
0x8d: {  	v21 =	vadd.f32 v21, v28;
	v23 =	vadd.f32 v23, v29;
	v18 =	vld [tilespmem:s23+$0x101C0];
	(pc) =	sbr.rel @p1 .LBB2_3-.Ltmp0, $4  }
0x8e: {  	v25 =	vadd.f32 v19, v25;
	v26 =	vadd.f32 v20, v26;
	v19 =	vld [tilespmem:s23+$0x101D0]  }
0x8f: {  	v28 =	vadd.f32 v31, v21;
	v20 =	vld [tilespmem:s23+$0x10140];
	v29 =	vadd.f32 v32, v23  }
0x90: {  	v23 =	vadd.f32 v22, v25;
	v24 =	vadd.f32 v24, v26;
	v21 =	vld [tilespmem:s23+$0x10150]  }
0x91: {  	s25 =	sadd.s32 $0xA00, s25;
	v25 =	vadd.f32 v27, v28;
	v22 =	vld [tilespmem:s23+$0x10160];
	v26 =	vadd.f32 v30, v29  }
0x92: {  	v10 =	vadd.f32 v10, v23;
	v12 =	vadd.f32 v12, v24  }
0x93: {  	v27 =	vld [tilespmem:s23+$0x10170];
	v9 =	vadd.f32 v9, v25;
	v11 =	vadd.f32 v11, v26  }
0x94: {  	v23 =	vld [tilespmem:s23+$0x101E0];
	v4 =	vadd.f32 v4, v10;
	v5 =	vadd.f32 v5, v12  }
0x95: {  	v24 =	vld [tilespmem:s23+$0x101F0];
	v8 =	vadd.f32 v20, v8;
	v6 =	vadd.f32 v6, v9  }
0x96: {  	v10 =	vld [tilespmem:s23+$0x10260];
	v7 =	vadd.f32 v7, v11;
	v9 =	vadd.f32 v21, v16  }
0x97: {  	v11 =	vld [tilespmem:s23+$0x10270];
	v12 =	vadd.f32 v22, v15;
	v8 =	vadd.f32 v18, v8  }
0x98: {  	v15 =	vld [tilespmem:s23+$0x102E0];
	v13 =	vadd.f32 v27, v13;
	v9 =	vadd.f32 v19, v9  }
0x99: {  	v16 =	vld [tilespmem:s23+$0x102F0];
	v12 =	vadd.f32 v23, v12;
	v8 =	vadd.f32 v14, v8  }
0x9a: {  	v18 =	vld [tilespmem:s23+$0x10360];
	v13 =	vadd.f32 v24, v13;
	v9 =	vadd.f32 v17, v9  }
0x9b: {  	v14 =	vld [tilespmem:s23+$0x10370];
	[tilespmem:$0x16900] =	vst v4;
	v10 =	vadd.f32 v10, v12;
	v3 =	vadd.f32 v3, v8  }
0x9c: {  	[tilespmem:$0x16910] =	vst v5;
	v4 =	vadd.f32 v11, v13;
	v2 =	vadd.f32 v2, v9  }
0x9d: {  	[tilespmem:$0x16920] =	vst v6;
	v5 =	vadd.f32 v15, v10;
	v0 =	vadd.f32 v0, v3  }
0x9e: {  	[tilespmem:$0x16930] =	vst v7;
	v3 =	vadd.f32 v16, v4;
	v1 =	vadd.f32 v1, v2  }
0x9f: {  	v2 =	vadd.f32 v18, v5;
	[tilespmem:$0x16940] =	vst v0  }
0xa0: {  	v0 =	vadd.f32 v14, v3;
	[tilespmem:$0x16950] =	vst v1  }
0xa1: {  	[tilespmem:$0x16960] =	vst v2  }
0xa2: {  	s23 =	simm.s32 $0x0;
	[tilespmem:$0x16970] =	vst v0  }
0xa3: {  	v4 =	vld [tilespmem:s23+$0x11C00]  }
0xa4: {  	v5 =	vld [tilespmem:s23+$0x11C10]  }
0xa5: {  	v6 =	vld [tilespmem:s23+$0x11C20]  }
0xa6: {  	v7 =	vld [tilespmem:s23+$0x11C30]  }
0xa7: {  	v0 =	vld [tilespmem:s23+$0x11C40]  }
0xa8: {  	v1 =	vld [tilespmem:s23+$0x11C50]  }
0xa9: {  	v10 =	vld [tilespmem:s23+$0x11B80]  }
0xaa: {  	v13 =	vld [tilespmem:s23+$0x11B90]  }
0xab: {  	v9 =	vld [tilespmem:s23+$0x11BA0]  }
0xac: {  	v11 =	vld [tilespmem:s23+$0x11BB0]  }
0xad: {  	v3 =	vld [tilespmem:s23+$0x11BC0]  }
0xae: {  	v2 =	vld [tilespmem:s23+$0x11BD0]  }
0xaf: {  	v12 =	vld [tilespmem:s23+$0x11B00]  }
0xb0: {  	v14 =	vld [tilespmem:s23+$0x11B10]  }
0xb1: {  	v16 =	vld [tilespmem:s23+$0x11B20]  }
0xb2: {  	v19 =	vld [tilespmem:s23+$0x11A80]  }
0xb3: {  	v20 =	vld [tilespmem:s23+$0x11A90]  }
0xb4: {  	v17 =	vld [tilespmem:s23+$0x11A00]  }
0xb5: {  	v18 =	vld [tilespmem:s23+$0x11A10]  }
0xb6: {  	v21 =	vld [tilespmem:s23+$0x11A20]  }
0xb7: {  	v22 =	vld [tilespmem:s23+$0x11A30]  }
0xb8: {  	v23 =	vld [tilespmem:s23+$0x11AA0]  }
0xb9: {  	v24 =	vld [tilespmem:s23+$0x11AB0]  }
0xba: {  	v8 =	vimm.f32 $0.0e+00;
	v26 =	vld [tilespmem:s23+$0x11B30]  }
0xbb: {  	v15 =	vld [tilespmem:s23+$0x11B40];
	v25 =	vadd.f32 v17, v8;
	v27 =	vadd.f32 v18, v8  }
0xbc: {  	v17 =	vld [tilespmem:s23+$0x11B50];
	v21 =	vadd.f32 v21, v8;
	v22 =	vadd.f32 v22, v8  }
0xbd: {  	v18 =	vld [tilespmem:s23+$0x11AC0];
	v25 =	vadd.f32 v19, v25;
	v27 =	vadd.f32 v20, v27  }
0xbe: {  	v19 =	vld [tilespmem:s23+$0x11AD0];
	v28 =	vadd.f32 v23, v21;
	v22 =	vadd.f32 v24, v22  }
0xbf: {  	v20 =	vld [tilespmem:s23+$0x11A40];
	v23 =	vadd.f32 v12, v25;
	v24 =	vadd.f32 v14, v27  }
0xc0: {  	v21 =	vld [tilespmem:s23+$0x11A50];
	v25 =	vadd.f32 v16, v28;
	v26 =	vadd.f32 v26, v22  }
0xc1: {  	s25 =	simm.s32 $0xA00;
	v22 =	vld [tilespmem:s23+$0x11A60];
	v16 =	vimm.f32 $0.0e+00;
	v14 =	vimm.f32 $0.0e+00;
	v12 =	vimm.f32 $0.0e+00  }
.LBB2_5:
0xc2: {  	p1 =	sne.s32 s25, $0x5A00;
	v27 =	vld [tilespmem:s23+$0x11A70];
	v10 =	vadd.f32 v10, v23;
	v13 =	vadd.f32 v13, v24  }
0xc3: {  	v23 =	vld [tilespmem:s23+$0x11AE0];
	v9 =	vadd.f32 v9, v25;
	v11 =	vadd.f32 v11, v26  }
0xc4: {  	v24 =	vld [tilespmem:s23+$0x11AF0];
	v25 =	vadd.f32 v4, v10;
	v26 =	vadd.f32 v5, v13  }
0xc5: {  	v5 =	vld [tilespmem:s23+$0x11B60];
	v28 =	vadd.f32 v6, v9;
	v29 =	vadd.f32 v7, v11  }
0xc6: {  	v4 =	vadd.f32 v20, v8;
	v6 =	vadd.f32 v21, v16;
	v7 =	vld [tilespmem:s23+$0x11B70]  }
0xc7: {  	v8 =	vadd.f32 v22, v14;
	v9 =	vadd.f32 v27, v12;
	v10 =	vld [tilespmem:s23+$0x11BE0]  }
0xc8: {  	v4 =	vadd.f32 v18, v4;
	v6 =	vadd.f32 v19, v6;
	v11 =	vld [tilespmem:s23+$0x11BF0]  }
0xc9: {  	v8 =	vadd.f32 v23, v8;
	v9 =	vadd.f32 v24, v9;
	v12 =	vld [tilespmem:s23+$0x11C60]  }
0xca: {  	v13 =	vadd.f32 v15, v4;
	v6 =	vadd.f32 v17, v6;
	v15 =	vld [tilespmem:s23+$0x11C70];
	s23 =	sshra.s32 s25, $0x2  }
0xcb: {  	v8 =	vadd.f32 v5, v8;
	v4 =	vld [tilespmem:s23+$0x11C00];
	v7 =	vadd.f32 v7, v9  }
0xcc: {  	v3 =	vadd.f32 v3, v13;
	v2 =	vadd.f32 v2, v6;
	v5 =	vld [tilespmem:s23+$0x11C10]  }
0xcd: {  	v9 =	vadd.f32 v10, v8;
	v6 =	vld [tilespmem:s23+$0x11C20];
	v10 =	vadd.f32 v11, v7  }
0xce: {  	v8 =	vadd.f32 v0, v3;
	v16 =	vadd.f32 v1, v2;
	v7 =	vld [tilespmem:s23+$0x11C30]  }
0xcf: {  	v14 =	vadd.f32 v12, v9;
	v0 =	vld [tilespmem:s23+$0x11C40];
	v12 =	vadd.f32 v15, v10  }
0xd0: {  	v1 =	vld [tilespmem:s23+$0x11C50]  }
0xd1: {  	v10 =	vld [tilespmem:s23+$0x11B80]  }
0xd2: {  	v13 =	vld [tilespmem:s23+$0x11B90]  }
0xd3: {  	v9 =	vld [tilespmem:s23+$0x11BA0]  }
0xd4: {  	v11 =	vld [tilespmem:s23+$0x11BB0]  }
0xd5: {  	v3 =	vld [tilespmem:s23+$0x11BC0]  }
0xd6: {  	v2 =	vld [tilespmem:s23+$0x11BD0]  }
0xd7: {  	v22 =	vld [tilespmem:s23+$0x11B00]  }
0xd8: {  	v24 =	vld [tilespmem:s23+$0x11B10]  }
0xd9: {  	v27 =	vld [tilespmem:s23+$0x11B20]  }
0xda: {  	v30 =	vld [tilespmem:s23+$0x11B30]  }
0xdb: {  	v19 =	vld [tilespmem:s23+$0x11A80]  }
0xdc: {  	v20 =	vld [tilespmem:s23+$0x11A90]  }
0xdd: {  	v17 =	vld [tilespmem:s23+$0x11A00]  }
0xde: {  	v18 =	vld [tilespmem:s23+$0x11A10]  }
0xdf: {  	v21 =	vld [tilespmem:s23+$0x11A20]  }
0xe0: {  	v23 =	vld [tilespmem:s23+$0x11A30]  }
0xe1: {  	v31 =	vld [tilespmem:s23+$0x11AA0]  }
0xe2: {  	v32 =	vld [tilespmem:s23+$0x11AB0]  }
0xe3: {  	v15 =	vld [tilespmem:s23+$0x11B40]  }
0xe4: {  	v25 =	vadd.f32 v17, v25;
	v26 =	vadd.f32 v18, v26;
	v17 =	vld [tilespmem:s23+$0x11B50]  }
.Ltmp1:
0xe5: {  	v21 =	vadd.f32 v21, v28;
	v23 =	vadd.f32 v23, v29;
	v18 =	vld [tilespmem:s23+$0x11AC0];
	(pc) =	sbr.rel @p1 .LBB2_5-.Ltmp1, $4  }
0xe6: {  	v25 =	vadd.f32 v19, v25;
	v26 =	vadd.f32 v20, v26;
	v19 =	vld [tilespmem:s23+$0x11AD0]  }
0xe7: {  	v28 =	vadd.f32 v31, v21;
	v20 =	vld [tilespmem:s23+$0x11A40];
	v29 =	vadd.f32 v32, v23  }
0xe8: {  	v23 =	vadd.f32 v22, v25;
	v24 =	vadd.f32 v24, v26;
	v21 =	vld [tilespmem:s23+$0x11A50]  }
0xe9: {  	s25 =	sadd.s32 $0xA00, s25;
	v25 =	vadd.f32 v27, v28;
	v22 =	vld [tilespmem:s23+$0x11A60];
	v26 =	vadd.f32 v30, v29  }
0xea: {  	v10 =	vadd.f32 v10, v23;
	v13 =	vadd.f32 v13, v24  }
0xeb: {  	v27 =	vld [tilespmem:s23+$0x11A70];
	v9 =	vadd.f32 v9, v25;
	v11 =	vadd.f32 v11, v26  }
0xec: {  	v23 =	vld [tilespmem:s23+$0x11AE0];
	v4 =	vadd.f32 v4, v10;
	v5 =	vadd.f32 v5, v13  }
0xed: {  	v24 =	vld [tilespmem:s23+$0x11AF0];
	v8 =	vadd.f32 v20, v8;
	v6 =	vadd.f32 v6, v9  }
0xee: {  	v10 =	vld [tilespmem:s23+$0x11B60];
	v7 =	vadd.f32 v7, v11;
	v9 =	vadd.f32 v21, v16  }
0xef: {  	v11 =	vld [tilespmem:s23+$0x11B70];
	v13 =	vadd.f32 v22, v14;
	v8 =	vadd.f32 v18, v8  }
0xf0: {  	v14 =	vld [tilespmem:s23+$0x11BE0];
	v12 =	vadd.f32 v27, v12;
	v9 =	vadd.f32 v19, v9  }
0xf1: {  	v16 =	vld [tilespmem:s23+$0x11BF0];
	v13 =	vadd.f32 v23, v13;
	v8 =	vadd.f32 v15, v8  }
0xf2: {  	v18 =	vld [tilespmem:s23+$0x11C60];
	v12 =	vadd.f32 v24, v12;
	v9 =	vadd.f32 v17, v9  }
0xf3: {  	v15 =	vld [tilespmem:s23+$0x11C70];
	[tilespmem:$0x16980] =	vst v4;
	v10 =	vadd.f32 v10, v13;
	v3 =	vadd.f32 v3, v8  }
0xf4: {  	[tilespmem:$0x16990] =	vst v5;
	v4 =	vadd.f32 v11, v12;
	v2 =	vadd.f32 v2, v9  }
0xf5: {  	[tilespmem:$0x169A0] =	vst v6;
	v5 =	vadd.f32 v14, v10;
	v0 =	vadd.f32 v0, v3  }
0xf6: {  	[tilespmem:$0x169B0] =	vst v7;
	v3 =	vadd.f32 v16, v4;
	v1 =	vadd.f32 v1, v2  }
0xf7: {  	s30 =	sshll.u32 s21, $0x6;
	v2 =	vadd.f32 v18, v5;
	[tilespmem:$0x169C0] =	vst v0  }
0xf8: {  	s25 =	sand.u32 $0x3F80, s30;
	s26 =	sand.u32 $0x40, s30;
	v0 =	vadd.f32 v15, v3;
	[tilespmem:$0x169D0] =	vst v1  }
0xf9: {  	s24 =	smin.u32 s24, $0x1FD;
	s31 =	sadd.s32 s4, s26;
	s23 =	sor.u32 s5, s25;
	[tilespmem:$0x169E0] =	vst v2  }
0xfa: {  	s24 =	sshll.u32 s24, $0x7;
	s25 =	sadd.s32 s23, s31;
	[tilespmem:$0x169F0] =	vst v0  }
0xfb: {  	[hbm4b:s25+s2] =	stream.linear.scatter [tilespmem:s15], [sflag:$0x3], $0x100, $0x38;
	[tilespmem:$0x16B00] =	vst v63  }
0xfc: {  	v0 =	vld [tilespmem:s24+$0x100];
	_ =	sdelay $0x4  }
0xfd: {  	vm0 =	veq.s32 v0, $0x0  }
0xfe: {  	v0 =	vsel vm0, $0x186A0, v0  }
0xff: {  	[tilespmem:$0x10000] =	vst v0  }
0x100: {  	v0 =	vld [tilespmem:s24+$0x110];
	_ =	sdelay $0x4  }
0x101: {  	vm9 =	veq.s32 v0, $0x0  }
0x102: {  	v0 =	vsel vm9, $0x186A0, v0  }
0x103: {  	[tilespmem:$0x10010] =	vst v0  }
0x104: {  	v0 =	vld [tilespmem:s24+$0x120];
	_ =	sdelay $0x4  }
0x105: {  	vm10 =	veq.s32 v0, $0x0  }
0x106: {  	v0 =	vsel vm10, $0x186A0, v0  }
0x107: {  	[tilespmem:$0x10020] =	vst v0  }
0x108: {  	v0 =	vld [tilespmem:s24+$0x122];
	_ =	sdelay $0x4  }
0x109: {  	vm11 =	veq.s32 v0, $0x0  }
0x10a: {  	v0 =	vsel vm11, $0x186A0, v0  }
0x10b: {  	[tilespmem:$0x10022] =	vst v0  }
0x10c: {  	v0 =	vld [tilespmem:s24+$0x140];
	_ =	sdelay $0x4  }
0x10d: {  	vm12 =	veq.s32 v0, $0x0  }
0x10e: {  	v0 =	vsel vm12, $0x186A0, v0  }
0x10f: {  	[tilespmem:$0x10032] =	vst v0  }
0x110: {  	v0 =	vld [tilespmem:s24+$0x150];
	_ =	sdelay $0x4  }
0x111: {  	vm13 =	veq.s32 v0, $0x0  }
0x112: {  	v0 =	vsel vm13, $0x186A0, v0  }
0x113: {  	[tilespmem:$0x10042] =	vst v0  }
0x114: {  	v0 =	vld [tilespmem:s24+$0x160];
	_ =	sdelay $0x4  }
0x115: {  	vm14 =	veq.s32 v0, $0x0  }
0x116: {  	v0 =	vsel vm14, $0x186A0, v0  }
0x117: {  	[tilespmem:$0x10052] =	vst v0  }
0x118: {  	v0 =	vld [tilespmem:s24+$0x162];
	_ =	sdelay $0x4  }
0x119: {  	vm15 =	veq.s32 v0, $0x0  }
0x11a: {  	v0 =	vsel vm15, $0x186A0, v0  }
0x11b: {  	[tilespmem:$0x10054] =	vst v0  }
0x11c: {  	[tilespmem:s11], [sflag:$0x1] =	stream.indirect.gather [hbm4b:s3+s9], $0x80, s10, s9, $0xb8;
	[tilespmem:$0x16B00] =	vst v63  }
0x11d: {  	_ =	swait.ge [sflag:s16], $0x3200  }
0x11e: {  	[sflag:s16] =	ssyncset.done $0x0  }
0x11f: {  	s24 =	simm.s32 @!p0 $0x4;
	[sflag:s16] =	ssyncadd.s32 $0xFFFFCE00  }
0x120: {  	_ =	swait.ge @!p0 [sflag:s24], $0x100  }
0x121: {  	[sflag:s24] =	ssyncset.done @!p0 $0x0  }
0x122: {  	[sflag:s24] =	ssyncadd.s32 @!p0 $0xFFFFFF00;
	s24 =	simm.s32 $0x0  }
0x123: {  	v4 =	vld [tilespmem:s24+$0x13700]  }
0x124: {  	v5 =	vld [tilespmem:s24+$0x13710]  }
0x125: {  	v6 =	vld [tilespmem:s24+$0x13720]  }
0x126: {  	v7 =	vld [tilespmem:s24+$0x13730]  }
0x127: {  	v0 =	vld [tilespmem:s24+$0x13740]  }
0x128: {  	v1 =	vld [tilespmem:s24+$0x13750]  }
0x129: {  	v10 =	vld [tilespmem:s24+$0x13680]  }
0x12a: {  	v13 =	vld [tilespmem:s24+$0x13690]  }
0x12b: {  	v9 =	vld [tilespmem:s24+$0x136A0]  }
0x12c: {  	v11 =	vld [tilespmem:s24+$0x136B0]  }
0x12d: {  	v3 =	vld [tilespmem:s24+$0x136C0]  }
0x12e: {  	v2 =	vld [tilespmem:s24+$0x136D0]  }
0x12f: {  	v12 =	vld [tilespmem:s24+$0x13600]  }
0x130: {  	v14 =	vld [tilespmem:s24+$0x13610]  }
0x131: {  	v16 =	vld [tilespmem:s24+$0x13620]  }
0x132: {  	v19 =	vld [tilespmem:s24+$0x13580]  }
0x133: {  	v20 =	vld [tilespmem:s24+$0x13590]  }
0x134: {  	v17 =	vld [tilespmem:s24+$0x13500]  }
0x135: {  	v18 =	vld [tilespmem:s24+$0x13510]  }
0x136: {  	v21 =	vld [tilespmem:s24+$0x13520]  }
0x137: {  	v22 =	vld [tilespmem:s24+$0x13530]  }
0x138: {  	v23 =	vld [tilespmem:s24+$0x135A0]  }
0x139: {  	v24 =	vld [tilespmem:s24+$0x135B0]  }
0x13a: {  	v8 =	vimm.f32 $0.0e+00;
	v26 =	vld [tilespmem:s24+$0x13630]  }
0x13b: {  	v15 =	vld [tilespmem:s24+$0x13640];
	v25 =	vadd.f32 v17, v8;
	v27 =	vadd.f32 v18, v8  }
0x13c: {  	v17 =	vld [tilespmem:s24+$0x13650];
	v21 =	vadd.f32 v21, v8;
	v22 =	vadd.f32 v22, v8  }
0x13d: {  	v18 =	vld [tilespmem:s24+$0x135C0];
	v25 =	vadd.f32 v19, v25;
	v27 =	vadd.f32 v20, v27  }
0x13e: {  	v19 =	vld [tilespmem:s24+$0x135D0];
	v28 =	vadd.f32 v23, v21;
	v22 =	vadd.f32 v24, v22  }
0x13f: {  	v20 =	vld [tilespmem:s24+$0x13540];
	v23 =	vadd.f32 v12, v25;
	v24 =	vadd.f32 v14, v27  }
0x140: {  	v21 =	vld [tilespmem:s24+$0x13550];
	v25 =	vadd.f32 v16, v28;
	v26 =	vadd.f32 v26, v22  }
0x141: {  	s25 =	simm.s32 $0xA00;
	v22 =	vld [tilespmem:s24+$0x13560];
	v16 =	vimm.f32 $0.0e+00;
	v14 =	vimm.f32 $0.0e+00;
	v12 =	vimm.f32 $0.0e+00  }
.LBB2_7:
0x142: {  	p0 =	sne.s32 s25, $0x5A00;
	v27 =	vld [tilespmem:s24+$0x13570];
	v10 =	vadd.f32 v10, v23;
	v13 =	vadd.f32 v13, v24  }
0x143: {  	v23 =	vld [tilespmem:s24+$0x135E0];
	v9 =	vadd.f32 v9, v25;
	v11 =	vadd.f32 v11, v26  }
0x144: {  	v24 =	vld [tilespmem:s24+$0x135F0];
	v25 =	vadd.f32 v4, v10;
	v26 =	vadd.f32 v5, v13  }
0x145: {  	v5 =	vld [tilespmem:s24+$0x13660];
	v28 =	vadd.f32 v6, v9;
	v29 =	vadd.f32 v7, v11  }
0x146: {  	v4 =	vadd.f32 v20, v8;
	v6 =	vadd.f32 v21, v16;
	v7 =	vld [tilespmem:s24+$0x13670]  }
0x147: {  	v8 =	vadd.f32 v22, v14;
	v9 =	vadd.f32 v27, v12;
	v10 =	vld [tilespmem:s24+$0x136E0]  }
0x148: {  	v4 =	vadd.f32 v18, v4;
	v6 =	vadd.f32 v19, v6;
	v11 =	vld [tilespmem:s24+$0x136F0]  }
0x149: {  	v8 =	vadd.f32 v23, v8;
	v9 =	vadd.f32 v24, v9;
	v12 =	vld [tilespmem:s24+$0x13760]  }
0x14a: {  	v13 =	vadd.f32 v15, v4;
	v6 =	vadd.f32 v17, v6;
	v15 =	vld [tilespmem:s24+$0x13770];
	s24 =	sshra.s32 s25, $0x2  }
0x14b: {  	v8 =	vadd.f32 v5, v8;
	v4 =	vld [tilespmem:s24+$0x13700];
	v7 =	vadd.f32 v7, v9  }
0x14c: {  	v3 =	vadd.f32 v3, v13;
	v2 =	vadd.f32 v2, v6;
	v5 =	vld [tilespmem:s24+$0x13710]  }
0x14d: {  	v9 =	vadd.f32 v10, v8;
	v6 =	vld [tilespmem:s24+$0x13720];
	v10 =	vadd.f32 v11, v7  }
0x14e: {  	v8 =	vadd.f32 v0, v3;
	v16 =	vadd.f32 v1, v2;
	v7 =	vld [tilespmem:s24+$0x13730]  }
0x14f: {  	v14 =	vadd.f32 v12, v9;
	v0 =	vld [tilespmem:s24+$0x13740];
	v12 =	vadd.f32 v15, v10  }
0x150: {  	v1 =	vld [tilespmem:s24+$0x13750]  }
0x151: {  	v10 =	vld [tilespmem:s24+$0x13680]  }
0x152: {  	v13 =	vld [tilespmem:s24+$0x13690]  }
0x153: {  	v9 =	vld [tilespmem:s24+$0x136A0]  }
0x154: {  	v11 =	vld [tilespmem:s24+$0x136B0]  }
0x155: {  	v3 =	vld [tilespmem:s24+$0x136C0]  }
0x156: {  	v2 =	vld [tilespmem:s24+$0x136D0]  }
0x157: {  	v22 =	vld [tilespmem:s24+$0x13600]  }
0x158: {  	v24 =	vld [tilespmem:s24+$0x13610]  }
0x159: {  	v27 =	vld [tilespmem:s24+$0x13620]  }
0x15a: {  	v30 =	vld [tilespmem:s24+$0x13630]  }
0x15b: {  	v19 =	vld [tilespmem:s24+$0x13580]  }
0x15c: {  	v20 =	vld [tilespmem:s24+$0x13590]  }
0x15d: {  	v17 =	vld [tilespmem:s24+$0x13500]  }
0x15e: {  	v18 =	vld [tilespmem:s24+$0x13510]  }
0x15f: {  	v21 =	vld [tilespmem:s24+$0x13520]  }
0x160: {  	v23 =	vld [tilespmem:s24+$0x13530]  }
0x161: {  	v31 =	vld [tilespmem:s24+$0x135A0]  }
0x162: {  	v32 =	vld [tilespmem:s24+$0x135B0]  }
0x163: {  	v15 =	vld [tilespmem:s24+$0x13640]  }
0x164: {  	v25 =	vadd.f32 v17, v25;
	v26 =	vadd.f32 v18, v26;
	v17 =	vld [tilespmem:s24+$0x13650]  }
.Ltmp2:
0x165: {  	v21 =	vadd.f32 v21, v28;
	v23 =	vadd.f32 v23, v29;
	v18 =	vld [tilespmem:s24+$0x135C0];
	(pc) =	sbr.rel @p0 .LBB2_7-.Ltmp2, $4  }
0x166: {  	v25 =	vadd.f32 v19, v25;
	v26 =	vadd.f32 v20, v26;
	v19 =	vld [tilespmem:s24+$0x135D0]  }
0x167: {  	v28 =	vadd.f32 v31, v21;
	v20 =	vld [tilespmem:s24+$0x13540];
	v29 =	vadd.f32 v32, v23  }
0x168: {  	v23 =	vadd.f32 v22, v25;
	v24 =	vadd.f32 v24, v26;
	v21 =	vld [tilespmem:s24+$0x13550]  }
0x169: {  	s25 =	sadd.s32 $0xA00, s25;
	v25 =	vadd.f32 v27, v28;
	v22 =	vld [tilespmem:s24+$0x13560];
	v26 =	vadd.f32 v30, v29  }
0x16a: {  	v10 =	vadd.f32 v10, v23;
	v13 =	vadd.f32 v13, v24  }
0x16b: {  	v27 =	vld [tilespmem:s24+$0x13570];
	v9 =	vadd.f32 v9, v25;
	v11 =	vadd.f32 v11, v26  }
0x16c: {  	v23 =	vld [tilespmem:s24+$0x135E0];
	v4 =	vadd.f32 v4, v10;
	v5 =	vadd.f32 v5, v13  }
0x16d: {  	v24 =	vld [tilespmem:s24+$0x135F0];
	v8 =	vadd.f32 v20, v8;
	v6 =	vadd.f32 v6, v9  }
0x16e: {  	v10 =	vld [tilespmem:s24+$0x13660];
	v7 =	vadd.f32 v7, v11;
	v9 =	vadd.f32 v21, v16  }
0x16f: {  	v11 =	vld [tilespmem:s24+$0x13670];
	v13 =	vadd.f32 v22, v14;
	v8 =	vadd.f32 v18, v8  }
0x170: {  	v14 =	vld [tilespmem:s24+$0x136E0];
	v12 =	vadd.f32 v27, v12;
	v9 =	vadd.f32 v19, v9  }
0x171: {  	v16 =	vld [tilespmem:s24+$0x136F0];
	v13 =	vadd.f32 v23, v13;
	v8 =	vadd.f32 v15, v8  }
0x172: {  	v18 =	vld [tilespmem:s24+$0x13760];
	v12 =	vadd.f32 v24, v12;
	v9 =	vadd.f32 v17, v9  }
0x173: {  	v15 =	vld [tilespmem:s24+$0x13770];
	[tilespmem:$0x16A00] =	vst v4;
	v10 =	vadd.f32 v10, v13;
	v3 =	vadd.f32 v3, v8  }
0x174: {  	[tilespmem:$0x16A10] =	vst v5;
	v4 =	vadd.f32 v11, v12;
	v2 =	vadd.f32 v2, v9  }
0x175: {  	[tilespmem:$0x16A20] =	vst v6;
	v5 =	vadd.f32 v14, v10;
	v0 =	vadd.f32 v0, v3  }
0x176: {  	[tilespmem:$0x16A30] =	vst v7;
	v3 =	vadd.f32 v16, v4;
	v1 =	vadd.f32 v1, v2  }
0x177: {  	v2 =	vadd.f32 v18, v5;
	[tilespmem:$0x16A40] =	vst v0  }
0x178: {  	v0 =	vadd.f32 v15, v3;
	[tilespmem:$0x16A50] =	vst v1  }
0x179: {  	[tilespmem:$0x16A60] =	vst v2  }
0x17a: {  	s24 =	simm.s32 $0x0;
	[tilespmem:$0x16A70] =	vst v0  }
0x17b: {  	v4 =	vld [tilespmem:s24+$0x15000]  }
0x17c: {  	v5 =	vld [tilespmem:s24+$0x15010]  }
0x17d: {  	v6 =	vld [tilespmem:s24+$0x15020]  }
0x17e: {  	v7 =	vld [tilespmem:s24+$0x15030]  }
0x17f: {  	v0 =	vld [tilespmem:s24+$0x15040]  }
0x180: {  	v1 =	vld [tilespmem:s24+$0x15050]  }
0x181: {  	v10 =	vld [tilespmem:s24+$0x14F80]  }
0x182: {  	v13 =	vld [tilespmem:s24+$0x14F90]  }
0x183: {  	v9 =	vld [tilespmem:s24+$0x14FA0]  }
0x184: {  	v11 =	vld [tilespmem:s24+$0x14FB0]  }
0x185: {  	v3 =	vld [tilespmem:s24+$0x14FC0]  }
0x186: {  	v2 =	vld [tilespmem:s24+$0x14FD0]  }
0x187: {  	v12 =	vld [tilespmem:s24+$0x14F00]  }
0x188: {  	v14 =	vld [tilespmem:s24+$0x14F10]  }
0x189: {  	v16 =	vld [tilespmem:s24+$0x14F20]  }
0x18a: {  	v19 =	vld [tilespmem:s24+$0x14E80]  }
0x18b: {  	v20 =	vld [tilespmem:s24+$0x14E90]  }
0x18c: {  	v17 =	vld [tilespmem:s24+$0x14E00]  }
0x18d: {  	v18 =	vld [tilespmem:s24+$0x14E10]  }
0x18e: {  	v21 =	vld [tilespmem:s24+$0x14E20]  }
0x18f: {  	v22 =	vld [tilespmem:s24+$0x14E30]  }
0x190: {  	v23 =	vld [tilespmem:s24+$0x14EA0]  }
0x191: {  	v24 =	vld [tilespmem:s24+$0x14EB0]  }
0x192: {  	v8 =	vimm.f32 $0.0e+00;
	v26 =	vld [tilespmem:s24+$0x14F30]  }
0x193: {  	v15 =	vld [tilespmem:s24+$0x14F40];
	v25 =	vadd.f32 v17, v8;
	v27 =	vadd.f32 v18, v8  }
0x194: {  	v17 =	vld [tilespmem:s24+$0x14F50];
	v21 =	vadd.f32 v21, v8;
	v22 =	vadd.f32 v22, v8  }
0x195: {  	v18 =	vld [tilespmem:s24+$0x14EC0];
	v25 =	vadd.f32 v19, v25;
	v27 =	vadd.f32 v20, v27  }
0x196: {  	v19 =	vld [tilespmem:s24+$0x14ED0];
	v28 =	vadd.f32 v23, v21;
	v22 =	vadd.f32 v24, v22  }
0x197: {  	v20 =	vld [tilespmem:s24+$0x14E40];
	v23 =	vadd.f32 v12, v25;
	v24 =	vadd.f32 v14, v27  }
0x198: {  	v21 =	vld [tilespmem:s24+$0x14E50];
	v25 =	vadd.f32 v16, v28;
	v26 =	vadd.f32 v26, v22  }
0x199: {  	s25 =	simm.s32 $0xA00;
	v22 =	vld [tilespmem:s24+$0x14E60];
	v16 =	vimm.f32 $0.0e+00;
	v14 =	vimm.f32 $0.0e+00;
	v12 =	vimm.f32 $0.0e+00  }
.LBB2_9:
0x19a: {  	p0 =	sne.s32 s25, $0x5A00;
	v27 =	vld [tilespmem:s24+$0x14E70];
	v10 =	vadd.f32 v10, v23;
	v13 =	vadd.f32 v13, v24  }
0x19b: {  	v23 =	vld [tilespmem:s24+$0x14EE0];
	v9 =	vadd.f32 v9, v25;
	v11 =	vadd.f32 v11, v26  }
0x19c: {  	v24 =	vld [tilespmem:s24+$0x14EF0];
	v25 =	vadd.f32 v4, v10;
	v26 =	vadd.f32 v5, v13  }
0x19d: {  	v5 =	vld [tilespmem:s24+$0x14F60];
	v28 =	vadd.f32 v6, v9;
	v29 =	vadd.f32 v7, v11  }
0x19e: {  	v4 =	vadd.f32 v20, v8;
	v6 =	vadd.f32 v21, v16;
	v7 =	vld [tilespmem:s24+$0x14F70]  }
0x19f: {  	v8 =	vadd.f32 v22, v14;
	v9 =	vadd.f32 v27, v12;
	v10 =	vld [tilespmem:s24+$0x14FE0]  }
0x1a0: {  	v4 =	vadd.f32 v18, v4;
	v6 =	vadd.f32 v19, v6;
	v11 =	vld [tilespmem:s24+$0x14FF0]  }
0x1a1: {  	v8 =	vadd.f32 v23, v8;
	v9 =	vadd.f32 v24, v9;
	v12 =	vld [tilespmem:s24+$0x15060]  }
0x1a2: {  	v13 =	vadd.f32 v15, v4;
	v6 =	vadd.f32 v17, v6;
	v15 =	vld [tilespmem:s24+$0x15070];
	s24 =	sshra.s32 s25, $0x2  }
0x1a3: {  	v8 =	vadd.f32 v5, v8;
	v4 =	vld [tilespmem:s24+$0x15000];
	v7 =	vadd.f32 v7, v9  }
0x1a4: {  	v3 =	vadd.f32 v3, v13;
	v2 =	vadd.f32 v2, v6;
	v5 =	vld [tilespmem:s24+$0x15010]  }
0x1a5: {  	v9 =	vadd.f32 v10, v8;
	v6 =	vld [tilespmem:s24+$0x15020];
	v10 =	vadd.f32 v11, v7  }
0x1a6: {  	v8 =	vadd.f32 v0, v3;
	v16 =	vadd.f32 v1, v2;
	v7 =	vld [tilespmem:s24+$0x15030]  }
0x1a7: {  	v14 =	vadd.f32 v12, v9;
	v0 =	vld [tilespmem:s24+$0x15040];
	v12 =	vadd.f32 v15, v10  }
0x1a8: {  	v1 =	vld [tilespmem:s24+$0x15050]  }
0x1a9: {  	v10 =	vld [tilespmem:s24+$0x14F80]  }
0x1aa: {  	v13 =	vld [tilespmem:s24+$0x14F90]  }
0x1ab: {  	v9 =	vld [tilespmem:s24+$0x14FA0]  }
0x1ac: {  	v11 =	vld [tilespmem:s24+$0x14FB0]  }
0x1ad: {  	v3 =	vld [tilespmem:s24+$0x14FC0]  }
0x1ae: {  	v2 =	vld [tilespmem:s24+$0x14FD0]  }
0x1af: {  	v22 =	vld [tilespmem:s24+$0x14F00]  }
0x1b0: {  	v24 =	vld [tilespmem:s24+$0x14F10]  }
0x1b1: {  	v27 =	vld [tilespmem:s24+$0x14F20]  }
0x1b2: {  	v30 =	vld [tilespmem:s24+$0x14F30]  }
0x1b3: {  	v19 =	vld [tilespmem:s24+$0x14E80]  }
0x1b4: {  	v20 =	vld [tilespmem:s24+$0x14E90]  }
0x1b5: {  	v17 =	vld [tilespmem:s24+$0x14E00]  }
0x1b6: {  	v18 =	vld [tilespmem:s24+$0x14E10]  }
0x1b7: {  	v21 =	vld [tilespmem:s24+$0x14E20]  }
0x1b8: {  	v23 =	vld [tilespmem:s24+$0x14E30]  }
0x1b9: {  	v31 =	vld [tilespmem:s24+$0x14EA0]  }
0x1ba: {  	v32 =	vld [tilespmem:s24+$0x14EB0]  }
0x1bb: {  	v15 =	vld [tilespmem:s24+$0x14F40]  }
0x1bc: {  	v25 =	vadd.f32 v17, v25;
	v26 =	vadd.f32 v18, v26;
	v17 =	vld [tilespmem:s24+$0x14F50]  }
.Ltmp3:
0x1bd: {  	v21 =	vadd.f32 v21, v28;
	v23 =	vadd.f32 v23, v29;
	v18 =	vld [tilespmem:s24+$0x14EC0];
	(pc) =	sbr.rel @p0 .LBB2_9-.Ltmp3, $4  }
0x1be: {  	v25 =	vadd.f32 v19, v25;
	v26 =	vadd.f32 v20, v26;
	v19 =	vld [tilespmem:s24+$0x14ED0]  }
0x1bf: {  	v28 =	vadd.f32 v31, v21;
	v20 =	vld [tilespmem:s24+$0x14E40];
	v29 =	vadd.f32 v32, v23  }
0x1c0: {  	v23 =	vadd.f32 v22, v25;
	v24 =	vadd.f32 v24, v26;
	v21 =	vld [tilespmem:s24+$0x14E50]  }
0x1c1: {  	s25 =	sadd.s32 $0xA00, s25;
	v25 =	vadd.f32 v27, v28;
	v22 =	vld [tilespmem:s24+$0x14E60];
	v26 =	vadd.f32 v30, v29  }
0x1c2: {  	v10 =	vadd.f32 v10, v23;
	v13 =	vadd.f32 v13, v24  }
0x1c3: {  	v27 =	vld [tilespmem:s24+$0x14E70];
	v9 =	vadd.f32 v9, v25;
	v11 =	vadd.f32 v11, v26  }
0x1c4: {  	v49 =	vld [tilespmem:s24+$0x14EE0];
	v4 =	vadd.f32 v4, v10;
	v5 =	vadd.f32 v5, v13  }
0x1c5: {  	v50 =	vld [tilespmem:s24+$0x14EF0];
	v8 =	vadd.f32 v20, v8;
	v6 =	vadd.f32 v6, v9  }
0x1c6: {  	v51 =	vld [tilespmem:s24+$0x14F60];
	v7 =	vadd.f32 v7, v11;
	v52 =	vadd.f32 v21, v16  }
0x1c7: {  	v53 =	vld [tilespmem:s24+$0x14F70];
	v54 =	vadd.f32 v22, v14;
	v8 =	vadd.f32 v18, v8  }
0x1c8: {  	v55 =	vld [tilespmem:s24+$0x14FE0];
	v12 =	vadd.f32 v27, v12;
	v9 =	vadd.f32 v19, v52  }
0x1c9: {  	v56 =	vld [tilespmem:s24+$0x14FF0];
	v13 =	vadd.f32 v49, v54;
	v8 =	vadd.f32 v15, v8  }
0x1ca: {  	v57 =	vld [tilespmem:s24+$0x15060];
	v12 =	vadd.f32 v50, v12;
	v9 =	vadd.f32 v17, v9  }
0x1cb: {  	v58 =	vld [tilespmem:s24+$0x15070];
	[tilespmem:$0x16A80] =	vst v4;
	v10 =	vadd.f32 v51, v13;
	v3 =	vadd.f32 v3, v8  }
0x1cc: {  	[tilespmem:$0x16A90] =	vst v5;
	v59 =	vadd.f32 v53, v12;
	v2 =	vadd.f32 v2, v9  }
0x1cd: {  	s21 =	sadd.s32 $0x1, s21;
	[tilespmem:$0x16AA0] =	vst v6;
	v60 =	vadd.f32 v55, v10;
	v0 =	vadd.f32 v0, v3  }
0x1ce: {  	p0 =	sne.s32 s21, $0x100;
	[tilespmem:$0x16AB0] =	vst v7;
	v61 =	vadd.f32 v56, v59;
	v1 =	vadd.f32 v1, v2  }
.Ltmp4:
0x1cf: {  	v62 =	vadd.f32 v57, v60;
	[tilespmem:$0x16AC0] =	vst v0;
	(pc) =	sbr.rel @p0 .LBB2_2-.Ltmp4, $4  }
0x1d0: {  	s22 =	sshll.u32 s22, $0x5;
	v63 =	vadd.f32 v58, v61;
	[tilespmem:$0x16AD0] =	vst v1  }
0x1d1: {  	s23 =	sadd.s32 s4, s23;
	s22 =	sand.u32 $0x60, s22;
	[tilespmem:$0x16AE0] =	vst v62  }
0x1d2: {  	s22 =	sadd.s32 s22, s23;
	[tilespmem:$0x16AF0] =	vst v63  }
0x1d3: {  	[hbm4b:s22+s2] =	stream.linear.scatter [tilespmem:s17], [sflag:$0x4], $0x100, $0x38;
	[tilespmem:$0x16B00] =	vst v63  }
0x1d4: {  	_ =	swait.ge [sflag:s14], $0x3200  }
0x1d5: {  	[sflag:s14] =	ssyncset.done $0x0  }
0x1d6: {  	s20 =	sadd.s32 $0x1, s20;
	[sflag:s14] =	ssyncadd.s32 $0xFFFFCE00  }
0x1d7: {  	p0 =	sne.s32 s20, s7;
	_ =	swait.ge [sflag:s18], $0x100  }
.Ltmp5:
0x1d8: {  	[sflag:s18] =	ssyncset.done $0x0;
	(pc) =	sbr.rel @p0 .LBB2_1-.Ltmp5, $4  }
0x1d9: {  	[sflag:s18] =	ssyncadd.s32 $0xFFFFFF00  }
0x1da: {  	_ =	swait.ge [sflag:s19], $0x100  }
0x1db: {  	[sflag:s19] =	ssyncset.done $0x0  }
0x1dc: {  	[sflag:s19] =	ssyncadd.s32 $0xFFFFFF00  }
0x1dd: {  	_ =	sfence.sel $0x180000  }
0x1de: {  	[bflag:$0x0] =	sbarrier.arrive $0xFFFF  }
0x1df: {  	p0 =	sne.s32 s1, $0x0;
	_ =	strace $0x90000047  }
0x1e0: {  	s0 =	sadd.s32 @!p0 $0x100000, s0;
	[bflag:$0x2] =	sbarrier.arrive $0xFFFF  }
0x1e1: {  	[sflag:s0] =	ssyncadd.tile.s32 @!p0 $0x1;
	_ =	shalt  }
.Lfunc_end2:
_tile_overlayer_lowered:
.L_overlay_start_2:
0x1e2: {  	(tag) =	ssettag $0x2  }
0x1e3: {  	s0 =	rddreg [dreg:$0x0];
	s2 =	stileid.u32  }
0x1e4: {  	s1 =	rddreg [dreg:$0x1];
	p0 =	sne.s32 s2, $0x0  }
0x1e5: {  	s3 =	rddreg [dreg:$0x2];
	[bflag:$0x3] =	sbarrier.arrive $0xFFFF;
	s2 =	simm.s32 @!p0 $0x1C05  }
0x1e6: {  	[timem:s3], [sflag:s2] =	dma.local @!p0 [hbm:s0], s1  }
0x1e7: {  	s0 =	simm.s32 @!p0 $0x5  }
0x1e8: {  	_ =	swait.ge @!p0 [sflag:s0], s1  }
0x1e9: {  	s1 =	ssub.s32 @!p0 $0x0, s1;
	[sflag:s0] =	ssyncset.done @!p0 $0x0  }
0x1ea: {  	[sflag:s0] =	ssyncadd.s32 @!p0 s1  }
0x1eb: {  	[bflag:$0x3] =	sbarrier.arrive $0xFFFF  }
0x1ec: {  	_ =	shalt  }

</sc_bundles>
